<compile_context>
chip_gen: v7x
topology: tpu7x:2x2x1
jax: 0.10.2.dev20260603
libtpu: 0.0.44.dev20260713+nightly
codegen_flags: <defaults>
</compile_context>

<pallas_src>
import functools

import jax
import jax.numpy as jnp
from jax import lax
from jax.experimental import pallas as pl
from jax.experimental.pallas import tpu as pltpu
from jax.experimental.pallas import tpu_sc as plsc

B, L, D = 4096, 50, 32
N_ITEMS_PAD, N_TIME_PAD, N_RAT_PAD = 100096, 1024, 64
G = 8
DP = G * D
NW = 32
UPW = B // NW
BG = B // G
SBU = 64
NB = BG // SBU
EPS = 1e-5


def _pretransform_body(i2e, t2e, r2e, bd_i, bd_t, bd_r, bias_p,
                       o_i, o_t, o_r):
    f32 = jnp.float32
    bf16 = jnp.bfloat16
    vi = jnp.dot(i2e[...], bd_i[...], preferred_element_type=f32).astype(bf16)
    o_i[...] = jnp.concatenate([vi, jnp.zeros((24, 128), bf16)], axis=0)
    o_t[...] = jnp.dot(t2e[...], bd_t[...], preferred_element_type=f32).astype(bf16)
    o_r[...] = (jnp.dot(r2e[...], bd_r[...], preferred_element_type=f32)
                + bias_p[...]).astype(bf16)


def _pretransform(i2e_p, t2e_p, r2e_p, bd_i, bd_t, bd_r, bias_p):
    return pl.pallas_call(
        _pretransform_body,
        out_shape=[
            jax.ShapeDtypeStruct((N_ITEMS_PAD * D // 128, 128), jnp.bfloat16),
            jax.ShapeDtypeStruct(t2e_p.shape, jnp.bfloat16),
            jax.ShapeDtypeStruct(r2e_p.shape, jnp.bfloat16),
        ],
    )(i2e_p, t2e_p, r2e_p, bd_i, bd_t, bd_r, bias_p)


def _sc_gather_body(item_slab, rat_slab, time_slab, uidx_slab,
                    i2e_t, t2e_t, r2e_t, u2e,
                    x1_out, u_out,
                    ix0_i, ix0_t, ix0_r, ix1_i, ix1_t, ix1_r, uidx_v,
                    s_item, s_time, s_rat,
                    ri0, rt0, rr0, ra0, ri1, rt1, rr1, ra1, u_rows,
                    sem_g0, sem_g1, sem_w0, sem_w1, sem_i0, sem_i1):
    wid = lax.axis_index("s") * 2 + lax.axis_index("c")
    b0 = wid * UPW

    @pl.when(lax.axis_index("s") == 0)
    def _stage():
        pltpu.sync_copy(i2e_t, s_item)
        pltpu.sync_copy(t2e_t, s_time)
        pltpu.sync_copy(r2e_t, s_rat)

    pltpu.sync_copy(uidx_slab.at[wid], uidx_v)
    pltpu.async_copy(u2e.at[uidx_v], u_rows, sem_g0).wait()
    pltpu.sync_copy(u_rows, u_out.at[pl.ds(b0, UPW)])

    plsc.subcore_barrier()

    def idx_fetch(l, ix_i, ix_t, ix_r, sem_i):
        pltpu.async_copy(item_slab.at[wid * L + l], ix_i, sem_i)
        pltpu.async_copy(time_slab.at[wid * L + l], ix_t, sem_i)
        pltpu.async_copy(rat_slab.at[wid * L + l], ix_r, sem_i)

    def drain_idx(ix_i, sem_i):
        for _ in range(3):
            pltpu.make_async_copy(item_slab.at[0], ix_i, sem_i).wait()

    def issue(l, ix_i, ix_t, ix_r, ri, rt, rr, sem_g, sem_i):
        drain_idx(ix_i, sem_i)
        pltpu.async_copy(s_item.at[ix_i], ri, sem_g)
        pltpu.async_copy(s_time.at[ix_t], rt, sem_g)
        pltpu.async_copy(s_rat.at[ix_r], rr, sem_g)

    def drain(dst_ref, sem, n=1):
        for _ in range(n):
            pltpu.make_async_copy(x1_out.at[0, pl.ds(wid * 32, 32)], dst_ref, sem).wait()

    def drain_w(src_ref, sem):
        pltpu.make_async_copy(src_ref, x1_out.at[0, pl.ds(wid * 32, 32)], sem).wait()

    def process(l, ix_i, ix_t, ix_r, ri, rt, rr, ra, sem_g, sem_w, sem_i):
        drain(ri, sem_g, 3)

        @pl.when(l + 2 < L)
        def _():
            idx_fetch(l + 2, ix_i, ix_t, ix_r, sem_i)

        def _add(r, c2):
            ra[r // 4, pl.ds((r % 4) * D, D)] = ri[r, :] + rt[r, :] + rr[r, :]
            return c2

        lax.fori_loop(0, UPW, _add, 0, unroll=8)

        pltpu.async_copy(ra, x1_out.at[l, pl.ds(wid * 32, 32)], sem_w)

    buf0 = (ix0_i, ix0_t, ix0_r, ri0, rt0, rr0)
    buf1 = (ix1_i, ix1_t, ix1_r, ri1, rt1, rr1)
    idx_fetch(0, ix0_i, ix0_t, ix0_r, sem_i0)
    idx_fetch(1, ix1_i, ix1_t, ix1_r, sem_i1)
    issue(0, *buf0, sem_g0, sem_i0)

    def outer(g, c):
        l0 = 2 * g

        @pl.when(g > 0)
        def _():
            drain_w(ra1, sem_w1)

        issue(l0 + 1, *buf1, sem_g1, sem_i1)
        process(l0, *buf0, ra0, sem_g0, sem_w0, sem_i0)
        drain_w(ra0, sem_w0)

        @pl.when(l0 + 2 < L)
        def _():
            issue(l0 + 2, *buf0, sem_g0, sem_i0)

        process(l0 + 1, *buf1, ra1, sem_g1, sem_w1, sem_i1)
        return c

    lax.fori_loop(0, L // 2, outer, 0)
    drain_w(ra1, sem_w1)


def _sc_gather(item_slab, rat_slab, time_slab, uidx_slab, i2e_t, t2e_t, r2e_t, u2e):
    mesh = plsc.VectorSubcoreMesh(core_axis_name="c", subcore_axis_name="s")
    f = pl.kernel(
        _sc_gather_body,
        out_type=[
            jax.ShapeDtypeStruct((L, B * D // 128, 128), jnp.bfloat16),
            jax.ShapeDtypeStruct((B, D), jnp.float32),
        ],
        mesh=mesh,
        scratch_types=[
            pltpu.VMEM((UPW,), jnp.int32),
            pltpu.VMEM((UPW,), jnp.int32),
            pltpu.VMEM((UPW,), jnp.int32),
            pltpu.VMEM((UPW,), jnp.int32),
            pltpu.VMEM((UPW,), jnp.int32),
            pltpu.VMEM((UPW,), jnp.int32),
            pltpu.VMEM((UPW,), jnp.int32),
            pltpu.VMEM_SHARED((N_ITEMS_PAD, D), jnp.bfloat16),
            pltpu.VMEM_SHARED((N_TIME_PAD, D), jnp.bfloat16),
            pltpu.VMEM_SHARED((N_RAT_PAD, D), jnp.bfloat16),
            pltpu.VMEM((UPW, D), jnp.bfloat16),
            pltpu.VMEM((UPW, D), jnp.bfloat16),
            pltpu.VMEM((UPW, D), jnp.bfloat16),
            pltpu.VMEM((UPW * D // 128, 128), jnp.bfloat16),
            pltpu.VMEM((UPW, D), jnp.bfloat16),
            pltpu.VMEM((UPW, D), jnp.bfloat16),
            pltpu.VMEM((UPW, D), jnp.bfloat16),
            pltpu.VMEM((UPW * D // 128, 128), jnp.bfloat16),
            pltpu.VMEM((UPW, D), jnp.float32),
            pltpu.SemaphoreType.DMA,
            pltpu.SemaphoreType.DMA,
            pltpu.SemaphoreType.DMA,
            pltpu.SemaphoreType.DMA,
            pltpu.SemaphoreType.DMA,
            pltpu.SemaphoreType.DMA,
        ],
        compiler_params=pltpu.CompilerParams(use_tc_tiling_on_sc=False),
    )
    return f(item_slab, rat_slab, time_slab, uidx_slab, i2e_t, t2e_t, r2e_t, u2e)


def _main_body(x1, up, bd_e1, be1, bd_a1x, bd_a1u, ba1, bd_a2, ba2,
               e3, r8, bd_lu, bd_la, blin, e1, w1b, g1, b1,
               e2, w2b, k1, k1t, g2, b2, e4, k2, k2t, w3b,
               out, h1s):
    i = pl.program_id(0)
    f32 = jnp.float32

    def mm(a, b):
        return jnp.dot(a, b, preferred_element_type=f32)

    xf = jnp.maximum(x1[...].reshape(L * SBU, DP).astype(f32), 0.0)
    u = up[...].reshape(SBU, DP)
    x2 = jnp.maximum(mm(xf, bd_e1[...]) + be1[...], 0.0)
    uc = mm(u, bd_a1u[...]) + ba1[...]
    a1 = mm(x2, bd_a1x[...]).reshape(L, SBU, DP) + uc[None]
    a1 = jnp.maximum(a1, 0.0).reshape(L * SBU, DP)
    a2 = jnp.maximum(mm(a1, bd_a2[...]) + ba2[...], 0.0)
    s = mm(a2, e3[...]).reshape(L, SBU, G)
    smax = jnp.max(s, axis=0, keepdims=True)
    e = jnp.exp(s - smax)
    att = e / jnp.sum(e, axis=0, keepdims=True)
    attx = mm(att.reshape(L * SBU, G), r8[...]).reshape(L, SBU, DP)
    all_emb = jnp.sum(attx * x2.reshape(L, SBU, DP), axis=0)
    comb = jnp.maximum(mm(all_emb, bd_la[...]) + mm(u, bd_lu[...]) + blin[...], 0.0)
    h1s[pl.ds(i * SBU, SBU), :] = mm(comb, e1[...]) + w1b[...]

    @pl.when(i == NB - 1)
    def _tail():
        hp = h1s[...]
        s1 = jnp.sum(hp, axis=0, keepdims=True)
        m8 = mm(s1, k1[...]) * (1.0 / B)
        mp = mm(m8, k1t[...])
        d = hp - mp
        v8 = mm(jnp.sum(d * d, axis=0, keepdims=True), k1[...]) * (1.0 / B)
        vp = mm(v8, k1t[...])
        h1 = jnp.maximum(d * lax.rsqrt(vp + EPS) * g1[...] + b1[...], 0.0)
        z2 = mm(h1, e2[...]) + w2b[...]
        s2 = jnp.sum(z2, axis=0, keepdims=True)
        m4 = mm(s2, k2[...]) * (1.0 / B)
        mp2 = mm(m4, k2t[...])
        d2 = z2 - mp2
        v4 = mm(jnp.sum(d2 * d2, axis=0, keepdims=True), k2[...]) * (1.0 / B)
        vp2 = mm(v4, k2t[...])
        h2 = jnp.maximum(d2 * lax.rsqrt(vp2 + EPS) * g2[...] + b2[...], 0.0)
        out[...] = mm(h2, e4[...]) + w3b[...]


def _main(x1_p, u_p, weights):
    full = lambda shape: pl.BlockSpec(shape, lambda i: tuple(0 for _ in shape))
    in_specs = [
        pl.BlockSpec((L, SBU * 2, 128), lambda i: (0, i, 0)),
        pl.BlockSpec((SBU * 2, 128), lambda i: (i, 0)),
    ] + [full(w.shape) for w in weights]
    return pl.pallas_call(
        _main_body,
        grid=(NB,),
        in_specs=in_specs,
        out_specs=pl.BlockSpec((BG, G), lambda i: (0, 0)),
        out_shape=jax.ShapeDtypeStruct((BG, G), jnp.float32),
        scratch_shapes=[pltpu.VMEM((BG, G * 8), jnp.float32)],
    )(x1_p, u_p, *weights)


def kernel(user_idx, item_neigh, rat_neigh, time_neigh, u2e_w, i2e_w, r2e_w, t2e_w,
           neigh_e_W, neigh_e_b, neigh_e1_W, neigh_e1_b,
           att_W1, att_b1, att_W2, att_b2, att_W3, att_b3,
           linear_W, linear_b, w1_W, w1_b, bn1_g, bn1_b,
           w2_W, w2_b, bn2_g, bn2_b, w3_W, w3_b):
    f32 = jnp.float32
    eye8 = jnp.eye(G, dtype=f32)
    kron = jnp.kron

    eye4 = jnp.eye(4, dtype=f32)
    i2e_p = i2e_w.astype(f32).reshape(-1, 128)
    t2e_p = jnp.pad(t2e_w.astype(f32), ((0, N_TIME_PAD - t2e_w.shape[0]), (0, 0))).reshape(-1, 128)
    r2e_p = jnp.pad(r2e_w.astype(f32), ((0, N_RAT_PAD - r2e_w.shape[0]), (0, 0))).reshape(-1, 128)
    bd_i = kron(eye4, neigh_e_W[:, 0 * D:1 * D].T.astype(f32))
    bd_r = kron(eye4, neigh_e_W[:, 1 * D:2 * D].T.astype(f32))
    bd_t = kron(eye4, neigh_e_W[:, 2 * D:3 * D].T.astype(f32))
    bias_p = jnp.tile(neigh_e_b.astype(f32), 4).reshape(1, 128)
    i2e_t, t2e_t, r2e_t = _pretransform(i2e_p, t2e_p, r2e_p, bd_i, bd_t, bd_r, bias_p)
    i2e_t = i2e_t.reshape(-1, D)
    t2e_t = t2e_t.reshape(-1, D)
    r2e_t = r2e_t.reshape(-1, D)

    def slab(idx):
        return (idx.astype(jnp.int32).T.reshape(L, NW, UPW)
                .transpose(1, 0, 2).reshape(NW * L, UPW))

    x1, u = _sc_gather(slab(item_neigh), slab(rat_neigh), slab(time_neigh),
                       user_idx.astype(jnp.int32).reshape(NW, UPW),
                       i2e_t, t2e_t, r2e_t, u2e_w.astype(f32))

    x1_p = x1
    u_p = u.reshape(B * D // 128, 128)
    tile = lambda v, n: jnp.tile(v.astype(f32), n).reshape(1, -1)
    weights = [
        kron(eye8, neigh_e1_W.T.astype(f32)), tile(neigh_e1_b, G),
        kron(eye8, att_W1[:, D:].T.astype(f32)),
        kron(eye8, att_W1[:, :D].T.astype(f32)), tile(att_b1, G),
        kron(eye8, att_W2.T.astype(f32)), tile(att_b2, G),
        kron(eye8, att_W3.T.astype(f32)),
        kron(eye8, jnp.ones((1, D), f32)),
        kron(eye8, linear_W[:, :D].T.astype(f32)),
        kron(eye8, linear_W[:, D:].T.astype(f32)), tile(linear_b, G),
        kron(eye8, w1_W.T.astype(f32)), tile(w1_b, G),
        tile(bn1_g, G), tile(bn1_b, G),
        kron(eye8, w2_W.T.astype(f32)), tile(w2_b, G),
        kron(jnp.ones((G, 1), f32), jnp.eye(8, dtype=f32)),
        kron(jnp.ones((1, G), f32), jnp.eye(8, dtype=f32)),
        tile(bn2_g, G), tile(bn2_b, G),
        kron(eye8, w3_W.T.astype(f32)),
        kron(jnp.ones((G, 1), f32), jnp.eye(4, dtype=f32)),
        kron(jnp.ones((1, G), f32), jnp.eye(4, dtype=f32)),
        w3_b.astype(f32).reshape(1, 1),
    ]
    out = _main(x1_p, u_p, weights)
    return out.reshape(B)

# --- scband reference (transcript-rebuilt; emitter-appended) ---
"""Pipeline reference for scband-graph-dec-53506702573665 (READ-ONLY COPY).

The authoritative reference and input builder live on the scoring server;
editing this copy changes nothing except your own understanding.
"""

import jax, jax.numpy as jnp
import numpy as np

B, L, D = 4096, 50, 32
N_USERS, N_ITEMS, N_RAT, N_TIME = 100000, 100000, 5, 1000


def _lin(x, W, b):
    return x @ W.T + b


def _bn(x, g, b, eps=1e-5):
    m = jnp.mean(x, axis=0)
    v = jnp.var(x, axis=0)
    return (x - m) / jnp.sqrt(v + eps) * g + b


def setup_inputs(seed: int = 0) -> dict:
    key = jax.random.key(seed)
    ks = jax.random.split(key, 32)
    s = 0.05
    inp = {}
    inp['user_idx'] = jax.random.randint(ks[0], (B,), 0, N_USERS)
    inp['item_neigh'] = jax.random.randint(ks[1], (B, L), 0, N_ITEMS)
    inp['rat_neigh'] = jax.random.randint(ks[2], (B, L), 0, N_RAT)
    inp['time_neigh'] = jax.random.randint(ks[3], (B, L), 0, N_TIME)
    inp['u2e_w'] = jax.random.normal(ks[4], (N_USERS, D)) * s
    inp['i2e_w'] = jax.random.normal(ks[5], (N_ITEMS, D)) * s
    inp['r2e_w'] = jax.random.normal(ks[6], (N_RAT, D)) * s
    inp['t2e_w'] = jax.random.normal(ks[7], (N_TIME, D)) * s
    inp['neigh_e_W'] = jax.random.normal(ks[8], (D, 3 * D)) * s
    inp['neigh_e_b'] = jnp.zeros((D,))
    inp['neigh_e1_W'] = jax.random.normal(ks[9], (D, D)) * s
    inp['neigh_e1_b'] = jnp.zeros((D,))
    inp['att_W1'] = jax.random.normal(ks[10], (D, 2 * D)) * s
    inp['att_b1'] = jnp.zeros((D,))
    inp['att_W2'] = jax.random.normal(ks[11], (D, D)) * s
    inp['att_b2'] = jnp.zeros((D,))
    inp['att_W3'] = jax.random.normal(ks[12], (1, D)) * s
    inp['att_b3'] = jnp.zeros((1,))
    inp['linear_W'] = jax.random.normal(ks[13], (D, 2 * D)) * s
    inp['linear_b'] = jnp.zeros((D,))
    inp['w1_W'] = jax.random.normal(ks[14], (D // 4, D)) * s
    inp['w1_b'] = jnp.zeros((D // 4,))
    inp['bn1_g'] = jnp.ones((D // 4,))
    inp['bn1_b'] = jnp.zeros((D // 4,))
    inp['w2_W'] = jax.random.normal(ks[15], (D // 8, D // 4)) * s
    inp['w2_b'] = jnp.zeros((D // 8,))
    inp['bn2_g'] = jnp.ones((D // 8,))
    inp['bn2_b'] = jnp.zeros((D // 8,))
    inp['w3_W'] = jax.random.normal(ks[16], (1, D // 8)) * s
    inp['w3_b'] = jnp.zeros((1,))
    return inp


def reference(user_idx, item_neigh, rat_neigh, time_neigh, u2e_w, i2e_w, r2e_w, t2e_w,
              neigh_e_W, neigh_e_b, neigh_e1_W, neigh_e1_b,
              att_W1, att_b1, att_W2, att_b2, att_W3, att_b3,
              linear_W, linear_b, w1_W, w1_b, bn1_g, bn1_b,
              w2_W, w2_b, bn2_g, bn2_b, w3_W, w3_b):
    # gather neighbor embeddings (SparseCore gather)
    item_e = jnp.take(i2e_w, item_neigh, axis=0)   # [B,L,D]
    rat_e = jnp.take(r2e_w, rat_neigh, axis=0)     # [B,L,D]
    time_e = jnp.take(t2e_w, time_neigh, axis=0)   # [B,L,D]
    u = jnp.take(u2e_w, user_idx, axis=0)          # [B,D]
    x = jnp.concatenate([item_e, rat_e, time_e], axis=-1)  # [B,L,3D]
    x = jax.nn.relu(_lin(x, neigh_e_W, neigh_e_b))
    x = jax.nn.relu(_lin(x, neigh_e1_W, neigh_e1_b))       # [B,L,D]
    # NewAttention(UserEmb, x): per-neighbor attention weights, softmax over L
    ub = jnp.broadcast_to(u[:, None, :], x.shape)
    a = jax.nn.relu(_lin(jnp.concatenate([ub, x], axis=-1), att_W1, att_b1))
    a = jax.nn.relu(_lin(a, att_W2, att_b2))
    a = _lin(a, att_W3, att_b3)                    # [B,L,1]
    att = jax.nn.softmax(a, axis=1)
    all_emb = jnp.sum(att * x, axis=1)             # [B,D] == (x^T att)^T per user
    combined = jax.nn.relu(_lin(jnp.concatenate([u, all_emb], axis=-1), linear_W, linear_b))
    h = jax.nn.relu(_bn(_lin(combined, w1_W, w1_b), bn1_g, bn1_b))
    h = jax.nn.relu(_bn(_lin(h, w2_W, w2_b), bn2_g, bn2_b))
    scores = _lin(h, w3_W, w3_b)                   # [B,1]
    return jnp.squeeze(scores, axis=-1).astype(jnp.float32)

if __name__ == "__main__":
    import jax
    _d = setup_inputs()
    print(jax.jit(kernel)(*tuple(_d.values())))

</pallas_src>

<mosaic_0001>
#map = affine_map<(d0, d1) -> (0, 0)>
#map1 = affine_map<(d0, d1) -> (0, 0, 0)>
module attributes {stable_mosaic.version = 14 : i64} {
  func.func @_sc_gather_body(%arg0: i32, %arg1: i32, %arg2: memref<1600x128xi32, #tpu.memory_space<hbm>>, %arg3: memref<1600x128xi32, #tpu.memory_space<hbm>>, %arg4: memref<1600x128xi32, #tpu.memory_space<hbm>>, %arg5: memref<32x128xi32, #tpu.memory_space<hbm>>, %arg6: memref<100096x32xbf16, #tpu.memory_space<hbm>>, %arg7: memref<1024x32xbf16, #tpu.memory_space<hbm>>, %arg8: memref<64x32xbf16, #tpu.memory_space<hbm>>, %arg9: memref<100000x32xf32, #tpu.memory_space<hbm>>, %arg10: memref<50x1024x128xbf16, #tpu.memory_space<hbm>>, %arg11: memref<4096x32xf32, #tpu.memory_space<hbm>>, %arg12: memref<128xi32, #tpu.memory_space<vmem>>, %arg13: memref<128xi32, #tpu.memory_space<vmem>>, %arg14: memref<128xi32, #tpu.memory_space<vmem>>, %arg15: memref<128xi32, #tpu.memory_space<vmem>>, %arg16: memref<128xi32, #tpu.memory_space<vmem>>, %arg17: memref<128xi32, #tpu.memory_space<vmem>>, %arg18: memref<128xi32, #tpu.memory_space<vmem>>, %arg19: memref<100096x32xbf16, #tpu.memory_space<vmem_shared>>, %arg20: memref<1024x32xbf16, #tpu.memory_space<vmem_shared>>, %arg21: memref<64x32xbf16, #tpu.memory_space<vmem_shared>>, %arg22: memref<128x32xbf16, #tpu.memory_space<vmem>>, %arg23: memref<128x32xbf16, #tpu.memory_space<vmem>>, %arg24: memref<128x32xbf16, #tpu.memory_space<vmem>>, %arg25: memref<32x128xbf16, #tpu.memory_space<vmem>>, %arg26: memref<128x32xbf16, #tpu.memory_space<vmem>>, %arg27: memref<128x32xbf16, #tpu.memory_space<vmem>>, %arg28: memref<128x32xbf16, #tpu.memory_space<vmem>>, %arg29: memref<32x128xbf16, #tpu.memory_space<vmem>>, %arg30: memref<128x32xf32, #tpu.memory_space<vmem>>, %arg31: memref<!tpu.dma_semaphore, #tpu.memory_space<semaphore_mem>>, %arg32: memref<!tpu.dma_semaphore, #tpu.memory_space<semaphore_mem>>, %arg33: memref<!tpu.dma_semaphore, #tpu.memory_space<semaphore_mem>>, %arg34: memref<!tpu.dma_semaphore, #tpu.memory_space<semaphore_mem>>, %arg35: memref<!tpu.dma_semaphore, #tpu.memory_space<semaphore_mem>>, %arg36: memref<!tpu.dma_semaphore, #tpu.memory_space<semaphore_mem>>) attributes {dimension_semantics = [#tpu.dimension_semantics<core_parallel>, #tpu.dimension_semantics<subcore_parallel>], iteration_bounds = array<i64: 2, 16>, scalar_prefetch = 0 : i64, scratch_operands = 25 : i64, tpu.core_type = #tpu.core_type<sc_vector_subcore>, window_params = [{transform_indices = #map}, {transform_indices = #map}, {transform_indices = #map}, {transform_indices = #map}, {transform_indices = #map}, {transform_indices = #map}, {transform_indices = #map}, {transform_indices = #map}, {transform_indices = #map1}, {transform_indices = #map}]} {
    %mul3A = arith.constant 2 : i32
    %mul3A_0 = arith.muli %arg1, %mul3A : i32
    %add3A = arith.addi %mul3A_0, %arg0 : i32
    %mul3A_1 = arith.constant 128 : i32
    %mul3A_2 = arith.muli %add3A, %mul3A_1 : i32
    %eq3A = arith.constant 0 : i32
    %eq3A_3 = arith.cmpi eq, %arg1, %eq3A : i32
    %convert_element_type3A = arith.extui %eq3A_3 : i1 to i32
    %cond3A = arith.constant 0 : i32
    %cond3A_4 = arith.cmpi ne, %convert_element_type3A, %cond3A : i32
    scf.if %cond3A_4 {
      "tpu.region"() ({
        %run_scoped3A = tpu.sem_alloc : memref<!tpu.dma_semaphore, #tpu.memory_space<semaphore_mem>>
        tpu.enqueue_dma source(%arg6 : memref<100096x32xbf16, #tpu.memory_space<hbm>>) target(%arg19 : memref<100096x32xbf16, #tpu.memory_space<vmem_shared>>) target_semaphore(%run_scoped3A : memref<!tpu.dma_semaphore, #tpu.memory_space<semaphore_mem>>)
        tpu.wait_dma2 semaphore(%run_scoped3A : memref<!tpu.dma_semaphore, #tpu.memory_space<semaphore_mem>>) src(%arg6 : memref<100096x32xbf16, #tpu.memory_space<hbm>>) dst(%arg19 : memref<100096x32xbf16, #tpu.memory_space<vmem_shared>>)
        tpu.yield
      }) : () -> ()
      "tpu.region"() ({
        %run_scoped3A = tpu.sem_alloc : memref<!tpu.dma_semaphore, #tpu.memory_space<semaphore_mem>>
        tpu.enqueue_dma source(%arg7 : memref<1024x32xbf16, #tpu.memory_space<hbm>>) target(%arg20 : memref<1024x32xbf16, #tpu.memory_space<vmem_shared>>) target_semaphore(%run_scoped3A : memref<!tpu.dma_semaphore, #tpu.memory_space<semaphore_mem>>)
        tpu.wait_dma2 semaphore(%run_scoped3A : memref<!tpu.dma_semaphore, #tpu.memory_space<semaphore_mem>>) src(%arg7 : memref<1024x32xbf16, #tpu.memory_space<hbm>>) dst(%arg20 : memref<1024x32xbf16, #tpu.memory_space<vmem_shared>>)
        tpu.yield
      }) : () -> ()
      "tpu.region"() ({
        %run_scoped3A = tpu.sem_alloc : memref<!tpu.dma_semaphore, #tpu.memory_space<semaphore_mem>>
        tpu.enqueue_dma source(%arg8 : memref<64x32xbf16, #tpu.memory_space<hbm>>) target(%arg21 : memref<64x32xbf16, #tpu.memory_space<vmem_shared>>) target_semaphore(%run_scoped3A : memref<!tpu.dma_semaphore, #tpu.memory_space<semaphore_mem>>)
        tpu.wait_dma2 semaphore(%run_scoped3A : memref<!tpu.dma_semaphore, #tpu.memory_space<semaphore_mem>>) src(%arg8 : memref<64x32xbf16, #tpu.memory_space<hbm>>) dst(%arg21 : memref<64x32xbf16, #tpu.memory_space<vmem_shared>>)
        tpu.yield
      }) : () -> ()
    } else {
    }
    "tpu.region"() ({
      %run_scoped3A = tpu.sem_alloc : memref<!tpu.dma_semaphore, #tpu.memory_space<semaphore_mem>>
      %dma_start3A_113 = arith.constant 0 : i32
      %dma_start3A_114 = tpu.memref_slice %arg5[%add3A, %dma_start3A_113] : memref<32x128xi32, #tpu.memory_space<hbm>> -> memref<1x128xi32, #tpu.memory_space<hbm>>
      %dma_start3A_115 = tpu.memref_squeeze %dma_start3A_114 : memref<1x128xi32, #tpu.memory_space<hbm>> -> memref<128xi32, #tpu.memory_space<hbm>>
      %dma_start3A_116 = arith.constant 0 : i32
      %dma_start3A_117 = tpu.memref_slice %arg5[%add3A, %dma_start3A_116] : memref<32x128xi32, #tpu.memory_space<hbm>> -> memref<1x128xi32, #tpu.memory_space<hbm>>
      %dma_start3A_118 = tpu.memref_squeeze %dma_start3A_117 : memref<1x128xi32, #tpu.memory_space<hbm>> -> memref<128xi32, #tpu.memory_space<hbm>>
      tpu.enqueue_dma source(%dma_start3A_118 : memref<128xi32, #tpu.memory_space<hbm>>) target(%arg18 : memref<128xi32, #tpu.memory_space<vmem>>) target_semaphore(%run_scoped3A : memref<!tpu.dma_semaphore, #tpu.memory_space<semaphore_mem>>)
      %dma_wait3A_119 = arith.constant 0 : i32
      %dma_wait3A_120 = tpu.memref_slice %arg5[%add3A, %dma_wait3A_119] : memref<32x128xi32, #tpu.memory_space<hbm>> -> memref<1x128xi32, #tpu.memory_space<hbm>>
      %dma_wait3A_121 = tpu.memref_squeeze %dma_wait3A_120 : memref<1x128xi32, #tpu.memory_space<hbm>> -> memref<128xi32, #tpu.memory_space<hbm>>
      %dma_wait3A_122 = arith.constant 0 : i32
      %dma_wait3A_123 = tpu.memref_slice %arg5[%add3A, %dma_wait3A_122] : memref<32x128xi32, #tpu.memory_space<hbm>> -> memref<1x128xi32, #tpu.memory_space<hbm>>
      %dma_wait3A_124 = tpu.memref_squeeze %dma_wait3A_123 : memref<1x128xi32, #tpu.memory_space<hbm>> -> memref<128xi32, #tpu.memory_space<hbm>>
      tpu.wait_dma2 semaphore(%run_scoped3A : memref<!tpu.dma_semaphore, #tpu.memory_space<semaphore_mem>>) src(%dma_wait3A_124 : memref<128xi32, #tpu.memory_space<hbm>>) dst(%arg18 : memref<128xi32, #tpu.memory_space<vmem>>)
      tpu.yield
    }) : () -> ()
    %dma_start3A = arith.constant 0 : i32
    %dma_start3A_5 = arith.constant 0 : i32
    %dma_start3A_6 = tpu.memref_slice %arg9[%dma_start3A, %dma_start3A_5] : memref<100000x32xf32, #tpu.memory_space<hbm>> -> memref<100000x32xf32, #tpu.memory_space<hbm>>
    tpu.enqueue_indirect_dma source(%dma_start3A_6 : memref<100000x32xf32, #tpu.memory_space<hbm>>) target(%arg30 : memref<128x32xf32, #tpu.memory_space<vmem>>) offsets(%arg18 : memref<128xi32, #tpu.memory_space<vmem>>) semaphore(%arg31 : memref<!tpu.dma_semaphore, #tpu.memory_space<semaphore_mem>>)
    %dma_wait3A = arith.constant 0 : i32
    %dma_wait3A_7 = arith.constant 0 : i32
    %dma_wait3A_8 = tpu.memref_slice %arg9[%dma_wait3A, %dma_wait3A_7] : memref<100000x32xf32, #tpu.memory_space<hbm>> -> memref<100000x32xf32, #tpu.memory_space<hbm>>
    tpu.wait_indirect_dma semaphore(%arg31 : memref<!tpu.dma_semaphore, #tpu.memory_space<semaphore_mem>>) src(%dma_wait3A_8 : memref<100000x32xf32, #tpu.memory_space<hbm>>) dst(%arg30 : memref<128x32xf32, #tpu.memory_space<vmem>>)
    "tpu.region"() ({
      %run_scoped3A = tpu.sem_alloc : memref<!tpu.dma_semaphore, #tpu.memory_space<semaphore_mem>>
      %dma_start3A_113 = arith.constant 0 : i32
      %dma_start3A_114 = tpu.memref_slice %arg11[%mul3A_2, %dma_start3A_113] : memref<4096x32xf32, #tpu.memory_space<hbm>> -> memref<128x32xf32, #tpu.memory_space<hbm>>
      %dma_start3A_115 = arith.constant 0 : i32
      %dma_start3A_116 = tpu.memref_slice %arg11[%mul3A_2, %dma_start3A_115] : memref<4096x32xf32, #tpu.memory_space<hbm>> -> memref<128x32xf32, #tpu.memory_space<hbm>>
      tpu.enqueue_dma source(%arg30 : memref<128x32xf32, #tpu.memory_space<vmem>>) target(%dma_start3A_116 : memref<128x32xf32, #tpu.memory_space<hbm>>) target_semaphore(%run_scoped3A : memref<!tpu.dma_semaphore, #tpu.memory_space<semaphore_mem>>)
      %dma_wait3A_117 = arith.constant 0 : i32
      %dma_wait3A_118 = tpu.memref_slice %arg11[%mul3A_2, %dma_wait3A_117] : memref<4096x32xf32, #tpu.memory_space<hbm>> -> memref<128x32xf32, #tpu.memory_space<hbm>>
      %dma_wait3A_119 = arith.constant 0 : i32
      %dma_wait3A_120 = tpu.memref_slice %arg11[%mul3A_2, %dma_wait3A_119] : memref<4096x32xf32, #tpu.memory_space<hbm>> -> memref<128x32xf32, #tpu.memory_space<hbm>>
      tpu.wait_dma2 semaphore(%run_scoped3A : memref<!tpu.dma_semaphore, #tpu.memory_space<semaphore_mem>>) src(%arg30 : memref<128x32xf32, #tpu.memory_space<vmem>>) dst(%dma_wait3A_120 : memref<128x32xf32, #tpu.memory_space<hbm>>)
      tpu.yield
    }) : () -> ()
    %barrier3A = arith.constant 0 : index
    tpu.barrier barrier_id(%barrier3A)
    %mul3A_9 = arith.constant 50 : i32
    %mul3A_10 = arith.muli %add3A, %mul3A_9 : i32
    %add3A_11 = arith.constant 0 : i32
    %add3A_12 = arith.addi %mul3A_10, %add3A_11 : i32
    %dma_start3A_13 = arith.constant 0 : i32
    %dma_start3A_14 = tpu.memref_slice %arg2[%add3A_12, %dma_start3A_13] : memref<1600x128xi32, #tpu.memory_space<hbm>> -> memref<1x128xi32, #tpu.memory_space<hbm>>
    %dma_start3A_15 = tpu.memref_squeeze %dma_start3A_14 : memref<1x128xi32, #tpu.memory_space<hbm>> -> memref<128xi32, #tpu.memory_space<hbm>>
    %dma_start3A_16 = arith.constant 0 : i32
    %dma_start3A_17 = tpu.memref_slice %arg2[%add3A_12, %dma_start3A_16] : memref<1600x128xi32, #tpu.memory_space<hbm>> -> memref<1x128xi32, #tpu.memory_space<hbm>>
    %dma_start3A_18 = tpu.memref_squeeze %dma_start3A_17 : memref<1x128xi32, #tpu.memory_space<hbm>> -> memref<128xi32, #tpu.memory_space<hbm>>
    tpu.enqueue_dma source(%dma_start3A_18 : memref<128xi32, #tpu.memory_space<hbm>>) target(%arg12 : memref<128xi32, #tpu.memory_space<vmem>>) target_semaphore(%arg35 : memref<!tpu.dma_semaphore, #tpu.memory_space<semaphore_mem>>)
    %mul3A_19 = arith.constant 50 : i32
    %mul3A_20 = arith.muli %add3A, %mul3A_19 : i32
    %add3A_21 = arith.constant 0 : i32
    %add3A_22 = arith.addi %mul3A_20, %add3A_21 : i32
    %dma_start3A_23 = arith.constant 0 : i32
    %dma_start3A_24 = tpu.memref_slice %arg4[%add3A_22, %dma_start3A_23] : memref<1600x128xi32, #tpu.memory_space<hbm>> -> memref<1x128xi32, #tpu.memory_space<hbm>>
    %dma_start3A_25 = tpu.memref_squeeze %dma_start3A_24 : memref<1x128xi32, #tpu.memory_space<hbm>> -> memref<128xi32, #tpu.memory_space<hbm>>
    %dma_start3A_26 = arith.constant 0 : i32
    %dma_start3A_27 = tpu.memref_slice %arg4[%add3A_22, %dma_start3A_26] : memref<1600x128xi32, #tpu.memory_space<hbm>> -> memref<1x128xi32, #tpu.memory_space<hbm>>
    %dma_start3A_28 = tpu.memref_squeeze %dma_start3A_27 : memref<1x128xi32, #tpu.memory_space<hbm>> -> memref<128xi32, #tpu.memory_space<hbm>>
    tpu.enqueue_dma source(%dma_start3A_28 : memref<128xi32, #tpu.memory_space<hbm>>) target(%arg13 : memref<128xi32, #tpu.memory_space<vmem>>) target_semaphore(%arg35 : memref<!tpu.dma_semaphore, #tpu.memory_space<semaphore_mem>>)
    %mul3A_29 = arith.constant 50 : i32
    %mul3A_30 = arith.muli %add3A, %mul3A_29 : i32
    %add3A_31 = arith.constant 0 : i32
    %add3A_32 = arith.addi %mul3A_30, %add3A_31 : i32
    %dma_start3A_33 = arith.constant 0 : i32
    %dma_start3A_34 = tpu.memref_slice %arg3[%add3A_32, %dma_start3A_33] : memref<1600x128xi32, #tpu.memory_space<hbm>> -> memref<1x128xi32, #tpu.memory_space<hbm>>
    %dma_start3A_35 = tpu.memref_squeeze %dma_start3A_34 : memref<1x128xi32, #tpu.memory_space<hbm>> -> memref<128xi32, #tpu.memory_space<hbm>>
    %dma_start3A_36 = arith.constant 0 : i32
    %dma_start3A_37 = tpu.memref_slice %arg3[%add3A_32, %dma_start3A_36] : memref<1600x128xi32, #tpu.memory_space<hbm>> -> memref<1x128xi32, #tpu.memory_space<hbm>>
    %dma_start3A_38 = tpu.memref_squeeze %dma_start3A_37 : memref<1x128xi32, #tpu.memory_space<hbm>> -> memref<128xi32, #tpu.memory_space<hbm>>
    tpu.enqueue_dma source(%dma_start3A_38 : memref<128xi32, #tpu.memory_space<hbm>>) target(%arg14 : memref<128xi32, #tpu.memory_space<vmem>>) target_semaphore(%arg35 : memref<!tpu.dma_semaphore, #tpu.memory_space<semaphore_mem>>)
    %mul3A_39 = arith.constant 50 : i32
    %mul3A_40 = arith.muli %add3A, %mul3A_39 : i32
    %add3A_41 = arith.constant 1 : i32
    %add3A_42 = arith.addi %mul3A_40, %add3A_41 : i32
    %dma_start3A_43 = arith.constant 0 : i32
    %dma_start3A_44 = tpu.memref_slice %arg2[%add3A_42, %dma_start3A_43] : memref<1600x128xi32, #tpu.memory_space<hbm>> -> memref<1x128xi32, #tpu.memory_space<hbm>>
    %dma_start3A_45 = tpu.memref_squeeze %dma_start3A_44 : memref<1x128xi32, #tpu.memory_space<hbm>> -> memref<128xi32, #tpu.memory_space<hbm>>
    %dma_start3A_46 = arith.constant 0 : i32
    %dma_start3A_47 = tpu.memref_slice %arg2[%add3A_42, %dma_start3A_46] : memref<1600x128xi32, #tpu.memory_space<hbm>> -> memref<1x128xi32, #tpu.memory_space<hbm>>
    %dma_start3A_48 = tpu.memref_squeeze %dma_start3A_47 : memref<1x128xi32, #tpu.memory_space<hbm>> -> memref<128xi32, #tpu.memory_space<hbm>>
    tpu.enqueue_dma source(%dma_start3A_48 : memref<128xi32, #tpu.memory_space<hbm>>) target(%arg15 : memref<128xi32, #tpu.memory_space<vmem>>) target_semaphore(%arg36 : memref<!tpu.dma_semaphore, #tpu.memory_space<semaphore_mem>>)
    %mul3A_49 = arith.constant 50 : i32
    %mul3A_50 = arith.muli %add3A, %mul3A_49 : i32
    %add3A_51 = arith.constant 1 : i32
    %add3A_52 = arith.addi %mul3A_50, %add3A_51 : i32
    %dma_start3A_53 = arith.constant 0 : i32
    %dma_start3A_54 = tpu.memref_slice %arg4[%add3A_52, %dma_start3A_53] : memref<1600x128xi32, #tpu.memory_space<hbm>> -> memref<1x128xi32, #tpu.memory_space<hbm>>
    %dma_start3A_55 = tpu.memref_squeeze %dma_start3A_54 : memref<1x128xi32, #tpu.memory_space<hbm>> -> memref<128xi32, #tpu.memory_space<hbm>>
    %dma_start3A_56 = arith.constant 0 : i32
    %dma_start3A_57 = tpu.memref_slice %arg4[%add3A_52, %dma_start3A_56] : memref<1600x128xi32, #tpu.memory_space<hbm>> -> memref<1x128xi32, #tpu.memory_space<hbm>>
    %dma_start3A_58 = tpu.memref_squeeze %dma_start3A_57 : memref<1x128xi32, #tpu.memory_space<hbm>> -> memref<128xi32, #tpu.memory_space<hbm>>
    tpu.enqueue_dma source(%dma_start3A_58 : memref<128xi32, #tpu.memory_space<hbm>>) target(%arg16 : memref<128xi32, #tpu.memory_space<vmem>>) target_semaphore(%arg36 : memref<!tpu.dma_semaphore, #tpu.memory_space<semaphore_mem>>)
    %mul3A_59 = arith.constant 50 : i32
    %mul3A_60 = arith.muli %add3A, %mul3A_59 : i32
    %add3A_61 = arith.constant 1 : i32
    %add3A_62 = arith.addi %mul3A_60, %add3A_61 : i32
    %dma_start3A_63 = arith.constant 0 : i32
    %dma_start3A_64 = tpu.memref_slice %arg3[%add3A_62, %dma_start3A_63] : memref<1600x128xi32, #tpu.memory_space<hbm>> -> memref<1x128xi32, #tpu.memory_space<hbm>>
    %dma_start3A_65 = tpu.memref_squeeze %dma_start3A_64 : memref<1x128xi32, #tpu.memory_space<hbm>> -> memref<128xi32, #tpu.memory_space<hbm>>
    %dma_start3A_66 = arith.constant 0 : i32
    %dma_start3A_67 = tpu.memref_slice %arg3[%add3A_62, %dma_start3A_66] : memref<1600x128xi32, #tpu.memory_space<hbm>> -> memref<1x128xi32, #tpu.memory_space<hbm>>
    %dma_start3A_68 = tpu.memref_squeeze %dma_start3A_67 : memref<1x128xi32, #tpu.memory_space<hbm>> -> memref<128xi32, #tpu.memory_space<hbm>>
    tpu.enqueue_dma source(%dma_start3A_68 : memref<128xi32, #tpu.memory_space<hbm>>) target(%arg17 : memref<128xi32, #tpu.memory_space<vmem>>) target_semaphore(%arg36 : memref<!tpu.dma_semaphore, #tpu.memory_space<semaphore_mem>>)
    %dma_wait3A_69 = arith.constant 0 : i32
    %dma_wait3A_70 = arith.constant 0 : i32
    %dma_wait3A_71 = tpu.memref_slice %arg2[%dma_wait3A_69, %dma_wait3A_70] : memref<1600x128xi32, #tpu.memory_space<hbm>> -> memref<1x128xi32, #tpu.memory_space<hbm>>
    %dma_wait3A_72 = tpu.memref_squeeze %dma_wait3A_71 : memref<1x128xi32, #tpu.memory_space<hbm>> -> memref<128xi32, #tpu.memory_space<hbm>>
    %dma_wait3A_73 = arith.constant 0 : i32
    %dma_wait3A_74 = tpu.memref_slice %arg2[%dma_wait3A_69, %dma_wait3A_73] : memref<1600x128xi32, #tpu.memory_space<hbm>> -> memref<1x128xi32, #tpu.memory_space<hbm>>
    %dma_wait3A_75 = tpu.memref_squeeze %dma_wait3A_74 : memref<1x128xi32, #tpu.memory_space<hbm>> -> memref<128xi32, #tpu.memory_space<hbm>>
    tpu.wait_dma2 semaphore(%arg35 : memref<!tpu.dma_semaphore, #tpu.memory_space<semaphore_mem>>) src(%dma_wait3A_75 : memref<128xi32, #tpu.memory_space<hbm>>) dst(%arg12 : memref<128xi32, #tpu.memory_space<vmem>>)
    %dma_wait3A_76 = arith.constant 0 : i32
    %dma_wait3A_77 = arith.constant 0 : i32
    %dma_wait3A_78 = tpu.memref_slice %arg2[%dma_wait3A_76, %dma_wait3A_77] : memref<1600x128xi32, #tpu.memory_space<hbm>> -> memref<1x128xi32, #tpu.memory_space<hbm>>
    %dma_wait3A_79 = tpu.memref_squeeze %dma_wait3A_78 : memref<1x128xi32, #tpu.memory_space<hbm>> -> memref<128xi32, #tpu.memory_space<hbm>>
    %dma_wait3A_80 = arith.constant 0 : i32
    %dma_wait3A_81 = tpu.memref_slice %arg2[%dma_wait3A_76, %dma_wait3A_80] : memref<1600x128xi32, #tpu.memory_space<hbm>> -> memref<1x128xi32, #tpu.memory_space<hbm>>
    %dma_wait3A_82 = tpu.memref_squeeze %dma_wait3A_81 : memref<1x128xi32, #tpu.memory_space<hbm>> -> memref<128xi32, #tpu.memory_space<hbm>>
    tpu.wait_dma2 semaphore(%arg35 : memref<!tpu.dma_semaphore, #tpu.memory_space<semaphore_mem>>) src(%dma_wait3A_82 : memref<128xi32, #tpu.memory_space<hbm>>) dst(%arg12 : memref<128xi32, #tpu.memory_space<vmem>>)
    %dma_wait3A_83 = arith.constant 0 : i32
    %dma_wait3A_84 = arith.constant 0 : i32
    %dma_wait3A_85 = tpu.memref_slice %arg2[%dma_wait3A_83, %dma_wait3A_84] : memref<1600x128xi32, #tpu.memory_space<hbm>> -> memref<1x128xi32, #tpu.memory_space<hbm>>
    %dma_wait3A_86 = tpu.memref_squeeze %dma_wait3A_85 : memref<1x128xi32, #tpu.memory_space<hbm>> -> memref<128xi32, #tpu.memory_space<hbm>>
    %dma_wait3A_87 = arith.constant 0 : i32
    %dma_wait3A_88 = tpu.memref_slice %arg2[%dma_wait3A_83, %dma_wait3A_87] : memref<1600x128xi32, #tpu.memory_space<hbm>> -> memref<1x128xi32, #tpu.memory_space<hbm>>
    %dma_wait3A_89 = tpu.memref_squeeze %dma_wait3A_88 : memref<1x128xi32, #tpu.memory_space<hbm>> -> memref<128xi32, #tpu.memory_space<hbm>>
    tpu.wait_dma2 semaphore(%arg35 : memref<!tpu.dma_semaphore, #tpu.memory_space<semaphore_mem>>) src(%dma_wait3A_89 : memref<128xi32, #tpu.memory_space<hbm>>) dst(%arg12 : memref<128xi32, #tpu.memory_space<vmem>>)
    %dma_start3A_90 = arith.constant 0 : i32
    %dma_start3A_91 = arith.constant 0 : i32
    %dma_start3A_92 = tpu.memref_slice %arg19[%dma_start3A_90, %dma_start3A_91] : memref<100096x32xbf16, #tpu.memory_space<vmem_shared>> -> memref<100096x32xbf16, #tpu.memory_space<vmem_shared>>
    tpu.enqueue_indirect_dma source(%dma_start3A_92 : memref<100096x32xbf16, #tpu.memory_space<vmem_shared>>) target(%arg22 : memref<128x32xbf16, #tpu.memory_space<vmem>>) offsets(%arg12 : memref<128xi32, #tpu.memory_space<vmem>>) semaphore(%arg31 : memref<!tpu.dma_semaphore, #tpu.memory_space<semaphore_mem>>)
    %dma_start3A_93 = arith.constant 0 : i32
    %dma_start3A_94 = arith.constant 0 : i32
    %dma_start3A_95 = tpu.memref_slice %arg20[%dma_start3A_93, %dma_start3A_94] : memref<1024x32xbf16, #tpu.memory_space<vmem_shared>> -> memref<1024x32xbf16, #tpu.memory_space<vmem_shared>>
    tpu.enqueue_indirect_dma source(%dma_start3A_95 : memref<1024x32xbf16, #tpu.memory_space<vmem_shared>>) target(%arg23 : memref<128x32xbf16, #tpu.memory_space<vmem>>) offsets(%arg13 : memref<128xi32, #tpu.memory_space<vmem>>) semaphore(%arg31 : memref<!tpu.dma_semaphore, #tpu.memory_space<semaphore_mem>>)
    %dma_start3A_96 = arith.constant 0 : i32
    %dma_start3A_97 = arith.constant 0 : i32
    %dma_start3A_98 = tpu.memref_slice %arg21[%dma_start3A_96, %dma_start3A_97] : memref<64x32xbf16, #tpu.memory_space<vmem_shared>> -> memref<64x32xbf16, #tpu.memory_space<vmem_shared>>
    tpu.enqueue_indirect_dma source(%dma_start3A_98 : memref<64x32xbf16, #tpu.memory_space<vmem_shared>>) target(%arg24 : memref<128x32xbf16, #tpu.memory_space<vmem>>) offsets(%arg14 : memref<128xi32, #tpu.memory_space<vmem>>) semaphore(%arg31 : memref<!tpu.dma_semaphore, #tpu.memory_space<semaphore_mem>>)
    %scan3A = arith.constant 0 : i32
    %scan3A_99 = arith.constant 0 : i32
    %scan3A_100 = arith.constant 25 : i32
    %scan3A_101 = arith.addi %scan3A_99, %scan3A_100 : i32
    %scan3A_102 = arith.constant 1 : i32
    scf.for %scan3A_113 = %scan3A_99 to %scan3A_101 step %scan3A_102  : i32 {
      %mul3A_114 = arith.constant 2 : i32
      %mul3A_115 = arith.muli %mul3A_114, %scan3A_113 : i32
      %gt3A = arith.constant 0 : i32
      %gt3A_116 = arith.cmpi sgt, %scan3A_113, %gt3A : i32
      %convert_element_type3A_117 = arith.extui %gt3A_116 : i1 to i32
      %cond3A_118 = arith.constant 0 : i32
      %cond3A_119 = arith.cmpi ne, %convert_element_type3A_117, %cond3A_118 : i32
      scf.if %cond3A_119 {
        %mul3A_265 = arith.constant 32 : i32
        %mul3A_266 = arith.muli %add3A, %mul3A_265 : i32
        %dma_wait3A_267 = arith.constant 0 : i32
        %dma_wait3A_268 = arith.constant 0 : i32
        %dma_wait3A_269 = tpu.memref_slice %arg10[%dma_wait3A_267, %mul3A_266, %dma_wait3A_268] : memref<50x1024x128xbf16, #tpu.memory_space<hbm>> -> memref<1x32x128xbf16, #tpu.memory_space<hbm>>
        %dma_wait3A_270 = tpu.memref_squeeze %dma_wait3A_269 : memref<1x32x128xbf16, #tpu.memory_space<hbm>> -> memref<32x128xbf16, #tpu.memory_space<hbm>>
        %dma_wait3A_271 = arith.constant 0 : i32
        %dma_wait3A_272 = tpu.memref_slice %arg10[%dma_wait3A_267, %mul3A_266, %dma_wait3A_271] : memref<50x1024x128xbf16, #tpu.memory_space<hbm>> -> memref<1x32x128xbf16, #tpu.memory_space<hbm>>
        %dma_wait3A_273 = tpu.memref_squeeze %dma_wait3A_272 : memref<1x32x128xbf16, #tpu.memory_space<hbm>> -> memref<32x128xbf16, #tpu.memory_space<hbm>>
        tpu.wait_dma2 semaphore(%arg34 : memref<!tpu.dma_semaphore, #tpu.memory_space<semaphore_mem>>) src(%arg29 : memref<32x128xbf16, #tpu.memory_space<vmem>>) dst(%dma_wait3A_273 : memref<32x128xbf16, #tpu.memory_space<hbm>>)
      } else {
      }
      %add3A_120 = arith.constant 1 : i32
      %add3A_121 = arith.addi %mul3A_115, %add3A_120 : i32
      %dma_wait3A_122 = arith.constant 0 : i32
      %dma_wait3A_123 = arith.constant 0 : i32
      %dma_wait3A_124 = tpu.memref_slice %arg2[%dma_wait3A_122, %dma_wait3A_123] : memref<1600x128xi32, #tpu.memory_space<hbm>> -> memref<1x128xi32, #tpu.memory_space<hbm>>
      %dma_wait3A_125 = tpu.memref_squeeze %dma_wait3A_124 : memref<1x128xi32, #tpu.memory_space<hbm>> -> memref<128xi32, #tpu.memory_space<hbm>>
      %dma_wait3A_126 = arith.constant 0 : i32
      %dma_wait3A_127 = tpu.memref_slice %arg2[%dma_wait3A_122, %dma_wait3A_126] : memref<1600x128xi32, #tpu.memory_space<hbm>> -> memref<1x128xi32, #tpu.memory_space<hbm>>
      %dma_wait3A_128 = tpu.memref_squeeze %dma_wait3A_127 : memref<1x128xi32, #tpu.memory_space<hbm>> -> memref<128xi32, #tpu.memory_space<hbm>>
      tpu.wait_dma2 semaphore(%arg36 : memref<!tpu.dma_semaphore, #tpu.memory_space<semaphore_mem>>) src(%dma_wait3A_128 : memref<128xi32, #tpu.memory_space<hbm>>) dst(%arg15 : memref<128xi32, #tpu.memory_space<vmem>>)
      %dma_wait3A_129 = arith.constant 0 : i32
      %dma_wait3A_130 = arith.constant 0 : i32
      %dma_wait3A_131 = tpu.memref_slice %arg2[%dma_wait3A_129, %dma_wait3A_130] : memref<1600x128xi32, #tpu.memory_space<hbm>> -> memref<1x128xi32, #tpu.memory_space<hbm>>
      %dma_wait3A_132 = tpu.memref_squeeze %dma_wait3A_131 : memref<1x128xi32, #tpu.memory_space<hbm>> -> memref<128xi32, #tpu.memory_space<hbm>>
      %dma_wait3A_133 = arith.constant 0 : i32
      %dma_wait3A_134 = tpu.memref_slice %arg2[%dma_wait3A_129, %dma_wait3A_133] : memref<1600x128xi32, #tpu.memory_space<hbm>> -> memref<1x128xi32, #tpu.memory_space<hbm>>
      %dma_wait3A_135 = tpu.memref_squeeze %dma_wait3A_134 : memref<1x128xi32, #tpu.memory_space<hbm>> -> memref<128xi32, #tpu.memory_space<hbm>>
      tpu.wait_dma2 semaphore(%arg36 : memref<!tpu.dma_semaphore, #tpu.memory_space<semaphore_mem>>) src(%dma_wait3A_135 : memref<128xi32, #tpu.memory_space<hbm>>) dst(%arg15 : memref<128xi32, #tpu.memory_space<vmem>>)
      %dma_wait3A_136 = arith.constant 0 : i32
      %dma_wait3A_137 = arith.constant 0 : i32
      %dma_wait3A_138 = tpu.memref_slice %arg2[%dma_wait3A_136, %dma_wait3A_137] : memref<1600x128xi32, #tpu.memory_space<hbm>> -> memref<1x128xi32, #tpu.memory_space<hbm>>
      %dma_wait3A_139 = tpu.memref_squeeze %dma_wait3A_138 : memref<1x128xi32, #tpu.memory_space<hbm>> -> memref<128xi32, #tpu.memory_space<hbm>>
      %dma_wait3A_140 = arith.constant 0 : i32
      %dma_wait3A_141 = tpu.memref_slice %arg2[%dma_wait3A_136, %dma_wait3A_140] : memref<1600x128xi32, #tpu.memory_space<hbm>> -> memref<1x128xi32, #tpu.memory_space<hbm>>
      %dma_wait3A_142 = tpu.memref_squeeze %dma_wait3A_141 : memref<1x128xi32, #tpu.memory_space<hbm>> -> memref<128xi32, #tpu.memory_space<hbm>>
      tpu.wait_dma2 semaphore(%arg36 : memref<!tpu.dma_semaphore, #tpu.memory_space<semaphore_mem>>) src(%dma_wait3A_142 : memref<128xi32, #tpu.memory_space<hbm>>) dst(%arg15 : memref<128xi32, #tpu.memory_space<vmem>>)
      %dma_start3A_143 = arith.constant 0 : i32
      %dma_start3A_144 = arith.constant 0 : i32
      %dma_start3A_145 = tpu.memref_slice %arg19[%dma_start3A_143, %dma_start3A_144] : memref<100096x32xbf16, #tpu.memory_space<vmem_shared>> -> memref<100096x32xbf16, #tpu.memory_space<vmem_shared>>
      tpu.enqueue_indirect_dma source(%dma_start3A_145 : memref<100096x32xbf16, #tpu.memory_space<vmem_shared>>) target(%arg26 : memref<128x32xbf16, #tpu.memory_space<vmem>>) offsets(%arg15 : memref<128xi32, #tpu.memory_space<vmem>>) semaphore(%arg32 : memref<!tpu.dma_semaphore, #tpu.memory_space<semaphore_mem>>)
      %dma_start3A_146 = arith.constant 0 : i32
      %dma_start3A_147 = arith.constant 0 : i32
      %dma_start3A_148 = tpu.memref_slice %arg20[%dma_start3A_146, %dma_start3A_147] : memref<1024x32xbf16, #tpu.memory_space<vmem_shared>> -> memref<1024x32xbf16, #tpu.memory_space<vmem_shared>>
      tpu.enqueue_indirect_dma source(%dma_start3A_148 : memref<1024x32xbf16, #tpu.memory_space<vmem_shared>>) target(%arg27 : memref<128x32xbf16, #tpu.memory_space<vmem>>) offsets(%arg16 : memref<128xi32, #tpu.memory_space<vmem>>) semaphore(%arg32 : memref<!tpu.dma_semaphore, #tpu.memory_space<semaphore_mem>>)
      %dma_start3A_149 = arith.constant 0 : i32
      %dma_start3A_150 = arith.constant 0 : i32
      %dma_start3A_151 = tpu.memref_slice %arg21[%dma_start3A_149, %dma_start3A_150] : memref<64x32xbf16, #tpu.memory_space<vmem_shared>> -> memref<64x32xbf16, #tpu.memory_space<vmem_shared>>
      tpu.enqueue_indirect_dma source(%dma_start3A_151 : memref<64x32xbf16, #tpu.memory_space<vmem_shared>>) target(%arg28 : memref<128x32xbf16, #tpu.memory_space<vmem>>) offsets(%arg17 : memref<128xi32, #tpu.memory_space<vmem>>) semaphore(%arg32 : memref<!tpu.dma_semaphore, #tpu.memory_space<semaphore_mem>>)
      %mul3A_152 = arith.constant 32 : i32
      %mul3A_153 = arith.muli %add3A, %mul3A_152 : i32
      %dma_wait3A_154 = arith.constant 0 : i32
      %dma_wait3A_155 = arith.constant 0 : i32
      %dma_wait3A_156 = tpu.memref_slice %arg10[%dma_wait3A_154, %mul3A_153, %dma_wait3A_155] : memref<50x1024x128xbf16, #tpu.memory_space<hbm>> -> memref<1x32x128xbf16, #tpu.memory_space<hbm>>
      %dma_wait3A_157 = tpu.memref_squeeze %dma_wait3A_156 : memref<1x32x128xbf16, #tpu.memory_space<hbm>> -> memref<32x128xbf16, #tpu.memory_space<hbm>>
      %dma_wait3A_158 = arith.constant 0 : i32
      %dma_wait3A_159 = tpu.memref_slice %arg10[%dma_wait3A_154, %mul3A_153, %dma_wait3A_158] : memref<50x1024x128xbf16, #tpu.memory_space<hbm>> -> memref<1x32x128xbf16, #tpu.memory_space<hbm>>
      %dma_wait3A_160 = tpu.memref_squeeze %dma_wait3A_159 : memref<1x32x128xbf16, #tpu.memory_space<hbm>> -> memref<32x128xbf16, #tpu.memory_space<hbm>>
      tpu.wait_dma2 semaphore(%arg31 : memref<!tpu.dma_semaphore, #tpu.memory_space<semaphore_mem>>) src(%dma_wait3A_160 : memref<32x128xbf16, #tpu.memory_space<hbm>>) dst(%arg22 : memref<128x32xbf16, #tpu.memory_space<vmem>>)
      %mul3A_161 = arith.constant 32 : i32
      %mul3A_162 = arith.muli %add3A, %mul3A_161 : i32
      %dma_wait3A_163 = arith.constant 0 : i32
      %dma_wait3A_164 = arith.constant 0 : i32
      %dma_wait3A_165 = tpu.memref_slice %arg10[%dma_wait3A_163, %mul3A_162, %dma_wait3A_164] : memref<50x1024x128xbf16, #tpu.memory_space<hbm>> -> memref<1x32x128xbf16, #tpu.memory_space<hbm>>
      %dma_wait3A_166 = tpu.memref_squeeze %dma_wait3A_165 : memref<1x32x128xbf16, #tpu.memory_space<hbm>> -> memref<32x128xbf16, #tpu.memory_space<hbm>>
      %dma_wait3A_167 = arith.constant 0 : i32
      %dma_wait3A_168 = tpu.memref_slice %arg10[%dma_wait3A_163, %mul3A_162, %dma_wait3A_167] : memref<50x1024x128xbf16, #tpu.memory_space<hbm>> -> memref<1x32x128xbf16, #tpu.memory_space<hbm>>
      %dma_wait3A_169 = tpu.memref_squeeze %dma_wait3A_168 : memref<1x32x128xbf16, #tpu.memory_space<hbm>> -> memref<32x128xbf16, #tpu.memory_space<hbm>>
      tpu.wait_dma2 semaphore(%arg31 : memref<!tpu.dma_semaphore, #tpu.memory_space<semaphore_mem>>) src(%dma_wait3A_169 : memref<32x128xbf16, #tpu.memory_space<hbm>>) dst(%arg22 : memref<128x32xbf16, #tpu.memory_space<vmem>>)
      %mul3A_170 = arith.constant 32 : i32
      %mul3A_171 = arith.muli %add3A, %mul3A_170 : i32
      %dma_wait3A_172 = arith.constant 0 : i32
      %dma_wait3A_173 = arith.constant 0 : i32
      %dma_wait3A_174 = tpu.memref_slice %arg10[%dma_wait3A_172, %mul3A_171, %dma_wait3A_173] : memref<50x1024x128xbf16, #tpu.memory_space<hbm>> -> memref<1x32x128xbf16, #tpu.memory_space<hbm>>
      %dma_wait3A_175 = tpu.memref_squeeze %dma_wait3A_174 : memref<1x32x128xbf16, #tpu.memory_space<hbm>> -> memref<32x128xbf16, #tpu.memory_space<hbm>>
      %dma_wait3A_176 = arith.constant 0 : i32
      %dma_wait3A_177 = tpu.memref_slice %arg10[%dma_wait3A_172, %mul3A_171, %dma_wait3A_176] : memref<50x1024x128xbf16, #tpu.memory_space<hbm>> -> memref<1x32x128xbf16, #tpu.memory_space<hbm>>
      %dma_wait3A_178 = tpu.memref_squeeze %dma_wait3A_177 : memref<1x32x128xbf16, #tpu.memory_space<hbm>> -> memref<32x128xbf16, #tpu.memory_space<hbm>>
      tpu.wait_dma2 semaphore(%arg31 : memref<!tpu.dma_semaphore, #tpu.memory_space<semaphore_mem>>) src(%dma_wait3A_178 : memref<32x128xbf16, #tpu.memory_space<hbm>>) dst(%arg22 : memref<128x32xbf16, #tpu.memory_space<vmem>>)
      %add3A_179 = arith.constant 2 : i32
      %add3A_180 = arith.addi %mul3A_115, %add3A_179 : i32
      %lt3A = arith.constant 50 : i32
      %lt3A_181 = arith.cmpi slt, %add3A_180, %lt3A : i32
      %convert_element_type3A_182 = arith.extui %lt3A_181 : i1 to i32
      %cond3A_183 = arith.constant 0 : i32
      %cond3A_184 = arith.cmpi ne, %convert_element_type3A_182, %cond3A_183 : i32
      scf.if %cond3A_184 {
        %add3A_265 = arith.constant 2 : i32
        %add3A_266 = arith.addi %mul3A_115, %add3A_265 : i32
        %mul3A_267 = arith.constant 50 : i32
        %mul3A_268 = arith.muli %add3A, %mul3A_267 : i32
        %add3A_269 = arith.addi %mul3A_268, %add3A_266 : i32
        %dma_start3A_270 = arith.constant 0 : i32
        %dma_start3A_271 = tpu.memref_slice %arg2[%add3A_269, %dma_start3A_270] : memref<1600x128xi32, #tpu.memory_space<hbm>> -> memref<1x128xi32, #tpu.memory_space<hbm>>
        %dma_start3A_272 = tpu.memref_squeeze %dma_start3A_271 : memref<1x128xi32, #tpu.memory_space<hbm>> -> memref<128xi32, #tpu.memory_space<hbm>>
        %dma_start3A_273 = arith.constant 0 : i32
        %dma_start3A_274 = tpu.memref_slice %arg2[%add3A_269, %dma_start3A_273] : memref<1600x128xi32, #tpu.memory_space<hbm>> -> memref<1x128xi32, #tpu.memory_space<hbm>>
        %dma_start3A_275 = tpu.memref_squeeze %dma_start3A_274 : memref<1x128xi32, #tpu.memory_space<hbm>> -> memref<128xi32, #tpu.memory_space<hbm>>
        tpu.enqueue_dma source(%dma_start3A_275 : memref<128xi32, #tpu.memory_space<hbm>>) target(%arg12 : memref<128xi32, #tpu.memory_space<vmem>>) target_semaphore(%arg35 : memref<!tpu.dma_semaphore, #tpu.memory_space<semaphore_mem>>)
        %mul3A_276 = arith.constant 50 : i32
        %mul3A_277 = arith.muli %add3A, %mul3A_276 : i32
        %add3A_278 = arith.addi %mul3A_277, %add3A_266 : i32
        %dma_start3A_279 = arith.constant 0 : i32
        %dma_start3A_280 = tpu.memref_slice %arg4[%add3A_278, %dma_start3A_279] : memref<1600x128xi32, #tpu.memory_space<hbm>> -> memref<1x128xi32, #tpu.memory_space<hbm>>
        %dma_start3A_281 = tpu.memref_squeeze %dma_start3A_280 : memref<1x128xi32, #tpu.memory_space<hbm>> -> memref<128xi32, #tpu.memory_space<hbm>>
        %dma_start3A_282 = arith.constant 0 : i32
        %dma_start3A_283 = tpu.memref_slice %arg4[%add3A_278, %dma_start3A_282] : memref<1600x128xi32, #tpu.memory_space<hbm>> -> memref<1x128xi32, #tpu.memory_space<hbm>>
        %dma_start3A_284 = tpu.memref_squeeze %dma_start3A_283 : memref<1x128xi32, #tpu.memory_space<hbm>> -> memref<128xi32, #tpu.memory_space<hbm>>
        tpu.enqueue_dma source(%dma_start3A_284 : memref<128xi32, #tpu.memory_space<hbm>>) target(%arg13 : memref<128xi32, #tpu.memory_space<vmem>>) target_semaphore(%arg35 : memref<!tpu.dma_semaphore, #tpu.memory_space<semaphore_mem>>)
        %mul3A_285 = arith.constant 50 : i32
        %mul3A_286 = arith.muli %add3A, %mul3A_285 : i32
        %add3A_287 = arith.addi %mul3A_286, %add3A_266 : i32
        %dma_start3A_288 = arith.constant 0 : i32
        %dma_start3A_289 = tpu.memref_slice %arg3[%add3A_287, %dma_start3A_288] : memref<1600x128xi32, #tpu.memory_space<hbm>> -> memref<1x128xi32, #tpu.memory_space<hbm>>
        %dma_start3A_290 = tpu.memref_squeeze %dma_start3A_289 : memref<1x128xi32, #tpu.memory_space<hbm>> -> memref<128xi32, #tpu.memory_space<hbm>>
        %dma_start3A_291 = arith.constant 0 : i32
        %dma_start3A_292 = tpu.memref_slice %arg3[%add3A_287, %dma_start3A_291] : memref<1600x128xi32, #tpu.memory_space<hbm>> -> memref<1x128xi32, #tpu.memory_space<hbm>>
        %dma_start3A_293 = tpu.memref_squeeze %dma_start3A_292 : memref<1x128xi32, #tpu.memory_space<hbm>> -> memref<128xi32, #tpu.memory_space<hbm>>
        tpu.enqueue_dma source(%dma_start3A_293 : memref<128xi32, #tpu.memory_space<hbm>>) target(%arg14 : memref<128xi32, #tpu.memory_space<vmem>>) target_semaphore(%arg35 : memref<!tpu.dma_semaphore, #tpu.memory_space<semaphore_mem>>)
      } else {
      }
      %scan3A_185 = arith.constant 0 : i32
      %scan3A_186 = arith.constant 0 : i32
      %scan3A_187 = arith.constant 128 : i32
      %scan3A_188 = arith.addi %scan3A_186, %scan3A_187 : i32
      %scan3A_189 = arith.constant 8 : i32
      scf.for %scan3A_265 = %scan3A_186 to %scan3A_188 step %scan3A_189  : i32 {
        %get3A = arith.index_cast %scan3A_265 : i32 to index
        %get3A_266 = arith.constant 0 : index
        %get3A_267 = tpu.vector_load %arg22[%get3A, %get3A_266] {strides = array<i32>} : memref<128x32xbf16, #tpu.memory_space<vmem>>, vector<1x32xbf16>,
        %get3A_268 = vector.shape_cast %get3A_267 : vector<1x32xbf16> to vector<32xbf16>
        %get3A_269 = arith.index_cast %scan3A_265 : i32 to index
        %get3A_270 = arith.constant 0 : index
        %get3A_271 = tpu.vector_load %arg23[%get3A_269, %get3A_270] {strides = array<i32>} : memref<128x32xbf16, #tpu.memory_space<vmem>>, vector<1x32xbf16>,
        %get3A_272 = vector.shape_cast %get3A_271 : vector<1x32xbf16> to vector<32xbf16>
        %add3A_273 = arith.addf %get3A_268, %get3A_272 : vector<32xbf16>
        %get3A_274 = arith.index_cast %scan3A_265 : i32 to index
        %get3A_275 = arith.constant 0 : index
        %get3A_276 = tpu.vector_load %arg24[%get3A_274, %get3A_275] {strides = array<i32>} : memref<128x32xbf16, #tpu.memory_space<vmem>>, vector<1x32xbf16>,
        %get3A_277 = vector.shape_cast %get3A_276 : vector<1x32xbf16> to vector<32xbf16>
        %add3A_278 = arith.addf %add3A_273, %get3A_277 : vector<32xbf16>
        %jit3A = arith.constant 4 : i32
        %div3A = arith.divsi %scan3A_265, %jit3A : i32
        %sign3A = arith.constant 0 : i32
        %sign3A_279 = arith.cmpi sgt, %scan3A_265, %sign3A : i32
        %sign3A_280 = arith.extui %sign3A_279 : i1 to i32
        %sign3A_281 = arith.constant 0 : i32
        %sign3A_282 = arith.cmpi slt, %scan3A_265, %sign3A_281 : i32
        %sign3A_283 = arith.extui %sign3A_282 : i1 to i32
        %sign3A_284 = arith.subi %sign3A_280, %sign3A_283 : i32
        %sign3A_285 = arith.constant 0 : i32
        %sign3A_286 = arith.cmpi sgt, %jit3A, %sign3A_285 : i32
        %sign3A_287 = arith.extui %sign3A_286 : i1 to i32
        %sign3A_288 = arith.constant 0 : i32
        %sign3A_289 = arith.cmpi slt, %jit3A, %sign3A_288 : i32
        %sign3A_290 = arith.extui %sign3A_289 : i1 to i32
        %sign3A_291 = arith.subi %sign3A_287, %sign3A_290 : i32
        %ne3A = arith.cmpi ne, %sign3A_284, %sign3A_291 : i32
        %rem3A = arith.remsi %scan3A_265, %jit3A : i32
        %ne3A_292 = arith.constant 0 : i32
        %ne3A_293 = arith.cmpi ne, %rem3A, %ne3A_292 : i32
        %and3A = arith.andi %ne3A, %ne3A_293 : i1
        %sub3A = arith.constant 1 : i32
        %sub3A_294 = arith.subi %div3A, %sub3A : i32
        %select_n3A = arith.select %and3A, %sub3A_294, %div3A : i32
        %jit3A_295 = arith.constant 4 : i32
        %eq3A_296 = arith.constant 0 : i32
        %eq3A_297 = arith.cmpi eq, %jit3A_295, %eq3A_296 : i32
        %jit3A_298 = arith.constant 1 : i32
        %select_n3A_299 = arith.select %eq3A_297, %jit3A_298, %jit3A_295 : i32
        %rem3A_300 = arith.remsi %scan3A_265, %select_n3A_299 : i32
        %ne3A_301 = arith.constant 0 : i32
        %ne3A_302 = arith.cmpi ne, %rem3A_300, %ne3A_301 : i32
        %lt3A_303 = arith.constant 0 : i32
        %lt3A_304 = arith.cmpi slt, %rem3A_300, %lt3A_303 : i32
        %lt3A_305 = arith.constant 0 : i32
        %lt3A_306 = arith.cmpi slt, %select_n3A_299, %lt3A_305 : i32
        %ne3A_307 = arith.xori %lt3A_304, %lt3A_306 : i1
        %and3A_308 = arith.andi %ne3A_307, %ne3A_302 : i1
        %add3A_309 = arith.addi %rem3A_300, %select_n3A_299 : i32
        %select_n3A_310 = arith.select %and3A_308, %add3A_309, %rem3A_300 : i32
        %mul3A_311 = arith.constant 32 : i32
        %mul3A_312 = arith.muli %select_n3A_310, %mul3A_311 : i32
        %swap3A = arith.index_cast %select_n3A : i32 to index
        %swap3A_313 = arith.index_cast %mul3A_312 : i32 to index
        %swap3A_314 = tpu.vector_load %arg25[%swap3A, %swap3A_313] {strides = array<i32>} : memref<32x128xbf16, #tpu.memory_space<vmem>>, vector<1x32xbf16>,
        %swap3A_315 = vector.shape_cast %swap3A_314 : vector<1x32xbf16> to vector<32xbf16>
        %swap3A_316 = vector.shape_cast %add3A_278 : vector<32xbf16> to vector<1x32xbf16>
        tpu.vector_store %arg25[%swap3A, %swap3A_313], %swap3A_316 {strides = array<i32>} : memref<32x128xbf16, #tpu.memory_space<vmem>>, vector<1x32xbf16>,
        %scan3A_317 = arith.constant 1 : i32
        %scan3A_318 = arith.addi %scan3A_265, %scan3A_317 : i32
        %get3A_319 = arith.index_cast %scan3A_318 : i32 to index
        %get3A_320 = arith.constant 0 : index
        %get3A_321 = tpu.vector_load %arg22[%get3A_319, %get3A_320] {strides = array<i32>} : memref<128x32xbf16, #tpu.memory_space<vmem>>, vector<1x32xbf16>,
        %get3A_322 = vector.shape_cast %get3A_321 : vector<1x32xbf16> to vector<32xbf16>
        %get3A_323 = arith.index_cast %scan3A_318 : i32 to index
        %get3A_324 = arith.constant 0 : index
        %get3A_325 = tpu.vector_load %arg23[%get3A_323, %get3A_324] {strides = array<i32>} : memref<128x32xbf16, #tpu.memory_space<vmem>>, vector<1x32xbf16>,
        %get3A_326 = vector.shape_cast %get3A_325 : vector<1x32xbf16> to vector<32xbf16>
        %add3A_327 = arith.addf %get3A_322, %get3A_326 : vector<32xbf16>
        %get3A_328 = arith.index_cast %scan3A_318 : i32 to index
        %get3A_329 = arith.constant 0 : index
        %get3A_330 = tpu.vector_load %arg24[%get3A_328, %get3A_329] {strides = array<i32>} : memref<128x32xbf16, #tpu.memory_space<vmem>>, vector<1x32xbf16>,
        %get3A_331 = vector.shape_cast %get3A_330 : vector<1x32xbf16> to vector<32xbf16>
        %add3A_332 = arith.addf %add3A_327, %get3A_331 : vector<32xbf16>
        %jit3A_333 = arith.constant 4 : i32
        %div3A_334 = arith.divsi %scan3A_318, %jit3A_333 : i32
        %sign3A_335 = arith.constant 0 : i32
        %sign3A_336 = arith.cmpi sgt, %scan3A_318, %sign3A_335 : i32
        %sign3A_337 = arith.extui %sign3A_336 : i1 to i32
        %sign3A_338 = arith.constant 0 : i32
        %sign3A_339 = arith.cmpi slt, %scan3A_318, %sign3A_338 : i32
        %sign3A_340 = arith.extui %sign3A_339 : i1 to i32
        %sign3A_341 = arith.subi %sign3A_337, %sign3A_340 : i32
        %sign3A_342 = arith.constant 0 : i32
        %sign3A_343 = arith.cmpi sgt, %jit3A_333, %sign3A_342 : i32
        %sign3A_344 = arith.extui %sign3A_343 : i1 to i32
        %sign3A_345 = arith.constant 0 : i32
        %sign3A_346 = arith.cmpi slt, %jit3A_333, %sign3A_345 : i32
        %sign3A_347 = arith.extui %sign3A_346 : i1 to i32
        %sign3A_348 = arith.subi %sign3A_344, %sign3A_347 : i32
        %ne3A_349 = arith.cmpi ne, %sign3A_341, %sign3A_348 : i32
        %rem3A_350 = arith.remsi %scan3A_318, %jit3A_333 : i32
        %ne3A_351 = arith.constant 0 : i32
        %ne3A_352 = arith.cmpi ne, %rem3A_350, %ne3A_351 : i32
        %and3A_353 = arith.andi %ne3A_349, %ne3A_352 : i1
        %sub3A_354 = arith.constant 1 : i32
        %sub3A_355 = arith.subi %div3A_334, %sub3A_354 : i32
        %select_n3A_356 = arith.select %and3A_353, %sub3A_355, %div3A_334 : i32
        %jit3A_357 = arith.constant 4 : i32
        %eq3A_358 = arith.constant 0 : i32
        %eq3A_359 = arith.cmpi eq, %jit3A_357, %eq3A_358 : i32
        %jit3A_360 = arith.constant 1 : i32
        %select_n3A_361 = arith.select %eq3A_359, %jit3A_360, %jit3A_357 : i32
        %rem3A_362 = arith.remsi %scan3A_318, %select_n3A_361 : i32
        %ne3A_363 = arith.constant 0 : i32
        %ne3A_364 = arith.cmpi ne, %rem3A_362, %ne3A_363 : i32
        %lt3A_365 = arith.constant 0 : i32
        %lt3A_366 = arith.cmpi slt, %rem3A_362, %lt3A_365 : i32
        %lt3A_367 = arith.constant 0 : i32
        %lt3A_368 = arith.cmpi slt, %select_n3A_361, %lt3A_367 : i32
        %ne3A_369 = arith.xori %lt3A_366, %lt3A_368 : i1
        %and3A_370 = arith.andi %ne3A_369, %ne3A_364 : i1
        %add3A_371 = arith.addi %rem3A_362, %select_n3A_361 : i32
        %select_n3A_372 = arith.select %and3A_370, %add3A_371, %rem3A_362 : i32
        %mul3A_373 = arith.constant 32 : i32
        %mul3A_374 = arith.muli %select_n3A_372, %mul3A_373 : i32
        %swap3A_375 = arith.index_cast %select_n3A_356 : i32 to index
        %swap3A_376 = arith.index_cast %mul3A_374 : i32 to index
        %swap3A_377 = tpu.vector_load %arg25[%swap3A_375, %swap3A_376] {strides = array<i32>} : memref<32x128xbf16, #tpu.memory_space<vmem>>, vector<1x32xbf16>,
        %swap3A_378 = vector.shape_cast %swap3A_377 : vector<1x32xbf16> to vector<32xbf16>
        %swap3A_379 = vector.shape_cast %add3A_332 : vector<32xbf16> to vector<1x32xbf16>
        tpu.vector_store %arg25[%swap3A_375, %swap3A_376], %swap3A_379 {strides = array<i32>} : memref<32x128xbf16, #tpu.memory_space<vmem>>, vector<1x32xbf16>,
        %scan3A_380 = arith.constant 2 : i32
        %scan3A_381 = arith.addi %scan3A_265, %scan3A_380 : i32
        %get3A_382 = arith.index_cast %scan3A_381 : i32 to index
        %get3A_383 = arith.constant 0 : index
        %get3A_384 = tpu.vector_load %arg22[%get3A_382, %get3A_383] {strides = array<i32>} : memref<128x32xbf16, #tpu.memory_space<vmem>>, vector<1x32xbf16>,
        %get3A_385 = vector.shape_cast %get3A_384 : vector<1x32xbf16> to vector<32xbf16>
        %get3A_386 = arith.index_cast %scan3A_381 : i32 to index
        %get3A_387 = arith.constant 0 : index
        %get3A_388 = tpu.vector_load %arg23[%get3A_386, %get3A_387] {strides = array<i32>} : memref<128x32xbf16, #tpu.memory_space<vmem>>, vector<1x32xbf16>,
        %get3A_389 = vector.shape_cast %get3A_388 : vector<1x32xbf16> to vector<32xbf16>
        %add3A_390 = arith.addf %get3A_385, %get3A_389 : vector<32xbf16>
        %get3A_391 = arith.index_cast %scan3A_381 : i32 to index
        %get3A_392 = arith.constant 0 : index
        %get3A_393 = tpu.vector_load %arg24[%get3A_391, %get3A_392] {strides = array<i32>} : memref<128x32xbf16, #tpu.memory_space<vmem>>, vector<1x32xbf16>,
        %get3A_394 = vector.shape_cast %get3A_393 : vector<1x32xbf16> to vector<32xbf16>
        %add3A_395 = arith.addf %add3A_390, %get3A_394 : vector<32xbf16>
        %jit3A_396 = arith.constant 4 : i32
        %div3A_397 = arith.divsi %scan3A_381, %jit3A_396 : i32
        %sign3A_398 = arith.constant 0 : i32
        %sign3A_399 = arith.cmpi sgt, %scan3A_381, %sign3A_398 : i32
        %sign3A_400 = arith.extui %sign3A_399 : i1 to i32
        %sign3A_401 = arith.constant 0 : i32
        %sign3A_402 = arith.cmpi slt, %scan3A_381, %sign3A_401 : i32
        %sign3A_403 = arith.extui %sign3A_402 : i1 to i32
        %sign3A_404 = arith.subi %sign3A_400, %sign3A_403 : i32
        %sign3A_405 = arith.constant 0 : i32
        %sign3A_406 = arith.cmpi sgt, %jit3A_396, %sign3A_405 : i32
        %sign3A_407 = arith.extui %sign3A_406 : i1 to i32
        %sign3A_408 = arith.constant 0 : i32
        %sign3A_409 = arith.cmpi slt, %jit3A_396, %sign3A_408 : i32
        %sign3A_410 = arith.extui %sign3A_409 : i1 to i32
        %sign3A_411 = arith.subi %sign3A_407, %sign3A_410 : i32
        %ne3A_412 = arith.cmpi ne, %sign3A_404, %sign3A_411 : i32
        %rem3A_413 = arith.remsi %scan3A_381, %jit3A_396 : i32
        %ne3A_414 = arith.constant 0 : i32
        %ne3A_415 = arith.cmpi ne, %rem3A_413, %ne3A_414 : i32
        %and3A_416 = arith.andi %ne3A_412, %ne3A_415 : i1
        %sub3A_417 = arith.constant 1 : i32
        %sub3A_418 = arith.subi %div3A_397, %sub3A_417 : i32
        %select_n3A_419 = arith.select %and3A_416, %sub3A_418, %div3A_397 : i32
        %jit3A_420 = arith.constant 4 : i32
        %eq3A_421 = arith.constant 0 : i32
        %eq3A_422 = arith.cmpi eq, %jit3A_420, %eq3A_421 : i32
        %jit3A_423 = arith.constant 1 : i32
        %select_n3A_424 = arith.select %eq3A_422, %jit3A_423, %jit3A_420 : i32
        %rem3A_425 = arith.remsi %scan3A_381, %select_n3A_424 : i32
        %ne3A_426 = arith.constant 0 : i32
        %ne3A_427 = arith.cmpi ne, %rem3A_425, %ne3A_426 : i32
        %lt3A_428 = arith.constant 0 : i32
        %lt3A_429 = arith.cmpi slt, %rem3A_425, %lt3A_428 : i32
        %lt3A_430 = arith.constant 0 : i32
        %lt3A_431 = arith.cmpi slt, %select_n3A_424, %lt3A_430 : i32
        %ne3A_432 = arith.xori %lt3A_429, %lt3A_431 : i1
        %and3A_433 = arith.andi %ne3A_432, %ne3A_427 : i1
        %add3A_434 = arith.addi %rem3A_425, %select_n3A_424 : i32
        %select_n3A_435 = arith.select %and3A_433, %add3A_434, %rem3A_425 : i32
        %mul3A_436 = arith.constant 32 : i32
        %mul3A_437 = arith.muli %select_n3A_435, %mul3A_436 : i32
        %swap3A_438 = arith.index_cast %select_n3A_419 : i32 to index
        %swap3A_439 = arith.index_cast %mul3A_437 : i32 to index
        %swap3A_440 = tpu.vector_load %arg25[%swap3A_438, %swap3A_439] {strides = array<i32>} : memref<32x128xbf16, #tpu.memory_space<vmem>>, vector<1x32xbf16>,
        %swap3A_441 = vector.shape_cast %swap3A_440 : vector<1x32xbf16> to vector<32xbf16>
        %swap3A_442 = vector.shape_cast %add3A_395 : vector<32xbf16> to vector<1x32xbf16>
        tpu.vector_store %arg25[%swap3A_438, %swap3A_439], %swap3A_442 {strides = array<i32>} : memref<32x128xbf16, #tpu.memory_space<vmem>>, vector<1x32xbf16>,
        %scan3A_443 = arith.constant 3 : i32
        %scan3A_444 = arith.addi %scan3A_265, %scan3A_443 : i32
        %get3A_445 = arith.index_cast %scan3A_444 : i32 to index
        %get3A_446 = arith.constant 0 : index
        %get3A_447 = tpu.vector_load %arg22[%get3A_445, %get3A_446] {strides = array<i32>} : memref<128x32xbf16, #tpu.memory_space<vmem>>, vector<1x32xbf16>,
        %get3A_448 = vector.shape_cast %get3A_447 : vector<1x32xbf16> to vector<32xbf16>
        %get3A_449 = arith.index_cast %scan3A_444 : i32 to index
        %get3A_450 = arith.constant 0 : index
        %get3A_451 = tpu.vector_load %arg23[%get3A_449, %get3A_450] {strides = array<i32>} : memref<128x32xbf16, #tpu.memory_space<vmem>>, vector<1x32xbf16>,
        %get3A_452 = vector.shape_cast %get3A_451 : vector<1x32xbf16> to vector<32xbf16>
        %add3A_453 = arith.addf %get3A_448, %get3A_452 : vector<32xbf16>
        %get3A_454 = arith.index_cast %scan3A_444 : i32 to index
        %get3A_455 = arith.constant 0 : index
        %get3A_456 = tpu.vector_load %arg24[%get3A_454, %get3A_455] {strides = array<i32>} : memref<128x32xbf16, #tpu.memory_space<vmem>>, vector<1x32xbf16>,
        %get3A_457 = vector.shape_cast %get3A_456 : vector<1x32xbf16> to vector<32xbf16>
        %add3A_458 = arith.addf %add3A_453, %get3A_457 : vector<32xbf16>
        %jit3A_459 = arith.constant 4 : i32
        %div3A_460 = arith.divsi %scan3A_444, %jit3A_459 : i32
        %sign3A_461 = arith.constant 0 : i32
        %sign3A_462 = arith.cmpi sgt, %scan3A_444, %sign3A_461 : i32
        %sign3A_463 = arith.extui %sign3A_462 : i1 to i32
        %sign3A_464 = arith.constant 0 : i32
        %sign3A_465 = arith.cmpi slt, %scan3A_444, %sign3A_464 : i32
        %sign3A_466 = arith.extui %sign3A_465 : i1 to i32
        %sign3A_467 = arith.subi %sign3A_463, %sign3A_466 : i32
        %sign3A_468 = arith.constant 0 : i32
        %sign3A_469 = arith.cmpi sgt, %jit3A_459, %sign3A_468 : i32
        %sign3A_470 = arith.extui %sign3A_469 : i1 to i32
        %sign3A_471 = arith.constant 0 : i32
        %sign3A_472 = arith.cmpi slt, %jit3A_459, %sign3A_471 : i32
        %sign3A_473 = arith.extui %sign3A_472 : i1 to i32
        %sign3A_474 = arith.subi %sign3A_470, %sign3A_473 : i32
        %ne3A_475 = arith.cmpi ne, %sign3A_467, %sign3A_474 : i32
        %rem3A_476 = arith.remsi %scan3A_444, %jit3A_459 : i32
        %ne3A_477 = arith.constant 0 : i32
        %ne3A_478 = arith.cmpi ne, %rem3A_476, %ne3A_477 : i32
        %and3A_479 = arith.andi %ne3A_475, %ne3A_478 : i1
        %sub3A_480 = arith.constant 1 : i32
        %sub3A_481 = arith.subi %div3A_460, %sub3A_480 : i32
        %select_n3A_482 = arith.select %and3A_479, %sub3A_481, %div3A_460 : i32
        %jit3A_483 = arith.constant 4 : i32
        %eq3A_484 = arith.constant 0 : i32
        %eq3A_485 = arith.cmpi eq, %jit3A_483, %eq3A_484 : i32
        %jit3A_486 = arith.constant 1 : i32
        %select_n3A_487 = arith.select %eq3A_485, %jit3A_486, %jit3A_483 : i32
        %rem3A_488 = arith.remsi %scan3A_444, %select_n3A_487 : i32
        %ne3A_489 = arith.constant 0 : i32
        %ne3A_490 = arith.cmpi ne, %rem3A_488, %ne3A_489 : i32
        %lt3A_491 = arith.constant 0 : i32
        %lt3A_492 = arith.cmpi slt, %rem3A_488, %lt3A_491 : i32
        %lt3A_493 = arith.constant 0 : i32
        %lt3A_494 = arith.cmpi slt, %select_n3A_487, %lt3A_493 : i32
        %ne3A_495 = arith.xori %lt3A_492, %lt3A_494 : i1
        %and3A_496 = arith.andi %ne3A_495, %ne3A_490 : i1
        %add3A_497 = arith.addi %rem3A_488, %select_n3A_487 : i32
        %select_n3A_498 = arith.select %and3A_496, %add3A_497, %rem3A_488 : i32
        %mul3A_499 = arith.constant 32 : i32
        %mul3A_500 = arith.muli %select_n3A_498, %mul3A_499 : i32
        %swap3A_501 = arith.index_cast %select_n3A_482 : i32 to index
        %swap3A_502 = arith.index_cast %mul3A_500 : i32 to index
        %swap3A_503 = tpu.vector_load %arg25[%swap3A_501, %swap3A_502] {strides = array<i32>} : memref<32x128xbf16, #tpu.memory_space<vmem>>, vector<1x32xbf16>,
        %swap3A_504 = vector.shape_cast %swap3A_503 : vector<1x32xbf16> to vector<32xbf16>
        %swap3A_505 = vector.shape_cast %add3A_458 : vector<32xbf16> to vector<1x32xbf16>
        tpu.vector_store %arg25[%swap3A_501, %swap3A_502], %swap3A_505 {strides = array<i32>} : memref<32x128xbf16, #tpu.memory_space<vmem>>, vector<1x32xbf16>,
        %scan3A_506 = arith.constant 4 : i32
        %scan3A_507 = arith.addi %scan3A_265, %scan3A_506 : i32
        %get3A_508 = arith.index_cast %scan3A_507 : i32 to index
        %get3A_509 = arith.constant 0 : index
        %get3A_510 = tpu.vector_load %arg22[%get3A_508, %get3A_509] {strides = array<i32>} : memref<128x32xbf16, #tpu.memory_space<vmem>>, vector<1x32xbf16>,
        %get3A_511 = vector.shape_cast %get3A_510 : vector<1x32xbf16> to vector<32xbf16>
        %get3A_512 = arith.index_cast %scan3A_507 : i32 to index
        %get3A_513 = arith.constant 0 : index
        %get3A_514 = tpu.vector_load %arg23[%get3A_512, %get3A_513] {strides = array<i32>} : memref<128x32xbf16, #tpu.memory_space<vmem>>, vector<1x32xbf16>,
        %get3A_515 = vector.shape_cast %get3A_514 : vector<1x32xbf16> to vector<32xbf16>
        %add3A_516 = arith.addf %get3A_511, %get3A_515 : vector<32xbf16>
        %get3A_517 = arith.index_cast %scan3A_507 : i32 to index
        %get3A_518 = arith.constant 0 : index
        %get3A_519 = tpu.vector_load %arg24[%get3A_517, %get3A_518] {strides = array<i32>} : memref<128x32xbf16, #tpu.memory_space<vmem>>, vector<1x32xbf16>,
        %get3A_520 = vector.shape_cast %get3A_519 : vector<1x32xbf16> to vector<32xbf16>
        %add3A_521 = arith.addf %add3A_516, %get3A_520 : vector<32xbf16>
        %jit3A_522 = arith.constant 4 : i32
        %div3A_523 = arith.divsi %scan3A_507, %jit3A_522 : i32
        %sign3A_524 = arith.constant 0 : i32
        %sign3A_525 = arith.cmpi sgt, %scan3A_507, %sign3A_524 : i32
        %sign3A_526 = arith.extui %sign3A_525 : i1 to i32
        %sign3A_527 = arith.constant 0 : i32
        %sign3A_528 = arith.cmpi slt, %scan3A_507, %sign3A_527 : i32
        %sign3A_529 = arith.extui %sign3A_528 : i1 to i32
        %sign3A_530 = arith.subi %sign3A_526, %sign3A_529 : i32
        %sign3A_531 = arith.constant 0 : i32
        %sign3A_532 = arith.cmpi sgt, %jit3A_522, %sign3A_531 : i32
        %sign3A_533 = arith.extui %sign3A_532 : i1 to i32
        %sign3A_534 = arith.constant 0 : i32
        %sign3A_535 = arith.cmpi slt, %jit3A_522, %sign3A_534 : i32
        %sign3A_536 = arith.extui %sign3A_535 : i1 to i32
        %sign3A_537 = arith.subi %sign3A_533, %sign3A_536 : i32
        %ne3A_538 = arith.cmpi ne, %sign3A_530, %sign3A_537 : i32
        %rem3A_539 = arith.remsi %scan3A_507, %jit3A_522 : i32
        %ne3A_540 = arith.constant 0 : i32
        %ne3A_541 = arith.cmpi ne, %rem3A_539, %ne3A_540 : i32
        %and3A_542 = arith.andi %ne3A_538, %ne3A_541 : i1
        %sub3A_543 = arith.constant 1 : i32
        %sub3A_544 = arith.subi %div3A_523, %sub3A_543 : i32
        %select_n3A_545 = arith.select %and3A_542, %sub3A_544, %div3A_523 : i32
        %jit3A_546 = arith.constant 4 : i32
        %eq3A_547 = arith.constant 0 : i32
        %eq3A_548 = arith.cmpi eq, %jit3A_546, %eq3A_547 : i32
        %jit3A_549 = arith.constant 1 : i32
        %select_n3A_550 = arith.select %eq3A_548, %jit3A_549, %jit3A_546 : i32
        %rem3A_551 = arith.remsi %scan3A_507, %select_n3A_550 : i32
        %ne3A_552 = arith.constant 0 : i32
        %ne3A_553 = arith.cmpi ne, %rem3A_551, %ne3A_552 : i32
        %lt3A_554 = arith.constant 0 : i32
        %lt3A_555 = arith.cmpi slt, %rem3A_551, %lt3A_554 : i32
        %lt3A_556 = arith.constant 0 : i32
        %lt3A_557 = arith.cmpi slt, %select_n3A_550, %lt3A_556 : i32
        %ne3A_558 = arith.xori %lt3A_555, %lt3A_557 : i1
        %and3A_559 = arith.andi %ne3A_558, %ne3A_553 : i1
        %add3A_560 = arith.addi %rem3A_551, %select_n3A_550 : i32
        %select_n3A_561 = arith.select %and3A_559, %add3A_560, %rem3A_551 : i32
        %mul3A_562 = arith.constant 32 : i32
        %mul3A_563 = arith.muli %select_n3A_561, %mul3A_562 : i32
        %swap3A_564 = arith.index_cast %select_n3A_545 : i32 to index
        %swap3A_565 = arith.index_cast %mul3A_563 : i32 to index
        %swap3A_566 = tpu.vector_load %arg25[%swap3A_564, %swap3A_565] {strides = array<i32>} : memref<32x128xbf16, #tpu.memory_space<vmem>>, vector<1x32xbf16>,
        %swap3A_567 = vector.shape_cast %swap3A_566 : vector<1x32xbf16> to vector<32xbf16>
        %swap3A_568 = vector.shape_cast %add3A_521 : vector<32xbf16> to vector<1x32xbf16>
        tpu.vector_store %arg25[%swap3A_564, %swap3A_565], %swap3A_568 {strides = array<i32>} : memref<32x128xbf16, #tpu.memory_space<vmem>>, vector<1x32xbf16>,
        %scan3A_569 = arith.constant 5 : i32
        %scan3A_570 = arith.addi %scan3A_265, %scan3A_569 : i32
        %get3A_571 = arith.index_cast %scan3A_570 : i32 to index
        %get3A_572 = arith.constant 0 : index
        %get3A_573 = tpu.vector_load %arg22[%get3A_571, %get3A_572] {strides = array<i32>} : memref<128x32xbf16, #tpu.memory_space<vmem>>, vector<1x32xbf16>,
        %get3A_574 = vector.shape_cast %get3A_573 : vector<1x32xbf16> to vector<32xbf16>
        %get3A_575 = arith.index_cast %scan3A_570 : i32 to index
        %get3A_576 = arith.constant 0 : index
        %get3A_577 = tpu.vector_load %arg23[%get3A_575, %get3A_576] {strides = array<i32>} : memref<128x32xbf16, #tpu.memory_space<vmem>>, vector<1x32xbf16>,
        %get3A_578 = vector.shape_cast %get3A_577 : vector<1x32xbf16> to vector<32xbf16>
        %add3A_579 = arith.addf %get3A_574, %get3A_578 : vector<32xbf16>
        %get3A_580 = arith.index_cast %scan3A_570 : i32 to index
        %get3A_581 = arith.constant 0 : index
        %get3A_582 = tpu.vector_load %arg24[%get3A_580, %get3A_581] {strides = array<i32>} : memref<128x32xbf16, #tpu.memory_space<vmem>>, vector<1x32xbf16>,
        %get3A_583 = vector.shape_cast %get3A_582 : vector<1x32xbf16> to vector<32xbf16>
        %add3A_584 = arith.addf %add3A_579, %get3A_583 : vector<32xbf16>
        %jit3A_585 = arith.constant 4 : i32
        %div3A_586 = arith.divsi %scan3A_570, %jit3A_585 : i32
        %sign3A_587 = arith.constant 0 : i32
        %sign3A_588 = arith.cmpi sgt, %scan3A_570, %sign3A_587 : i32
        %sign3A_589 = arith.extui %sign3A_588 : i1 to i32
        %sign3A_590 = arith.constant 0 : i32
        %sign3A_591 = arith.cmpi slt, %scan3A_570, %sign3A_590 : i32
        %sign3A_592 = arith.extui %sign3A_591 : i1 to i32
        %sign3A_593 = arith.subi %sign3A_589, %sign3A_592 : i32
        %sign3A_594 = arith.constant 0 : i32
        %sign3A_595 = arith.cmpi sgt, %jit3A_585, %sign3A_594 : i32
        %sign3A_596 = arith.extui %sign3A_595 : i1 to i32
        %sign3A_597 = arith.constant 0 : i32
        %sign3A_598 = arith.cmpi slt, %jit3A_585, %sign3A_597 : i32
        %sign3A_599 = arith.extui %sign3A_598 : i1 to i32
        %sign3A_600 = arith.subi %sign3A_596, %sign3A_599 : i32
        %ne3A_601 = arith.cmpi ne, %sign3A_593, %sign3A_600 : i32
        %rem3A_602 = arith.remsi %scan3A_570, %jit3A_585 : i32
        %ne3A_603 = arith.constant 0 : i32
        %ne3A_604 = arith.cmpi ne, %rem3A_602, %ne3A_603 : i32
        %and3A_605 = arith.andi %ne3A_601, %ne3A_604 : i1
        %sub3A_606 = arith.constant 1 : i32
        %sub3A_607 = arith.subi %div3A_586, %sub3A_606 : i32
        %select_n3A_608 = arith.select %and3A_605, %sub3A_607, %div3A_586 : i32
        %jit3A_609 = arith.constant 4 : i32
        %eq3A_610 = arith.constant 0 : i32
        %eq3A_611 = arith.cmpi eq, %jit3A_609, %eq3A_610 : i32
        %jit3A_612 = arith.constant 1 : i32
        %select_n3A_613 = arith.select %eq3A_611, %jit3A_612, %jit3A_609 : i32
        %rem3A_614 = arith.remsi %scan3A_570, %select_n3A_613 : i32
        %ne3A_615 = arith.constant 0 : i32
        %ne3A_616 = arith.cmpi ne, %rem3A_614, %ne3A_615 : i32
        %lt3A_617 = arith.constant 0 : i32
        %lt3A_618 = arith.cmpi slt, %rem3A_614, %lt3A_617 : i32
        %lt3A_619 = arith.constant 0 : i32
        %lt3A_620 = arith.cmpi slt, %select_n3A_613, %lt3A_619 : i32
        %ne3A_621 = arith.xori %lt3A_618, %lt3A_620 : i1
        %and3A_622 = arith.andi %ne3A_621, %ne3A_616 : i1
        %add3A_623 = arith.addi %rem3A_614, %select_n3A_613 : i32
        %select_n3A_624 = arith.select %and3A_622, %add3A_623, %rem3A_614 : i32
        %mul3A_625 = arith.constant 32 : i32
        %mul3A_626 = arith.muli %select_n3A_624, %mul3A_625 : i32
        %swap3A_627 = arith.index_cast %select_n3A_608 : i32 to index
        %swap3A_628 = arith.index_cast %mul3A_626 : i32 to index
        %swap3A_629 = tpu.vector_load %arg25[%swap3A_627, %swap3A_628] {strides = array<i32>} : memref<32x128xbf16, #tpu.memory_space<vmem>>, vector<1x32xbf16>,
        %swap3A_630 = vector.shape_cast %swap3A_629 : vector<1x32xbf16> to vector<32xbf16>
        %swap3A_631 = vector.shape_cast %add3A_584 : vector<32xbf16> to vector<1x32xbf16>
        tpu.vector_store %arg25[%swap3A_627, %swap3A_628], %swap3A_631 {strides = array<i32>} : memref<32x128xbf16, #tpu.memory_space<vmem>>, vector<1x32xbf16>,
        %scan3A_632 = arith.constant 6 : i32
        %scan3A_633 = arith.addi %scan3A_265, %scan3A_632 : i32
        %get3A_634 = arith.index_cast %scan3A_633 : i32 to index
        %get3A_635 = arith.constant 0 : index
        %get3A_636 = tpu.vector_load %arg22[%get3A_634, %get3A_635] {strides = array<i32>} : memref<128x32xbf16, #tpu.memory_space<vmem>>, vector<1x32xbf16>,
        %get3A_637 = vector.shape_cast %get3A_636 : vector<1x32xbf16> to vector<32xbf16>
        %get3A_638 = arith.index_cast %scan3A_633 : i32 to index
        %get3A_639 = arith.constant 0 : index
        %get3A_640 = tpu.vector_load %arg23[%get3A_638, %get3A_639] {strides = array<i32>} : memref<128x32xbf16, #tpu.memory_space<vmem>>, vector<1x32xbf16>,
        %get3A_641 = vector.shape_cast %get3A_640 : vector<1x32xbf16> to vector<32xbf16>
        %add3A_642 = arith.addf %get3A_637, %get3A_641 : vector<32xbf16>
        %get3A_643 = arith.index_cast %scan3A_633 : i32 to index
        %get3A_644 = arith.constant 0 : index
        %get3A_645 = tpu.vector_load %arg24[%get3A_643, %get3A_644] {strides = array<i32>} : memref<128x32xbf16, #tpu.memory_space<vmem>>, vector<1x32xbf16>,
        %get3A_646 = vector.shape_cast %get3A_645 : vector<1x32xbf16> to vector<32xbf16>
        %add3A_647 = arith.addf %add3A_642, %get3A_646 : vector<32xbf16>
        %jit3A_648 = arith.constant 4 : i32
        %div3A_649 = arith.divsi %scan3A_633, %jit3A_648 : i32
        %sign3A_650 = arith.constant 0 : i32
        %sign3A_651 = arith.cmpi sgt, %scan3A_633, %sign3A_650 : i32
        %sign3A_652 = arith.extui %sign3A_651 : i1 to i32
        %sign3A_653 = arith.constant 0 : i32
        %sign3A_654 = arith.cmpi slt, %scan3A_633, %sign3A_653 : i32
        %sign3A_655 = arith.extui %sign3A_654 : i1 to i32
        %sign3A_656 = arith.subi %sign3A_652, %sign3A_655 : i32
        %sign3A_657 = arith.constant 0 : i32
        %sign3A_658 = arith.cmpi sgt, %jit3A_648, %sign3A_657 : i32
        %sign3A_659 = arith.extui %sign3A_658 : i1 to i32
        %sign3A_660 = arith.constant 0 : i32
        %sign3A_661 = arith.cmpi slt, %jit3A_648, %sign3A_660 : i32
        %sign3A_662 = arith.extui %sign3A_661 : i1 to i32
        %sign3A_663 = arith.subi %sign3A_659, %sign3A_662 : i32
        %ne3A_664 = arith.cmpi ne, %sign3A_656, %sign3A_663 : i32
        %rem3A_665 = arith.remsi %scan3A_633, %jit3A_648 : i32
        %ne3A_666 = arith.constant 0 : i32
        %ne3A_667 = arith.cmpi ne, %rem3A_665, %ne3A_666 : i32
        %and3A_668 = arith.andi %ne3A_664, %ne3A_667 : i1
        %sub3A_669 = arith.constant 1 : i32
        %sub3A_670 = arith.subi %div3A_649, %sub3A_669 : i32
        %select_n3A_671 = arith.select %and3A_668, %sub3A_670, %div3A_649 : i32
        %jit3A_672 = arith.constant 4 : i32
        %eq3A_673 = arith.constant 0 : i32
        %eq3A_674 = arith.cmpi eq, %jit3A_672, %eq3A_673 : i32
        %jit3A_675 = arith.constant 1 : i32
        %select_n3A_676 = arith.select %eq3A_674, %jit3A_675, %jit3A_672 : i32
        %rem3A_677 = arith.remsi %scan3A_633, %select_n3A_676 : i32
        %ne3A_678 = arith.constant 0 : i32
        %ne3A_679 = arith.cmpi ne, %rem3A_677, %ne3A_678 : i32
        %lt3A_680 = arith.constant 0 : i32
        %lt3A_681 = arith.cmpi slt, %rem3A_677, %lt3A_680 : i32
        %lt3A_682 = arith.constant 0 : i32
        %lt3A_683 = arith.cmpi slt, %select_n3A_676, %lt3A_682 : i32
        %ne3A_684 = arith.xori %lt3A_681, %lt3A_683 : i1
        %and3A_685 = arith.andi %ne3A_684, %ne3A_679 : i1
        %add3A_686 = arith.addi %rem3A_677, %select_n3A_676 : i32
        %select_n3A_687 = arith.select %and3A_685, %add3A_686, %rem3A_677 : i32
        %mul3A_688 = arith.constant 32 : i32
        %mul3A_689 = arith.muli %select_n3A_687, %mul3A_688 : i32
        %swap3A_690 = arith.index_cast %select_n3A_671 : i32 to index
        %swap3A_691 = arith.index_cast %mul3A_689 : i32 to index
        %swap3A_692 = tpu.vector_load %arg25[%swap3A_690, %swap3A_691] {strides = array<i32>} : memref<32x128xbf16, #tpu.memory_space<vmem>>, vector<1x32xbf16>,
        %swap3A_693 = vector.shape_cast %swap3A_692 : vector<1x32xbf16> to vector<32xbf16>
        %swap3A_694 = vector.shape_cast %add3A_647 : vector<32xbf16> to vector<1x32xbf16>
        tpu.vector_store %arg25[%swap3A_690, %swap3A_691], %swap3A_694 {strides = array<i32>} : memref<32x128xbf16, #tpu.memory_space<vmem>>, vector<1x32xbf16>,
        %scan3A_695 = arith.constant 7 : i32
        %scan3A_696 = arith.addi %scan3A_265, %scan3A_695 : i32
        %get3A_697 = arith.index_cast %scan3A_696 : i32 to index
        %get3A_698 = arith.constant 0 : index
        %get3A_699 = tpu.vector_load %arg22[%get3A_697, %get3A_698] {strides = array<i32>} : memref<128x32xbf16, #tpu.memory_space<vmem>>, vector<1x32xbf16>,
        %get3A_700 = vector.shape_cast %get3A_699 : vector<1x32xbf16> to vector<32xbf16>
        %get3A_701 = arith.index_cast %scan3A_696 : i32 to index
        %get3A_702 = arith.constant 0 : index
        %get3A_703 = tpu.vector_load %arg23[%get3A_701, %get3A_702] {strides = array<i32>} : memref<128x32xbf16, #tpu.memory_space<vmem>>, vector<1x32xbf16>,
        %get3A_704 = vector.shape_cast %get3A_703 : vector<1x32xbf16> to vector<32xbf16>
        %add3A_705 = arith.addf %get3A_700, %get3A_704 : vector<32xbf16>
        %get3A_706 = arith.index_cast %scan3A_696 : i32 to index
        %get3A_707 = arith.constant 0 : index
        %get3A_708 = tpu.vector_load %arg24[%get3A_706, %get3A_707] {strides = array<i32>} : memref<128x32xbf16, #tpu.memory_space<vmem>>, vector<1x32xbf16>,
        %get3A_709 = vector.shape_cast %get3A_708 : vector<1x32xbf16> to vector<32xbf16>
        %add3A_710 = arith.addf %add3A_705, %get3A_709 : vector<32xbf16>
        %jit3A_711 = arith.constant 4 : i32
        %div3A_712 = arith.divsi %scan3A_696, %jit3A_711 : i32
        %sign3A_713 = arith.constant 0 : i32
        %sign3A_714 = arith.cmpi sgt, %scan3A_696, %sign3A_713 : i32
        %sign3A_715 = arith.extui %sign3A_714 : i1 to i32
        %sign3A_716 = arith.constant 0 : i32
        %sign3A_717 = arith.cmpi slt, %scan3A_696, %sign3A_716 : i32
        %sign3A_718 = arith.extui %sign3A_717 : i1 to i32
        %sign3A_719 = arith.subi %sign3A_715, %sign3A_718 : i32
        %sign3A_720 = arith.constant 0 : i32
        %sign3A_721 = arith.cmpi sgt, %jit3A_711, %sign3A_720 : i32
        %sign3A_722 = arith.extui %sign3A_721 : i1 to i32
        %sign3A_723 = arith.constant 0 : i32
        %sign3A_724 = arith.cmpi slt, %jit3A_711, %sign3A_723 : i32
        %sign3A_725 = arith.extui %sign3A_724 : i1 to i32
        %sign3A_726 = arith.subi %sign3A_722, %sign3A_725 : i32
        %ne3A_727 = arith.cmpi ne, %sign3A_719, %sign3A_726 : i32
        %rem3A_728 = arith.remsi %scan3A_696, %jit3A_711 : i32
        %ne3A_729 = arith.constant 0 : i32
        %ne3A_730 = arith.cmpi ne, %rem3A_728, %ne3A_729 : i32
        %and3A_731 = arith.andi %ne3A_727, %ne3A_730 : i1
        %sub3A_732 = arith.constant 1 : i32
        %sub3A_733 = arith.subi %div3A_712, %sub3A_732 : i32
        %select_n3A_734 = arith.select %and3A_731, %sub3A_733, %div3A_712 : i32
        %jit3A_735 = arith.constant 4 : i32
        %eq3A_736 = arith.constant 0 : i32
        %eq3A_737 = arith.cmpi eq, %jit3A_735, %eq3A_736 : i32
        %jit3A_738 = arith.constant 1 : i32
        %select_n3A_739 = arith.select %eq3A_737, %jit3A_738, %jit3A_735 : i32
        %rem3A_740 = arith.remsi %scan3A_696, %select_n3A_739 : i32
        %ne3A_741 = arith.constant 0 : i32
        %ne3A_742 = arith.cmpi ne, %rem3A_740, %ne3A_741 : i32
        %lt3A_743 = arith.constant 0 : i32
        %lt3A_744 = arith.cmpi slt, %rem3A_740, %lt3A_743 : i32
        %lt3A_745 = arith.constant 0 : i32
        %lt3A_746 = arith.cmpi slt, %select_n3A_739, %lt3A_745 : i32
        %ne3A_747 = arith.xori %lt3A_744, %lt3A_746 : i1
        %and3A_748 = arith.andi %ne3A_747, %ne3A_742 : i1
        %add3A_749 = arith.addi %rem3A_740, %select_n3A_739 : i32
        %select_n3A_750 = arith.select %and3A_748, %add3A_749, %rem3A_740 : i32
        %mul3A_751 = arith.constant 32 : i32
        %mul3A_752 = arith.muli %select_n3A_750, %mul3A_751 : i32
        %swap3A_753 = arith.index_cast %select_n3A_734 : i32 to index
        %swap3A_754 = arith.index_cast %mul3A_752 : i32 to index
        %swap3A_755 = tpu.vector_load %arg25[%swap3A_753, %swap3A_754] {strides = array<i32>} : memref<32x128xbf16, #tpu.memory_space<vmem>>, vector<1x32xbf16>,
        %swap3A_756 = vector.shape_cast %swap3A_755 : vector<1x32xbf16> to vector<32xbf16>
        %swap3A_757 = vector.shape_cast %add3A_710 : vector<32xbf16> to vector<1x32xbf16>
        tpu.vector_store %arg25[%swap3A_753, %swap3A_754], %swap3A_757 {strides = array<i32>} : memref<32x128xbf16, #tpu.memory_space<vmem>>, vector<1x32xbf16>,
      }
      %scan3A_190 = arith.constant 128 : i32
      %mul3A_191 = arith.constant 32 : i32
      %mul3A_192 = arith.muli %add3A, %mul3A_191 : i32
      %dma_start3A_193 = arith.constant 0 : i32
      %dma_start3A_194 = tpu.memref_slice %arg10[%mul3A_115, %mul3A_192, %dma_start3A_193] : memref<50x1024x128xbf16, #tpu.memory_space<hbm>> -> memref<1x32x128xbf16, #tpu.memory_space<hbm>>
      %dma_start3A_195 = tpu.memref_squeeze %dma_start3A_194 : memref<1x32x128xbf16, #tpu.memory_space<hbm>> -> memref<32x128xbf16, #tpu.memory_space<hbm>>
      %dma_start3A_196 = arith.constant 0 : i32
      %dma_start3A_197 = tpu.memref_slice %arg10[%mul3A_115, %mul3A_192, %dma_start3A_196] : memref<50x1024x128xbf16, #tpu.memory_space<hbm>> -> memref<1x32x128xbf16, #tpu.memory_space<hbm>>
      %dma_start3A_198 = tpu.memref_squeeze %dma_start3A_197 : memref<1x32x128xbf16, #tpu.memory_space<hbm>> -> memref<32x128xbf16, #tpu.memory_space<hbm>>
      tpu.enqueue_dma source(%arg25 : memref<32x128xbf16, #tpu.memory_space<vmem>>) target(%dma_start3A_198 : memref<32x128xbf16, #tpu.memory_space<hbm>>) target_semaphore(%arg33 : memref<!tpu.dma_semaphore, #tpu.memory_space<semaphore_mem>>)
      %mul3A_199 = arith.constant 32 : i32
      %mul3A_200 = arith.muli %add3A, %mul3A_199 : i32
      %dma_wait3A_201 = arith.constant 0 : i32
      %dma_wait3A_202 = arith.constant 0 : i32
      %dma_wait3A_203 = tpu.memref_slice %arg10[%dma_wait3A_201, %mul3A_200, %dma_wait3A_202] : memref<50x1024x128xbf16, #tpu.memory_space<hbm>> -> memref<1x32x128xbf16, #tpu.memory_space<hbm>>
      %dma_wait3A_204 = tpu.memref_squeeze %dma_wait3A_203 : memref<1x32x128xbf16, #tpu.memory_space<hbm>> -> memref<32x128xbf16, #tpu.memory_space<hbm>>
      %dma_wait3A_205 = arith.constant 0 : i32
      %dma_wait3A_206 = tpu.memref_slice %arg10[%dma_wait3A_201, %mul3A_200, %dma_wait3A_205] : memref<50x1024x128xbf16, #tpu.memory_space<hbm>> -> memref<1x32x128xbf16, #tpu.memory_space<hbm>>
      %dma_wait3A_207 = tpu.memref_squeeze %dma_wait3A_206 : memref<1x32x128xbf16, #tpu.memory_space<hbm>> -> memref<32x128xbf16, #tpu.memory_space<hbm>>
      tpu.wait_dma2 semaphore(%arg33 : memref<!tpu.dma_semaphore, #tpu.memory_space<semaphore_mem>>) src(%arg25 : memref<32x128xbf16, #tpu.memory_space<vmem>>) dst(%dma_wait3A_207 : memref<32x128xbf16, #tpu.memory_space<hbm>>)
      %add3A_208 = arith.constant 2 : i32
      %add3A_209 = arith.addi %mul3A_115, %add3A_208 : i32
      %lt3A_210 = arith.constant 50 : i32
      %lt3A_211 = arith.cmpi slt, %add3A_209, %lt3A_210 : i32
      %convert_element_type3A_212 = arith.extui %lt3A_211 : i1 to i32
      %cond3A_213 = arith.constant 0 : i32
      %cond3A_214 = arith.cmpi ne, %convert_element_type3A_212, %cond3A_213 : i32
      scf.if %cond3A_214 {
        %add3A_265 = arith.constant 2 : i32
        %add3A_266 = arith.addi %mul3A_115, %add3A_265 : i32
        %dma_wait3A_267 = arith.constant 0 : i32
        %dma_wait3A_268 = arith.constant 0 : i32
        %dma_wait3A_269 = tpu.memref_slice %arg2[%dma_wait3A_267, %dma_wait3A_268] : memref<1600x128xi32, #tpu.memory_space<hbm>> -> memref<1x128xi32, #tpu.memory_space<hbm>>
        %dma_wait3A_270 = tpu.memref_squeeze %dma_wait3A_269 : memref<1x128xi32, #tpu.memory_space<hbm>> -> memref<128xi32, #tpu.memory_space<hbm>>
        %dma_wait3A_271 = arith.constant 0 : i32
        %dma_wait3A_272 = tpu.memref_slice %arg2[%dma_wait3A_267, %dma_wait3A_271] : memref<1600x128xi32, #tpu.memory_space<hbm>> -> memref<1x128xi32, #tpu.memory_space<hbm>>
        %dma_wait3A_273 = tpu.memref_squeeze %dma_wait3A_272 : memref<1x128xi32, #tpu.memory_space<hbm>> -> memref<128xi32, #tpu.memory_space<hbm>>
        tpu.wait_dma2 semaphore(%arg35 : memref<!tpu.dma_semaphore, #tpu.memory_space<semaphore_mem>>) src(%dma_wait3A_273 : memref<128xi32, #tpu.memory_space<hbm>>) dst(%arg12 : memref<128xi32, #tpu.memory_space<vmem>>)
        %dma_wait3A_274 = arith.constant 0 : i32
        %dma_wait3A_275 = arith.constant 0 : i32
        %dma_wait3A_276 = tpu.memref_slice %arg2[%dma_wait3A_274, %dma_wait3A_275] : memref<1600x128xi32, #tpu.memory_space<hbm>> -> memref<1x128xi32, #tpu.memory_space<hbm>>
        %dma_wait3A_277 = tpu.memref_squeeze %dma_wait3A_276 : memref<1x128xi32, #tpu.memory_space<hbm>> -> memref<128xi32, #tpu.memory_space<hbm>>
        %dma_wait3A_278 = arith.constant 0 : i32
        %dma_wait3A_279 = tpu.memref_slice %arg2[%dma_wait3A_274, %dma_wait3A_278] : memref<1600x128xi32, #tpu.memory_space<hbm>> -> memref<1x128xi32, #tpu.memory_space<hbm>>
        %dma_wait3A_280 = tpu.memref_squeeze %dma_wait3A_279 : memref<1x128xi32, #tpu.memory_space<hbm>> -> memref<128xi32, #tpu.memory_space<hbm>>
        tpu.wait_dma2 semaphore(%arg35 : memref<!tpu.dma_semaphore, #tpu.memory_space<semaphore_mem>>) src(%dma_wait3A_280 : memref<128xi32, #tpu.memory_space<hbm>>) dst(%arg12 : memref<128xi32, #tpu.memory_space<vmem>>)
        %dma_wait3A_281 = arith.constant 0 : i32
        %dma_wait3A_282 = arith.constant 0 : i32
        %dma_wait3A_283 = tpu.memref_slice %arg2[%dma_wait3A_281, %dma_wait3A_282] : memref<1600x128xi32, #tpu.memory_space<hbm>> -> memref<1x128xi32, #tpu.memory_space<hbm>>
        %dma_wait3A_284 = tpu.memref_squeeze %dma_wait3A_283 : memref<1x128xi32, #tpu.memory_space<hbm>> -> memref<128xi32, #tpu.memory_space<hbm>>
        %dma_wait3A_285 = arith.constant 0 : i32
        %dma_wait3A_286 = tpu.memref_slice %arg2[%dma_wait3A_281, %dma_wait3A_285] : memref<1600x128xi32, #tpu.memory_space<hbm>> -> memref<1x128xi32, #tpu.memory_space<hbm>>
        %dma_wait3A_287 = tpu.memref_squeeze %dma_wait3A_286 : memref<1x128xi32, #tpu.memory_space<hbm>> -> memref<128xi32, #tpu.memory_space<hbm>>
        tpu.wait_dma2 semaphore(%arg35 : memref<!tpu.dma_semaphore, #tpu.memory_space<semaphore_mem>>) src(%dma_wait3A_287 : memref<128xi32, #tpu.memory_space<hbm>>) dst(%arg12 : memref<128xi32, #tpu.memory_space<vmem>>)
        %dma_start3A_288 = arith.constant 0 : i32
        %dma_start3A_289 = arith.constant 0 : i32
        %dma_start3A_290 = tpu.memref_slice %arg19[%dma_start3A_288, %dma_start3A_289] : memref<100096x32xbf16, #tpu.memory_space<vmem_shared>> -> memref<100096x32xbf16, #tpu.memory_space<vmem_shared>>
        tpu.enqueue_indirect_dma source(%dma_start3A_290 : memref<100096x32xbf16, #tpu.memory_space<vmem_shared>>) target(%arg22 : memref<128x32xbf16, #tpu.memory_space<vmem>>) offsets(%arg12 : memref<128xi32, #tpu.memory_space<vmem>>) semaphore(%arg31 : memref<!tpu.dma_semaphore, #tpu.memory_space<semaphore_mem>>)
        %dma_start3A_291 = arith.constant 0 : i32
        %dma_start3A_292 = arith.constant 0 : i32
        %dma_start3A_293 = tpu.memref_slice %arg20[%dma_start3A_291, %dma_start3A_292] : memref<1024x32xbf16, #tpu.memory_space<vmem_shared>> -> memref<1024x32xbf16, #tpu.memory_space<vmem_shared>>
        tpu.enqueue_indirect_dma source(%dma_start3A_293 : memref<1024x32xbf16, #tpu.memory_space<vmem_shared>>) target(%arg23 : memref<128x32xbf16, #tpu.memory_space<vmem>>) offsets(%arg13 : memref<128xi32, #tpu.memory_space<vmem>>) semaphore(%arg31 : memref<!tpu.dma_semaphore, #tpu.memory_space<semaphore_mem>>)
        %dma_start3A_294 = arith.constant 0 : i32
        %dma_start3A_295 = arith.constant 0 : i32
        %dma_start3A_296 = tpu.memref_slice %arg21[%dma_start3A_294, %dma_start3A_295] : memref<64x32xbf16, #tpu.memory_space<vmem_shared>> -> memref<64x32xbf16, #tpu.memory_space<vmem_shared>>
        tpu.enqueue_indirect_dma source(%dma_start3A_296 : memref<64x32xbf16, #tpu.memory_space<vmem_shared>>) target(%arg24 : memref<128x32xbf16, #tpu.memory_space<vmem>>) offsets(%arg14 : memref<128xi32, #tpu.memory_space<vmem>>) semaphore(%arg31 : memref<!tpu.dma_semaphore, #tpu.memory_space<semaphore_mem>>)
      } else {
      }
      %add3A_215 = arith.constant 1 : i32
      %add3A_216 = arith.addi %mul3A_115, %add3A_215 : i32
      %mul3A_217 = arith.constant 32 : i32
      %mul3A_218 = arith.muli %add3A, %mul3A_217 : i32
      %dma_wait3A_219 = arith.constant 0 : i32
      %dma_wait3A_220 = arith.constant 0 : i32
      %dma_wait3A_221 = tpu.memref_slice %arg10[%dma_wait3A_219, %mul3A_218, %dma_wait3A_220] : memref<50x1024x128xbf16, #tpu.memory_space<hbm>> -> memref<1x32x128xbf16, #tpu.memory_space<hbm>>
      %dma_wait3A_222 = tpu.memref_squeeze %dma_wait3A_221 : memref<1x32x128xbf16, #tpu.memory_space<hbm>> -> memref<32x128xbf16, #tpu.memory_space<hbm>>
      %dma_wait3A_223 = arith.constant 0 : i32
      %dma_wait3A_224 = tpu.memref_slice %arg10[%dma_wait3A_219, %mul3A_218, %dma_wait3A_223] : memref<50x1024x128xbf16, #tpu.memory_space<hbm>> -> memref<1x32x128xbf16, #tpu.memory_space<hbm>>
      %dma_wait3A_225 = tpu.memref_squeeze %dma_wait3A_224 : memref<1x32x128xbf16, #tpu.memory_space<hbm>> -> memref<32x128xbf16, #tpu.memory_space<hbm>>
      tpu.wait_dma2 semaphore(%arg32 : memref<!tpu.dma_semaphore, #tpu.memory_space<semaphore_mem>>) src(%dma_wait3A_225 : memref<32x128xbf16, #tpu.memory_space<hbm>>) dst(%arg26 : memref<128x32xbf16, #tpu.memory_space<vmem>>)
      %mul3A_226 = arith.constant 32 : i32
      %mul3A_227 = arith.muli %add3A, %mul3A_226 : i32
      %dma_wait3A_228 = arith.constant 0 : i32
      %dma_wait3A_229 = arith.constant 0 : i32
      %dma_wait3A_230 = tpu.memref_slice %arg10[%dma_wait3A_228, %mul3A_227, %dma_wait3A_229] : memref<50x1024x128xbf16, #tpu.memory_space<hbm>> -> memref<1x32x128xbf16, #tpu.memory_space<hbm>>
      %dma_wait3A_231 = tpu.memref_squeeze %dma_wait3A_230 : memref<1x32x128xbf16, #tpu.memory_space<hbm>> -> memref<32x128xbf16, #tpu.memory_space<hbm>>
      %dma_wait3A_232 = arith.constant 0 : i32
      %dma_wait3A_233 = tpu.memref_slice %arg10[%dma_wait3A_228, %mul3A_227, %dma_wait3A_232] : memref<50x1024x128xbf16, #tpu.memory_space<hbm>> -> memref<1x32x128xbf16, #tpu.memory_space<hbm>>
      %dma_wait3A_234 = tpu.memref_squeeze %dma_wait3A_233 : memref<1x32x128xbf16, #tpu.memory_space<hbm>> -> memref<32x128xbf16, #tpu.memory_space<hbm>>
      tpu.wait_dma2 semaphore(%arg32 : memref<!tpu.dma_semaphore, #tpu.memory_space<semaphore_mem>>) src(%dma_wait3A_234 : memref<32x128xbf16, #tpu.memory_space<hbm>>) dst(%arg26 : memref<128x32xbf16, #tpu.memory_space<vmem>>)
      %mul3A_235 = arith.constant 32 : i32
      %mul3A_236 = arith.muli %add3A, %mul3A_235 : i32
      %dma_wait3A_237 = arith.constant 0 : i32
      %dma_wait3A_238 = arith.constant 0 : i32
      %dma_wait3A_239 = tpu.memref_slice %arg10[%dma_wait3A_237, %mul3A_236, %dma_wait3A_238] : memref<50x1024x128xbf16, #tpu.memory_space<hbm>> -> memref<1x32x128xbf16, #tpu.memory_space<hbm>>
      %dma_wait3A_240 = tpu.memref_squeeze %dma_wait3A_239 : memref<1x32x128xbf16, #tpu.memory_space<hbm>> -> memref<32x128xbf16, #tpu.memory_space<hbm>>
      %dma_wait3A_241 = arith.constant 0 : i32
      %dma_wait3A_242 = tpu.memref_slice %arg10[%dma_wait3A_237, %mul3A_236, %dma_wait3A_241] : memref<50x1024x128xbf16, #tpu.memory_space<hbm>> -> memref<1x32x128xbf16, #tpu.memory_space<hbm>>
      %dma_wait3A_243 = tpu.memref_squeeze %dma_wait3A_242 : memref<1x32x128xbf16, #tpu.memory_space<hbm>> -> memref<32x128xbf16, #tpu.memory_space<hbm>>
      tpu.wait_dma2 semaphore(%arg32 : memref<!tpu.dma_semaphore, #tpu.memory_space<semaphore_mem>>) src(%dma_wait3A_243 : memref<32x128xbf16, #tpu.memory_space<hbm>>) dst(%arg26 : memref<128x32xbf16, #tpu.memory_space<vmem>>)
      %add3A_244 = arith.constant 2 : i32
      %add3A_245 = arith.addi %add3A_216, %add3A_244 : i32
      %lt3A_246 = arith.constant 50 : i32
      %lt3A_247 = arith.cmpi slt, %add3A_245, %lt3A_246 : i32
      %convert_element_type3A_248 = arith.extui %lt3A_247 : i1 to i32
      %cond3A_249 = arith.constant 0 : i32
      %cond3A_250 = arith.cmpi ne, %convert_element_type3A_248, %cond3A_249 : i32
      scf.if %cond3A_250 {
        %add3A_265 = arith.constant 2 : i32
        %add3A_266 = arith.addi %add3A_216, %add3A_265 : i32
        %mul3A_267 = arith.constant 50 : i32
        %mul3A_268 = arith.muli %add3A, %mul3A_267 : i32
        %add3A_269 = arith.addi %mul3A_268, %add3A_266 : i32
        %dma_start3A_270 = arith.constant 0 : i32
        %dma_start3A_271 = tpu.memref_slice %arg2[%add3A_269, %dma_start3A_270] : memref<1600x128xi32, #tpu.memory_space<hbm>> -> memref<1x128xi32, #tpu.memory_space<hbm>>
        %dma_start3A_272 = tpu.memref_squeeze %dma_start3A_271 : memref<1x128xi32, #tpu.memory_space<hbm>> -> memref<128xi32, #tpu.memory_space<hbm>>
        %dma_start3A_273 = arith.constant 0 : i32
        %dma_start3A_274 = tpu.memref_slice %arg2[%add3A_269, %dma_start3A_273] : memref<1600x128xi32, #tpu.memory_space<hbm>> -> memref<1x128xi32, #tpu.memory_space<hbm>>
        %dma_start3A_275 = tpu.memref_squeeze %dma_start3A_274 : memref<1x128xi32, #tpu.memory_space<hbm>> -> memref<128xi32, #tpu.memory_space<hbm>>
        tpu.enqueue_dma source(%dma_start3A_275 : memref<128xi32, #tpu.memory_space<hbm>>) target(%arg15 : memref<128xi32, #tpu.memory_space<vmem>>) target_semaphore(%arg36 : memref<!tpu.dma_semaphore, #tpu.memory_space<semaphore_mem>>)
        %mul3A_276 = arith.constant 50 : i32
        %mul3A_277 = arith.muli %add3A, %mul3A_276 : i32
        %add3A_278 = arith.addi %mul3A_277, %add3A_266 : i32
        %dma_start3A_279 = arith.constant 0 : i32
        %dma_start3A_280 = tpu.memref_slice %arg4[%add3A_278, %dma_start3A_279] : memref<1600x128xi32, #tpu.memory_space<hbm>> -> memref<1x128xi32, #tpu.memory_space<hbm>>
        %dma_start3A_281 = tpu.memref_squeeze %dma_start3A_280 : memref<1x128xi32, #tpu.memory_space<hbm>> -> memref<128xi32, #tpu.memory_space<hbm>>
        %dma_start3A_282 = arith.constant 0 : i32
        %dma_start3A_283 = tpu.memref_slice %arg4[%add3A_278, %dma_start3A_282] : memref<1600x128xi32, #tpu.memory_space<hbm>> -> memref<1x128xi32, #tpu.memory_space<hbm>>
        %dma_start3A_284 = tpu.memref_squeeze %dma_start3A_283 : memref<1x128xi32, #tpu.memory_space<hbm>> -> memref<128xi32, #tpu.memory_space<hbm>>
        tpu.enqueue_dma source(%dma_start3A_284 : memref<128xi32, #tpu.memory_space<hbm>>) target(%arg16 : memref<128xi32, #tpu.memory_space<vmem>>) target_semaphore(%arg36 : memref<!tpu.dma_semaphore, #tpu.memory_space<semaphore_mem>>)
        %mul3A_285 = arith.constant 50 : i32
        %mul3A_286 = arith.muli %add3A, %mul3A_285 : i32
        %add3A_287 = arith.addi %mul3A_286, %add3A_266 : i32
        %dma_start3A_288 = arith.constant 0 : i32
        %dma_start3A_289 = tpu.memref_slice %arg3[%add3A_287, %dma_start3A_288] : memref<1600x128xi32, #tpu.memory_space<hbm>> -> memref<1x128xi32, #tpu.memory_space<hbm>>
        %dma_start3A_290 = tpu.memref_squeeze %dma_start3A_289 : memref<1x128xi32, #tpu.memory_space<hbm>> -> memref<128xi32, #tpu.memory_space<hbm>>
        %dma_start3A_291 = arith.constant 0 : i32
        %dma_start3A_292 = tpu.memref_slice %arg3[%add3A_287, %dma_start3A_291] : memref<1600x128xi32, #tpu.memory_space<hbm>> -> memref<1x128xi32, #tpu.memory_space<hbm>>
        %dma_start3A_293 = tpu.memref_squeeze %dma_start3A_292 : memref<1x128xi32, #tpu.memory_space<hbm>> -> memref<128xi32, #tpu.memory_space<hbm>>
        tpu.enqueue_dma source(%dma_start3A_293 : memref<128xi32, #tpu.memory_space<hbm>>) target(%arg17 : memref<128xi32, #tpu.memory_space<vmem>>) target_semaphore(%arg36 : memref<!tpu.dma_semaphore, #tpu.memory_space<semaphore_mem>>)
      } else {
      }
      %scan3A_251 = arith.constant 0 : i32
      %scan3A_252 = arith.constant 0 : i32
      %scan3A_253 = arith.constant 128 : i32
      %scan3A_254 = arith.addi %scan3A_252, %scan3A_253 : i32
      %scan3A_255 = arith.constant 8 : i32
      scf.for %scan3A_265 = %scan3A_252 to %scan3A_254 step %scan3A_255  : i32 {
        %get3A = arith.index_cast %scan3A_265 : i32 to index
        %get3A_266 = arith.constant 0 : index
        %get3A_267 = tpu.vector_load %arg26[%get3A, %get3A_266] {strides = array<i32>} : memref<128x32xbf16, #tpu.memory_space<vmem>>, vector<1x32xbf16>,
        %get3A_268 = vector.shape_cast %get3A_267 : vector<1x32xbf16> to vector<32xbf16>
        %get3A_269 = arith.index_cast %scan3A_265 : i32 to index
        %get3A_270 = arith.constant 0 : index
        %get3A_271 = tpu.vector_load %arg27[%get3A_269, %get3A_270] {strides = array<i32>} : memref<128x32xbf16, #tpu.memory_space<vmem>>, vector<1x32xbf16>,
        %get3A_272 = vector.shape_cast %get3A_271 : vector<1x32xbf16> to vector<32xbf16>
        %add3A_273 = arith.addf %get3A_268, %get3A_272 : vector<32xbf16>
        %get3A_274 = arith.index_cast %scan3A_265 : i32 to index
        %get3A_275 = arith.constant 0 : index
        %get3A_276 = tpu.vector_load %arg28[%get3A_274, %get3A_275] {strides = array<i32>} : memref<128x32xbf16, #tpu.memory_space<vmem>>, vector<1x32xbf16>,
        %get3A_277 = vector.shape_cast %get3A_276 : vector<1x32xbf16> to vector<32xbf16>
        %add3A_278 = arith.addf %add3A_273, %get3A_277 : vector<32xbf16>
        %jit3A = arith.constant 4 : i32
        %div3A = arith.divsi %scan3A_265, %jit3A : i32
        %sign3A = arith.constant 0 : i32
        %sign3A_279 = arith.cmpi sgt, %scan3A_265, %sign3A : i32
        %sign3A_280 = arith.extui %sign3A_279 : i1 to i32
        %sign3A_281 = arith.constant 0 : i32
        %sign3A_282 = arith.cmpi slt, %scan3A_265, %sign3A_281 : i32
        %sign3A_283 = arith.extui %sign3A_282 : i1 to i32
        %sign3A_284 = arith.subi %sign3A_280, %sign3A_283 : i32
        %sign3A_285 = arith.constant 0 : i32
        %sign3A_286 = arith.cmpi sgt, %jit3A, %sign3A_285 : i32
        %sign3A_287 = arith.extui %sign3A_286 : i1 to i32
        %sign3A_288 = arith.constant 0 : i32
        %sign3A_289 = arith.cmpi slt, %jit3A, %sign3A_288 : i32
        %sign3A_290 = arith.extui %sign3A_289 : i1 to i32
        %sign3A_291 = arith.subi %sign3A_287, %sign3A_290 : i32
        %ne3A = arith.cmpi ne, %sign3A_284, %sign3A_291 : i32
        %rem3A = arith.remsi %scan3A_265, %jit3A : i32
        %ne3A_292 = arith.constant 0 : i32
        %ne3A_293 = arith.cmpi ne, %rem3A, %ne3A_292 : i32
        %and3A = arith.andi %ne3A, %ne3A_293 : i1
        %sub3A = arith.constant 1 : i32
        %sub3A_294 = arith.subi %div3A, %sub3A : i32
        %select_n3A = arith.select %and3A, %sub3A_294, %div3A : i32
        %jit3A_295 = arith.constant 4 : i32
        %eq3A_296 = arith.constant 0 : i32
        %eq3A_297 = arith.cmpi eq, %jit3A_295, %eq3A_296 : i32
        %jit3A_298 = arith.constant 1 : i32
        %select_n3A_299 = arith.select %eq3A_297, %jit3A_298, %jit3A_295 : i32
        %rem3A_300 = arith.remsi %scan3A_265, %select_n3A_299 : i32
        %ne3A_301 = arith.constant 0 : i32
        %ne3A_302 = arith.cmpi ne, %rem3A_300, %ne3A_301 : i32
        %lt3A_303 = arith.constant 0 : i32
        %lt3A_304 = arith.cmpi slt, %rem3A_300, %lt3A_303 : i32
        %lt3A_305 = arith.constant 0 : i32
        %lt3A_306 = arith.cmpi slt, %select_n3A_299, %lt3A_305 : i32
        %ne3A_307 = arith.xori %lt3A_304, %lt3A_306 : i1
        %and3A_308 = arith.andi %ne3A_307, %ne3A_302 : i1
        %add3A_309 = arith.addi %rem3A_300, %select_n3A_299 : i32
        %select_n3A_310 = arith.select %and3A_308, %add3A_309, %rem3A_300 : i32
        %mul3A_311 = arith.constant 32 : i32
        %mul3A_312 = arith.muli %select_n3A_310, %mul3A_311 : i32
        %swap3A = arith.index_cast %select_n3A : i32 to index
        %swap3A_313 = arith.index_cast %mul3A_312 : i32 to index
        %swap3A_314 = tpu.vector_load %arg29[%swap3A, %swap3A_313] {strides = array<i32>} : memref<32x128xbf16, #tpu.memory_space<vmem>>, vector<1x32xbf16>,
        %swap3A_315 = vector.shape_cast %swap3A_314 : vector<1x32xbf16> to vector<32xbf16>
        %swap3A_316 = vector.shape_cast %add3A_278 : vector<32xbf16> to vector<1x32xbf16>
        tpu.vector_store %arg29[%swap3A, %swap3A_313], %swap3A_316 {strides = array<i32>} : memref<32x128xbf16, #tpu.memory_space<vmem>>, vector<1x32xbf16>,
        %scan3A_317 = arith.constant 1 : i32
        %scan3A_318 = arith.addi %scan3A_265, %scan3A_317 : i32
        %get3A_319 = arith.index_cast %scan3A_318 : i32 to index
        %get3A_320 = arith.constant 0 : index
        %get3A_321 = tpu.vector_load %arg26[%get3A_319, %get3A_320] {strides = array<i32>} : memref<128x32xbf16, #tpu.memory_space<vmem>>, vector<1x32xbf16>,
        %get3A_322 = vector.shape_cast %get3A_321 : vector<1x32xbf16> to vector<32xbf16>
        %get3A_323 = arith.index_cast %scan3A_318 : i32 to index
        %get3A_324 = arith.constant 0 : index
        %get3A_325 = tpu.vector_load %arg27[%get3A_323, %get3A_324] {strides = array<i32>} : memref<128x32xbf16, #tpu.memory_space<vmem>>, vector<1x32xbf16>,
        %get3A_326 = vector.shape_cast %get3A_325 : vector<1x32xbf16> to vector<32xbf16>
        %add3A_327 = arith.addf %get3A_322, %get3A_326 : vector<32xbf16>
        %get3A_328 = arith.index_cast %scan3A_318 : i32 to index
        %get3A_329 = arith.constant 0 : index
        %get3A_330 = tpu.vector_load %arg28[%get3A_328, %get3A_329] {strides = array<i32>} : memref<128x32xbf16, #tpu.memory_space<vmem>>, vector<1x32xbf16>,
        %get3A_331 = vector.shape_cast %get3A_330 : vector<1x32xbf16> to vector<32xbf16>
        %add3A_332 = arith.addf %add3A_327, %get3A_331 : vector<32xbf16>
        %jit3A_333 = arith.constant 4 : i32
        %div3A_334 = arith.divsi %scan3A_318, %jit3A_333 : i32
        %sign3A_335 = arith.constant 0 : i32
        %sign3A_336 = arith.cmpi sgt, %scan3A_318, %sign3A_335 : i32
        %sign3A_337 = arith.extui %sign3A_336 : i1 to i32
        %sign3A_338 = arith.constant 0 : i32
        %sign3A_339 = arith.cmpi slt, %scan3A_318, %sign3A_338 : i32
        %sign3A_340 = arith.extui %sign3A_339 : i1 to i32
        %sign3A_341 = arith.subi %sign3A_337, %sign3A_340 : i32
        %sign3A_342 = arith.constant 0 : i32
        %sign3A_343 = arith.cmpi sgt, %jit3A_333, %sign3A_342 : i32
        %sign3A_344 = arith.extui %sign3A_343 : i1 to i32
        %sign3A_345 = arith.constant 0 : i32
        %sign3A_346 = arith.cmpi slt, %jit3A_333, %sign3A_345 : i32
        %sign3A_347 = arith.extui %sign3A_346 : i1 to i32
        %sign3A_348 = arith.subi %sign3A_344, %sign3A_347 : i32
        %ne3A_349 = arith.cmpi ne, %sign3A_341, %sign3A_348 : i32
        %rem3A_350 = arith.remsi %scan3A_318, %jit3A_333 : i32
        %ne3A_351 = arith.constant 0 : i32
        %ne3A_352 = arith.cmpi ne, %rem3A_350, %ne3A_351 : i32
        %and3A_353 = arith.andi %ne3A_349, %ne3A_352 : i1
        %sub3A_354 = arith.constant 1 : i32
        %sub3A_355 = arith.subi %div3A_334, %sub3A_354 : i32
        %select_n3A_356 = arith.select %and3A_353, %sub3A_355, %div3A_334 : i32
        %jit3A_357 = arith.constant 4 : i32
        %eq3A_358 = arith.constant 0 : i32
        %eq3A_359 = arith.cmpi eq, %jit3A_357, %eq3A_358 : i32
        %jit3A_360 = arith.constant 1 : i32
        %select_n3A_361 = arith.select %eq3A_359, %jit3A_360, %jit3A_357 : i32
        %rem3A_362 = arith.remsi %scan3A_318, %select_n3A_361 : i32
        %ne3A_363 = arith.constant 0 : i32
        %ne3A_364 = arith.cmpi ne, %rem3A_362, %ne3A_363 : i32
        %lt3A_365 = arith.constant 0 : i32
        %lt3A_366 = arith.cmpi slt, %rem3A_362, %lt3A_365 : i32
        %lt3A_367 = arith.constant 0 : i32
        %lt3A_368 = arith.cmpi slt, %select_n3A_361, %lt3A_367 : i32
        %ne3A_369 = arith.xori %lt3A_366, %lt3A_368 : i1
        %and3A_370 = arith.andi %ne3A_369, %ne3A_364 : i1
        %add3A_371 = arith.addi %rem3A_362, %select_n3A_361 : i32
        %select_n3A_372 = arith.select %and3A_370, %add3A_371, %rem3A_362 : i32
        %mul3A_373 = arith.constant 32 : i32
        %mul3A_374 = arith.muli %select_n3A_372, %mul3A_373 : i32
        %swap3A_375 = arith.index_cast %select_n3A_356 : i32 to index
        %swap3A_376 = arith.index_cast %mul3A_374 : i32 to index
        %swap3A_377 = tpu.vector_load %arg29[%swap3A_375, %swap3A_376] {strides = array<i32>} : memref<32x128xbf16, #tpu.memory_space<vmem>>, vector<1x32xbf16>,
        %swap3A_378 = vector.shape_cast %swap3A_377 : vector<1x32xbf16> to vector<32xbf16>
        %swap3A_379 = vector.shape_cast %add3A_332 : vector<32xbf16> to vector<1x32xbf16>
        tpu.vector_store %arg29[%swap3A_375, %swap3A_376], %swap3A_379 {strides = array<i32>} : memref<32x128xbf16, #tpu.memory_space<vmem>>, vector<1x32xbf16>,
        %scan3A_380 = arith.constant 2 : i32
        %scan3A_381 = arith.addi %scan3A_265, %scan3A_380 : i32
        %get3A_382 = arith.index_cast %scan3A_381 : i32 to index
        %get3A_383 = arith.constant 0 : index
        %get3A_384 = tpu.vector_load %arg26[%get3A_382, %get3A_383] {strides = array<i32>} : memref<128x32xbf16, #tpu.memory_space<vmem>>, vector<1x32xbf16>,
        %get3A_385 = vector.shape_cast %get3A_384 : vector<1x32xbf16> to vector<32xbf16>
        %get3A_386 = arith.index_cast %scan3A_381 : i32 to index
        %get3A_387 = arith.constant 0 : index
        %get3A_388 = tpu.vector_load %arg27[%get3A_386, %get3A_387] {strides = array<i32>} : memref<128x32xbf16, #tpu.memory_space<vmem>>, vector<1x32xbf16>,
        %get3A_389 = vector.shape_cast %get3A_388 : vector<1x32xbf16> to vector<32xbf16>
        %add3A_390 = arith.addf %get3A_385, %get3A_389 : vector<32xbf16>
        %get3A_391 = arith.index_cast %scan3A_381 : i32 to index
        %get3A_392 = arith.constant 0 : index
        %get3A_393 = tpu.vector_load %arg28[%get3A_391, %get3A_392] {strides = array<i32>} : memref<128x32xbf16, #tpu.memory_space<vmem>>, vector<1x32xbf16>,
        %get3A_394 = vector.shape_cast %get3A_393 : vector<1x32xbf16> to vector<32xbf16>
        %add3A_395 = arith.addf %add3A_390, %get3A_394 : vector<32xbf16>
        %jit3A_396 = arith.constant 4 : i32
        %div3A_397 = arith.divsi %scan3A_381, %jit3A_396 : i32
        %sign3A_398 = arith.constant 0 : i32
        %sign3A_399 = arith.cmpi sgt, %scan3A_381, %sign3A_398 : i32
        %sign3A_400 = arith.extui %sign3A_399 : i1 to i32
        %sign3A_401 = arith.constant 0 : i32
        %sign3A_402 = arith.cmpi slt, %scan3A_381, %sign3A_401 : i32
        %sign3A_403 = arith.extui %sign3A_402 : i1 to i32
        %sign3A_404 = arith.subi %sign3A_400, %sign3A_403 : i32
        %sign3A_405 = arith.constant 0 : i32
        %sign3A_406 = arith.cmpi sgt, %jit3A_396, %sign3A_405 : i32
        %sign3A_407 = arith.extui %sign3A_406 : i1 to i32
        %sign3A_408 = arith.constant 0 : i32
        %sign3A_409 = arith.cmpi slt, %jit3A_396, %sign3A_408 : i32
        %sign3A_410 = arith.extui %sign3A_409 : i1 to i32
        %sign3A_411 = arith.subi %sign3A_407, %sign3A_410 : i32
        %ne3A_412 = arith.cmpi ne, %sign3A_404, %sign3A_411 : i32
        %rem3A_413 = arith.remsi %scan3A_381, %jit3A_396 : i32
        %ne3A_414 = arith.constant 0 : i32
        %ne3A_415 = arith.cmpi ne, %rem3A_413, %ne3A_414 : i32
        %and3A_416 = arith.andi %ne3A_412, %ne3A_415 : i1
        %sub3A_417 = arith.constant 1 : i32
        %sub3A_418 = arith.subi %div3A_397, %sub3A_417 : i32
        %select_n3A_419 = arith.select %and3A_416, %sub3A_418, %div3A_397 : i32
        %jit3A_420 = arith.constant 4 : i32
        %eq3A_421 = arith.constant 0 : i32
        %eq3A_422 = arith.cmpi eq, %jit3A_420, %eq3A_421 : i32
        %jit3A_423 = arith.constant 1 : i32
        %select_n3A_424 = arith.select %eq3A_422, %jit3A_423, %jit3A_420 : i32
        %rem3A_425 = arith.remsi %scan3A_381, %select_n3A_424 : i32
        %ne3A_426 = arith.constant 0 : i32
        %ne3A_427 = arith.cmpi ne, %rem3A_425, %ne3A_426 : i32
        %lt3A_428 = arith.constant 0 : i32
        %lt3A_429 = arith.cmpi slt, %rem3A_425, %lt3A_428 : i32
        %lt3A_430 = arith.constant 0 : i32
        %lt3A_431 = arith.cmpi slt, %select_n3A_424, %lt3A_430 : i32
        %ne3A_432 = arith.xori %lt3A_429, %lt3A_431 : i1
        %and3A_433 = arith.andi %ne3A_432, %ne3A_427 : i1
        %add3A_434 = arith.addi %rem3A_425, %select_n3A_424 : i32
        %select_n3A_435 = arith.select %and3A_433, %add3A_434, %rem3A_425 : i32
        %mul3A_436 = arith.constant 32 : i32
        %mul3A_437 = arith.muli %select_n3A_435, %mul3A_436 : i32
        %swap3A_438 = arith.index_cast %select_n3A_419 : i32 to index
        %swap3A_439 = arith.index_cast %mul3A_437 : i32 to index
        %swap3A_440 = tpu.vector_load %arg29[%swap3A_438, %swap3A_439] {strides = array<i32>} : memref<32x128xbf16, #tpu.memory_space<vmem>>, vector<1x32xbf16>,
        %swap3A_441 = vector.shape_cast %swap3A_440 : vector<1x32xbf16> to vector<32xbf16>
        %swap3A_442 = vector.shape_cast %add3A_395 : vector<32xbf16> to vector<1x32xbf16>
        tpu.vector_store %arg29[%swap3A_438, %swap3A_439], %swap3A_442 {strides = array<i32>} : memref<32x128xbf16, #tpu.memory_space<vmem>>, vector<1x32xbf16>,
        %scan3A_443 = arith.constant 3 : i32
        %scan3A_444 = arith.addi %scan3A_265, %scan3A_443 : i32
        %get3A_445 = arith.index_cast %scan3A_444 : i32 to index
        %get3A_446 = arith.constant 0 : index
        %get3A_447 = tpu.vector_load %arg26[%get3A_445, %get3A_446] {strides = array<i32>} : memref<128x32xbf16, #tpu.memory_space<vmem>>, vector<1x32xbf16>,
        %get3A_448 = vector.shape_cast %get3A_447 : vector<1x32xbf16> to vector<32xbf16>
        %get3A_449 = arith.index_cast %scan3A_444 : i32 to index
        %get3A_450 = arith.constant 0 : index
        %get3A_451 = tpu.vector_load %arg27[%get3A_449, %get3A_450] {strides = array<i32>} : memref<128x32xbf16, #tpu.memory_space<vmem>>, vector<1x32xbf16>,
        %get3A_452 = vector.shape_cast %get3A_451 : vector<1x32xbf16> to vector<32xbf16>
        %add3A_453 = arith.addf %get3A_448, %get3A_452 : vector<32xbf16>
        %get3A_454 = arith.index_cast %scan3A_444 : i32 to index
        %get3A_455 = arith.constant 0 : index
        %get3A_456 = tpu.vector_load %arg28[%get3A_454, %get3A_455] {strides = array<i32>} : memref<128x32xbf16, #tpu.memory_space<vmem>>, vector<1x32xbf16>,
        %get3A_457 = vector.shape_cast %get3A_456 : vector<1x32xbf16> to vector<32xbf16>
        %add3A_458 = arith.addf %add3A_453, %get3A_457 : vector<32xbf16>
        %jit3A_459 = arith.constant 4 : i32
        %div3A_460 = arith.divsi %scan3A_444, %jit3A_459 : i32
        %sign3A_461 = arith.constant 0 : i32
        %sign3A_462 = arith.cmpi sgt, %scan3A_444, %sign3A_461 : i32
        %sign3A_463 = arith.extui %sign3A_462 : i1 to i32
        %sign3A_464 = arith.constant 0 : i32
        %sign3A_465 = arith.cmpi slt, %scan3A_444, %sign3A_464 : i32
        %sign3A_466 = arith.extui %sign3A_465 : i1 to i32
        %sign3A_467 = arith.subi %sign3A_463, %sign3A_466 : i32
        %sign3A_468 = arith.constant 0 : i32
        %sign3A_469 = arith.cmpi sgt, %jit3A_459, %sign3A_468 : i32
        %sign3A_470 = arith.extui %sign3A_469 : i1 to i32
        %sign3A_471 = arith.constant 0 : i32
        %sign3A_472 = arith.cmpi slt, %jit3A_459, %sign3A_471 : i32
        %sign3A_473 = arith.extui %sign3A_472 : i1 to i32
        %sign3A_474 = arith.subi %sign3A_470, %sign3A_473 : i32
        %ne3A_475 = arith.cmpi ne, %sign3A_467, %sign3A_474 : i32
        %rem3A_476 = arith.remsi %scan3A_444, %jit3A_459 : i32
        %ne3A_477 = arith.constant 0 : i32
        %ne3A_478 = arith.cmpi ne, %rem3A_476, %ne3A_477 : i32
        %and3A_479 = arith.andi %ne3A_475, %ne3A_478 : i1
        %sub3A_480 = arith.constant 1 : i32
        %sub3A_481 = arith.subi %div3A_460, %sub3A_480 : i32
        %select_n3A_482 = arith.select %and3A_479, %sub3A_481, %div3A_460 : i32
        %jit3A_483 = arith.constant 4 : i32
        %eq3A_484 = arith.constant 0 : i32
        %eq3A_485 = arith.cmpi eq, %jit3A_483, %eq3A_484 : i32
        %jit3A_486 = arith.constant 1 : i32
        %select_n3A_487 = arith.select %eq3A_485, %jit3A_486, %jit3A_483 : i32
        %rem3A_488 = arith.remsi %scan3A_444, %select_n3A_487 : i32
        %ne3A_489 = arith.constant 0 : i32
        %ne3A_490 = arith.cmpi ne, %rem3A_488, %ne3A_489 : i32
        %lt3A_491 = arith.constant 0 : i32
        %lt3A_492 = arith.cmpi slt, %rem3A_488, %lt3A_491 : i32
        %lt3A_493 = arith.constant 0 : i32
        %lt3A_494 = arith.cmpi slt, %select_n3A_487, %lt3A_493 : i32
        %ne3A_495 = arith.xori %lt3A_492, %lt3A_494 : i1
        %and3A_496 = arith.andi %ne3A_495, %ne3A_490 : i1
        %add3A_497 = arith.addi %rem3A_488, %select_n3A_487 : i32
        %select_n3A_498 = arith.select %and3A_496, %add3A_497, %rem3A_488 : i32
        %mul3A_499 = arith.constant 32 : i32
        %mul3A_500 = arith.muli %select_n3A_498, %mul3A_499 : i32
        %swap3A_501 = arith.index_cast %select_n3A_482 : i32 to index
        %swap3A_502 = arith.index_cast %mul3A_500 : i32 to index
        %swap3A_503 = tpu.vector_load %arg29[%swap3A_501, %swap3A_502] {strides = array<i32>} : memref<32x128xbf16, #tpu.memory_space<vmem>>, vector<1x32xbf16>,
        %swap3A_504 = vector.shape_cast %swap3A_503 : vector<1x32xbf16> to vector<32xbf16>
        %swap3A_505 = vector.shape_cast %add3A_458 : vector<32xbf16> to vector<1x32xbf16>
        tpu.vector_store %arg29[%swap3A_501, %swap3A_502], %swap3A_505 {strides = array<i32>} : memref<32x128xbf16, #tpu.memory_space<vmem>>, vector<1x32xbf16>,
        %scan3A_506 = arith.constant 4 : i32
        %scan3A_507 = arith.addi %scan3A_265, %scan3A_506 : i32
        %get3A_508 = arith.index_cast %scan3A_507 : i32 to index
        %get3A_509 = arith.constant 0 : index
        %get3A_510 = tpu.vector_load %arg26[%get3A_508, %get3A_509] {strides = array<i32>} : memref<128x32xbf16, #tpu.memory_space<vmem>>, vector<1x32xbf16>,
        %get3A_511 = vector.shape_cast %get3A_510 : vector<1x32xbf16> to vector<32xbf16>
        %get3A_512 = arith.index_cast %scan3A_507 : i32 to index
        %get3A_513 = arith.constant 0 : index
        %get3A_514 = tpu.vector_load %arg27[%get3A_512, %get3A_513] {strides = array<i32>} : memref<128x32xbf16, #tpu.memory_space<vmem>>, vector<1x32xbf16>,
        %get3A_515 = vector.shape_cast %get3A_514 : vector<1x32xbf16> to vector<32xbf16>
        %add3A_516 = arith.addf %get3A_511, %get3A_515 : vector<32xbf16>
        %get3A_517 = arith.index_cast %scan3A_507 : i32 to index
        %get3A_518 = arith.constant 0 : index
        %get3A_519 = tpu.vector_load %arg28[%get3A_517, %get3A_518] {strides = array<i32>} : memref<128x32xbf16, #tpu.memory_space<vmem>>, vector<1x32xbf16>,
        %get3A_520 = vector.shape_cast %get3A_519 : vector<1x32xbf16> to vector<32xbf16>
        %add3A_521 = arith.addf %add3A_516, %get3A_520 : vector<32xbf16>
        %jit3A_522 = arith.constant 4 : i32
        %div3A_523 = arith.divsi %scan3A_507, %jit3A_522 : i32
        %sign3A_524 = arith.constant 0 : i32
        %sign3A_525 = arith.cmpi sgt, %scan3A_507, %sign3A_524 : i32
        %sign3A_526 = arith.extui %sign3A_525 : i1 to i32
        %sign3A_527 = arith.constant 0 : i32
        %sign3A_528 = arith.cmpi slt, %scan3A_507, %sign3A_527 : i32
        %sign3A_529 = arith.extui %sign3A_528 : i1 to i32
        %sign3A_530 = arith.subi %sign3A_526, %sign3A_529 : i32
        %sign3A_531 = arith.constant 0 : i32
        %sign3A_532 = arith.cmpi sgt, %jit3A_522, %sign3A_531 : i32
        %sign3A_533 = arith.extui %sign3A_532 : i1 to i32
        %sign3A_534 = arith.constant 0 : i32
        %sign3A_535 = arith.cmpi slt, %jit3A_522, %sign3A_534 : i32
        %sign3A_536 = arith.extui %sign3A_535 : i1 to i32
        %sign3A_537 = arith.subi %sign3A_533, %sign3A_536 : i32
        %ne3A_538 = arith.cmpi ne, %sign3A_530, %sign3A_537 : i32
        %rem3A_539 = arith.remsi %scan3A_507, %jit3A_522 : i32
        %ne3A_540 = arith.constant 0 : i32
        %ne3A_541 = arith.cmpi ne, %rem3A_539, %ne3A_540 : i32
        %and3A_542 = arith.andi %ne3A_538, %ne3A_541 : i1
        %sub3A_543 = arith.constant 1 : i32
        %sub3A_544 = arith.subi %div3A_523, %sub3A_543 : i32
        %select_n3A_545 = arith.select %and3A_542, %sub3A_544, %div3A_523 : i32
        %jit3A_546 = arith.constant 4 : i32
        %eq3A_547 = arith.constant 0 : i32
        %eq3A_548 = arith.cmpi eq, %jit3A_546, %eq3A_547 : i32
        %jit3A_549 = arith.constant 1 : i32
        %select_n3A_550 = arith.select %eq3A_548, %jit3A_549, %jit3A_546 : i32
        %rem3A_551 = arith.remsi %scan3A_507, %select_n3A_550 : i32
        %ne3A_552 = arith.constant 0 : i32
        %ne3A_553 = arith.cmpi ne, %rem3A_551, %ne3A_552 : i32
        %lt3A_554 = arith.constant 0 : i32
        %lt3A_555 = arith.cmpi slt, %rem3A_551, %lt3A_554 : i32
        %lt3A_556 = arith.constant 0 : i32
        %lt3A_557 = arith.cmpi slt, %select_n3A_550, %lt3A_556 : i32
        %ne3A_558 = arith.xori %lt3A_555, %lt3A_557 : i1
        %and3A_559 = arith.andi %ne3A_558, %ne3A_553 : i1
        %add3A_560 = arith.addi %rem3A_551, %select_n3A_550 : i32
        %select_n3A_561 = arith.select %and3A_559, %add3A_560, %rem3A_551 : i32
        %mul3A_562 = arith.constant 32 : i32
        %mul3A_563 = arith.muli %select_n3A_561, %mul3A_562 : i32
        %swap3A_564 = arith.index_cast %select_n3A_545 : i32 to index
        %swap3A_565 = arith.index_cast %mul3A_563 : i32 to index
        %swap3A_566 = tpu.vector_load %arg29[%swap3A_564, %swap3A_565] {strides = array<i32>} : memref<32x128xbf16, #tpu.memory_space<vmem>>, vector<1x32xbf16>,
        %swap3A_567 = vector.shape_cast %swap3A_566 : vector<1x32xbf16> to vector<32xbf16>
        %swap3A_568 = vector.shape_cast %add3A_521 : vector<32xbf16> to vector<1x32xbf16>
        tpu.vector_store %arg29[%swap3A_564, %swap3A_565], %swap3A_568 {strides = array<i32>} : memref<32x128xbf16, #tpu.memory_space<vmem>>, vector<1x32xbf16>,
        %scan3A_569 = arith.constant 5 : i32
        %scan3A_570 = arith.addi %scan3A_265, %scan3A_569 : i32
        %get3A_571 = arith.index_cast %scan3A_570 : i32 to index
        %get3A_572 = arith.constant 0 : index
        %get3A_573 = tpu.vector_load %arg26[%get3A_571, %get3A_572] {strides = array<i32>} : memref<128x32xbf16, #tpu.memory_space<vmem>>, vector<1x32xbf16>,
        %get3A_574 = vector.shape_cast %get3A_573 : vector<1x32xbf16> to vector<32xbf16>
        %get3A_575 = arith.index_cast %scan3A_570 : i32 to index
        %get3A_576 = arith.constant 0 : index
        %get3A_577 = tpu.vector_load %arg27[%get3A_575, %get3A_576] {strides = array<i32>} : memref<128x32xbf16, #tpu.memory_space<vmem>>, vector<1x32xbf16>,
        %get3A_578 = vector.shape_cast %get3A_577 : vector<1x32xbf16> to vector<32xbf16>
        %add3A_579 = arith.addf %get3A_574, %get3A_578 : vector<32xbf16>
        %get3A_580 = arith.index_cast %scan3A_570 : i32 to index
        %get3A_581 = arith.constant 0 : index
        %get3A_582 = tpu.vector_load %arg28[%get3A_580, %get3A_581] {strides = array<i32>} : memref<128x32xbf16, #tpu.memory_space<vmem>>, vector<1x32xbf16>,
        %get3A_583 = vector.shape_cast %get3A_582 : vector<1x32xbf16> to vector<32xbf16>
        %add3A_584 = arith.addf %add3A_579, %get3A_583 : vector<32xbf16>
        %jit3A_585 = arith.constant 4 : i32
        %div3A_586 = arith.divsi %scan3A_570, %jit3A_585 : i32
        %sign3A_587 = arith.constant 0 : i32
        %sign3A_588 = arith.cmpi sgt, %scan3A_570, %sign3A_587 : i32
        %sign3A_589 = arith.extui %sign3A_588 : i1 to i32
        %sign3A_590 = arith.constant 0 : i32
        %sign3A_591 = arith.cmpi slt, %scan3A_570, %sign3A_590 : i32
        %sign3A_592 = arith.extui %sign3A_591 : i1 to i32
        %sign3A_593 = arith.subi %sign3A_589, %sign3A_592 : i32
        %sign3A_594 = arith.constant 0 : i32
        %sign3A_595 = arith.cmpi sgt, %jit3A_585, %sign3A_594 : i32
        %sign3A_596 = arith.extui %sign3A_595 : i1 to i32
        %sign3A_597 = arith.constant 0 : i32
        %sign3A_598 = arith.cmpi slt, %jit3A_585, %sign3A_597 : i32
        %sign3A_599 = arith.extui %sign3A_598 : i1 to i32
        %sign3A_600 = arith.subi %sign3A_596, %sign3A_599 : i32
        %ne3A_601 = arith.cmpi ne, %sign3A_593, %sign3A_600 : i32
        %rem3A_602 = arith.remsi %scan3A_570, %jit3A_585 : i32
        %ne3A_603 = arith.constant 0 : i32
        %ne3A_604 = arith.cmpi ne, %rem3A_602, %ne3A_603 : i32
        %and3A_605 = arith.andi %ne3A_601, %ne3A_604 : i1
        %sub3A_606 = arith.constant 1 : i32
        %sub3A_607 = arith.subi %div3A_586, %sub3A_606 : i32
        %select_n3A_608 = arith.select %and3A_605, %sub3A_607, %div3A_586 : i32
        %jit3A_609 = arith.constant 4 : i32
        %eq3A_610 = arith.constant 0 : i32
        %eq3A_611 = arith.cmpi eq, %jit3A_609, %eq3A_610 : i32
        %jit3A_612 = arith.constant 1 : i32
        %select_n3A_613 = arith.select %eq3A_611, %jit3A_612, %jit3A_609 : i32
        %rem3A_614 = arith.remsi %scan3A_570, %select_n3A_613 : i32
        %ne3A_615 = arith.constant 0 : i32
        %ne3A_616 = arith.cmpi ne, %rem3A_614, %ne3A_615 : i32
        %lt3A_617 = arith.constant 0 : i32
        %lt3A_618 = arith.cmpi slt, %rem3A_614, %lt3A_617 : i32
        %lt3A_619 = arith.constant 0 : i32
        %lt3A_620 = arith.cmpi slt, %select_n3A_613, %lt3A_619 : i32
        %ne3A_621 = arith.xori %lt3A_618, %lt3A_620 : i1
        %and3A_622 = arith.andi %ne3A_621, %ne3A_616 : i1
        %add3A_623 = arith.addi %rem3A_614, %select_n3A_613 : i32
        %select_n3A_624 = arith.select %and3A_622, %add3A_623, %rem3A_614 : i32
        %mul3A_625 = arith.constant 32 : i32
        %mul3A_626 = arith.muli %select_n3A_624, %mul3A_625 : i32
        %swap3A_627 = arith.index_cast %select_n3A_608 : i32 to index
        %swap3A_628 = arith.index_cast %mul3A_626 : i32 to index
        %swap3A_629 = tpu.vector_load %arg29[%swap3A_627, %swap3A_628] {strides = array<i32>} : memref<32x128xbf16, #tpu.memory_space<vmem>>, vector<1x32xbf16>,
        %swap3A_630 = vector.shape_cast %swap3A_629 : vector<1x32xbf16> to vector<32xbf16>
        %swap3A_631 = vector.shape_cast %add3A_584 : vector<32xbf16> to vector<1x32xbf16>
        tpu.vector_store %arg29[%swap3A_627, %swap3A_628], %swap3A_631 {strides = array<i32>} : memref<32x128xbf16, #tpu.memory_space<vmem>>, vector<1x32xbf16>,
        %scan3A_632 = arith.constant 6 : i32
        %scan3A_633 = arith.addi %scan3A_265, %scan3A_632 : i32
        %get3A_634 = arith.index_cast %scan3A_633 : i32 to index
        %get3A_635 = arith.constant 0 : index
        %get3A_636 = tpu.vector_load %arg26[%get3A_634, %get3A_635] {strides = array<i32>} : memref<128x32xbf16, #tpu.memory_space<vmem>>, vector<1x32xbf16>,
        %get3A_637 = vector.shape_cast %get3A_636 : vector<1x32xbf16> to vector<32xbf16>
        %get3A_638 = arith.index_cast %scan3A_633 : i32 to index
        %get3A_639 = arith.constant 0 : index
        %get3A_640 = tpu.vector_load %arg27[%get3A_638, %get3A_639] {strides = array<i32>} : memref<128x32xbf16, #tpu.memory_space<vmem>>, vector<1x32xbf16>,
        %get3A_641 = vector.shape_cast %get3A_640 : vector<1x32xbf16> to vector<32xbf16>
        %add3A_642 = arith.addf %get3A_637, %get3A_641 : vector<32xbf16>
        %get3A_643 = arith.index_cast %scan3A_633 : i32 to index
        %get3A_644 = arith.constant 0 : index
        %get3A_645 = tpu.vector_load %arg28[%get3A_643, %get3A_644] {strides = array<i32>} : memref<128x32xbf16, #tpu.memory_space<vmem>>, vector<1x32xbf16>,
        %get3A_646 = vector.shape_cast %get3A_645 : vector<1x32xbf16> to vector<32xbf16>
        %add3A_647 = arith.addf %add3A_642, %get3A_646 : vector<32xbf16>
        %jit3A_648 = arith.constant 4 : i32
        %div3A_649 = arith.divsi %scan3A_633, %jit3A_648 : i32
        %sign3A_650 = arith.constant 0 : i32
        %sign3A_651 = arith.cmpi sgt, %scan3A_633, %sign3A_650 : i32
        %sign3A_652 = arith.extui %sign3A_651 : i1 to i32
        %sign3A_653 = arith.constant 0 : i32
        %sign3A_654 = arith.cmpi slt, %scan3A_633, %sign3A_653 : i32
        %sign3A_655 = arith.extui %sign3A_654 : i1 to i32
        %sign3A_656 = arith.subi %sign3A_652, %sign3A_655 : i32
        %sign3A_657 = arith.constant 0 : i32
        %sign3A_658 = arith.cmpi sgt, %jit3A_648, %sign3A_657 : i32
        %sign3A_659 = arith.extui %sign3A_658 : i1 to i32
        %sign3A_660 = arith.constant 0 : i32
        %sign3A_661 = arith.cmpi slt, %jit3A_648, %sign3A_660 : i32
        %sign3A_662 = arith.extui %sign3A_661 : i1 to i32
        %sign3A_663 = arith.subi %sign3A_659, %sign3A_662 : i32
        %ne3A_664 = arith.cmpi ne, %sign3A_656, %sign3A_663 : i32
        %rem3A_665 = arith.remsi %scan3A_633, %jit3A_648 : i32
        %ne3A_666 = arith.constant 0 : i32
        %ne3A_667 = arith.cmpi ne, %rem3A_665, %ne3A_666 : i32
        %and3A_668 = arith.andi %ne3A_664, %ne3A_667 : i1
        %sub3A_669 = arith.constant 1 : i32
        %sub3A_670 = arith.subi %div3A_649, %sub3A_669 : i32
        %select_n3A_671 = arith.select %and3A_668, %sub3A_670, %div3A_649 : i32
        %jit3A_672 = arith.constant 4 : i32
        %eq3A_673 = arith.constant 0 : i32
        %eq3A_674 = arith.cmpi eq, %jit3A_672, %eq3A_673 : i32
        %jit3A_675 = arith.constant 1 : i32
        %select_n3A_676 = arith.select %eq3A_674, %jit3A_675, %jit3A_672 : i32
        %rem3A_677 = arith.remsi %scan3A_633, %select_n3A_676 : i32
        %ne3A_678 = arith.constant 0 : i32
        %ne3A_679 = arith.cmpi ne, %rem3A_677, %ne3A_678 : i32
        %lt3A_680 = arith.constant 0 : i32
        %lt3A_681 = arith.cmpi slt, %rem3A_677, %lt3A_680 : i32
        %lt3A_682 = arith.constant 0 : i32
        %lt3A_683 = arith.cmpi slt, %select_n3A_676, %lt3A_682 : i32
        %ne3A_684 = arith.xori %lt3A_681, %lt3A_683 : i1
        %and3A_685 = arith.andi %ne3A_684, %ne3A_679 : i1
        %add3A_686 = arith.addi %rem3A_677, %select_n3A_676 : i32
        %select_n3A_687 = arith.select %and3A_685, %add3A_686, %rem3A_677 : i32
        %mul3A_688 = arith.constant 32 : i32
        %mul3A_689 = arith.muli %select_n3A_687, %mul3A_688 : i32
        %swap3A_690 = arith.index_cast %select_n3A_671 : i32 to index
        %swap3A_691 = arith.index_cast %mul3A_689 : i32 to index
        %swap3A_692 = tpu.vector_load %arg29[%swap3A_690, %swap3A_691] {strides = array<i32>} : memref<32x128xbf16, #tpu.memory_space<vmem>>, vector<1x32xbf16>,
        %swap3A_693 = vector.shape_cast %swap3A_692 : vector<1x32xbf16> to vector<32xbf16>
        %swap3A_694 = vector.shape_cast %add3A_647 : vector<32xbf16> to vector<1x32xbf16>
        tpu.vector_store %arg29[%swap3A_690, %swap3A_691], %swap3A_694 {strides = array<i32>} : memref<32x128xbf16, #tpu.memory_space<vmem>>, vector<1x32xbf16>,
        %scan3A_695 = arith.constant 7 : i32
        %scan3A_696 = arith.addi %scan3A_265, %scan3A_695 : i32
        %get3A_697 = arith.index_cast %scan3A_696 : i32 to index
        %get3A_698 = arith.constant 0 : index
        %get3A_699 = tpu.vector_load %arg26[%get3A_697, %get3A_698] {strides = array<i32>} : memref<128x32xbf16, #tpu.memory_space<vmem>>, vector<1x32xbf16>,
        %get3A_700 = vector.shape_cast %get3A_699 : vector<1x32xbf16> to vector<32xbf16>
        %get3A_701 = arith.index_cast %scan3A_696 : i32 to index
        %get3A_702 = arith.constant 0 : index
        %get3A_703 = tpu.vector_load %arg27[%get3A_701, %get3A_702] {strides = array<i32>} : memref<128x32xbf16, #tpu.memory_space<vmem>>, vector<1x32xbf16>,
        %get3A_704 = vector.shape_cast %get3A_703 : vector<1x32xbf16> to vector<32xbf16>
        %add3A_705 = arith.addf %get3A_700, %get3A_704 : vector<32xbf16>
        %get3A_706 = arith.index_cast %scan3A_696 : i32 to index
        %get3A_707 = arith.constant 0 : index
        %get3A_708 = tpu.vector_load %arg28[%get3A_706, %get3A_707] {strides = array<i32>} : memref<128x32xbf16, #tpu.memory_space<vmem>>, vector<1x32xbf16>,
        %get3A_709 = vector.shape_cast %get3A_708 : vector<1x32xbf16> to vector<32xbf16>
        %add3A_710 = arith.addf %add3A_705, %get3A_709 : vector<32xbf16>
        %jit3A_711 = arith.constant 4 : i32
        %div3A_712 = arith.divsi %scan3A_696, %jit3A_711 : i32
        %sign3A_713 = arith.constant 0 : i32
        %sign3A_714 = arith.cmpi sgt, %scan3A_696, %sign3A_713 : i32
        %sign3A_715 = arith.extui %sign3A_714 : i1 to i32
        %sign3A_716 = arith.constant 0 : i32
        %sign3A_717 = arith.cmpi slt, %scan3A_696, %sign3A_716 : i32
        %sign3A_718 = arith.extui %sign3A_717 : i1 to i32
        %sign3A_719 = arith.subi %sign3A_715, %sign3A_718 : i32
        %sign3A_720 = arith.constant 0 : i32
        %sign3A_721 = arith.cmpi sgt, %jit3A_711, %sign3A_720 : i32
        %sign3A_722 = arith.extui %sign3A_721 : i1 to i32
        %sign3A_723 = arith.constant 0 : i32
        %sign3A_724 = arith.cmpi slt, %jit3A_711, %sign3A_723 : i32
        %sign3A_725 = arith.extui %sign3A_724 : i1 to i32
        %sign3A_726 = arith.subi %sign3A_722, %sign3A_725 : i32
        %ne3A_727 = arith.cmpi ne, %sign3A_719, %sign3A_726 : i32
        %rem3A_728 = arith.remsi %scan3A_696, %jit3A_711 : i32
        %ne3A_729 = arith.constant 0 : i32
        %ne3A_730 = arith.cmpi ne, %rem3A_728, %ne3A_729 : i32
        %and3A_731 = arith.andi %ne3A_727, %ne3A_730 : i1
        %sub3A_732 = arith.constant 1 : i32
        %sub3A_733 = arith.subi %div3A_712, %sub3A_732 : i32
        %select_n3A_734 = arith.select %and3A_731, %sub3A_733, %div3A_712 : i32
        %jit3A_735 = arith.constant 4 : i32
        %eq3A_736 = arith.constant 0 : i32
        %eq3A_737 = arith.cmpi eq, %jit3A_735, %eq3A_736 : i32
        %jit3A_738 = arith.constant 1 : i32
        %select_n3A_739 = arith.select %eq3A_737, %jit3A_738, %jit3A_735 : i32
        %rem3A_740 = arith.remsi %scan3A_696, %select_n3A_739 : i32
        %ne3A_741 = arith.constant 0 : i32
        %ne3A_742 = arith.cmpi ne, %rem3A_740, %ne3A_741 : i32
        %lt3A_743 = arith.constant 0 : i32
        %lt3A_744 = arith.cmpi slt, %rem3A_740, %lt3A_743 : i32
        %lt3A_745 = arith.constant 0 : i32
        %lt3A_746 = arith.cmpi slt, %select_n3A_739, %lt3A_745 : i32
        %ne3A_747 = arith.xori %lt3A_744, %lt3A_746 : i1
        %and3A_748 = arith.andi %ne3A_747, %ne3A_742 : i1
        %add3A_749 = arith.addi %rem3A_740, %select_n3A_739 : i32
        %select_n3A_750 = arith.select %and3A_748, %add3A_749, %rem3A_740 : i32
        %mul3A_751 = arith.constant 32 : i32
        %mul3A_752 = arith.muli %select_n3A_750, %mul3A_751 : i32
        %swap3A_753 = arith.index_cast %select_n3A_734 : i32 to index
        %swap3A_754 = arith.index_cast %mul3A_752 : i32 to index
        %swap3A_755 = tpu.vector_load %arg29[%swap3A_753, %swap3A_754] {strides = array<i32>} : memref<32x128xbf16, #tpu.memory_space<vmem>>, vector<1x32xbf16>,
        %swap3A_756 = vector.shape_cast %swap3A_755 : vector<1x32xbf16> to vector<32xbf16>
        %swap3A_757 = vector.shape_cast %add3A_710 : vector<32xbf16> to vector<1x32xbf16>
        tpu.vector_store %arg29[%swap3A_753, %swap3A_754], %swap3A_757 {strides = array<i32>} : memref<32x128xbf16, #tpu.memory_space<vmem>>, vector<1x32xbf16>,
      }
      %scan3A_256 = arith.constant 128 : i32
      %mul3A_257 = arith.constant 32 : i32
      %mul3A_258 = arith.muli %add3A, %mul3A_257 : i32
      %dma_start3A_259 = arith.constant 0 : i32
      %dma_start3A_260 = tpu.memref_slice %arg10[%add3A_216, %mul3A_258, %dma_start3A_259] : memref<50x1024x128xbf16, #tpu.memory_space<hbm>> -> memref<1x32x128xbf16, #tpu.memory_space<hbm>>
      %dma_start3A_261 = tpu.memref_squeeze %dma_start3A_260 : memref<1x32x128xbf16, #tpu.memory_space<hbm>> -> memref<32x128xbf16, #tpu.memory_space<hbm>>
      %dma_start3A_262 = arith.constant 0 : i32
      %dma_start3A_263 = tpu.memref_slice %arg10[%add3A_216, %mul3A_258, %dma_start3A_262] : memref<50x1024x128xbf16, #tpu.memory_space<hbm>> -> memref<1x32x128xbf16, #tpu.memory_space<hbm>>
      %dma_start3A_264 = tpu.memref_squeeze %dma_start3A_263 : memref<1x32x128xbf16, #tpu.memory_space<hbm>> -> memref<32x128xbf16, #tpu.memory_space<hbm>>
      tpu.enqueue_dma source(%arg29 : memref<32x128xbf16, #tpu.memory_space<vmem>>) target(%dma_start3A_264 : memref<32x128xbf16, #tpu.memory_space<hbm>>) target_semaphore(%arg34 : memref<!tpu.dma_semaphore, #tpu.memory_space<semaphore_mem>>)
    }
    %scan3A_103 = arith.constant 25 : i32
    %mul3A_104 = arith.constant 32 : i32
    %mul3A_105 = arith.muli %add3A, %mul3A_104 : i32
    %dma_wait3A_106 = arith.constant 0 : i32
    %dma_wait3A_107 = arith.constant 0 : i32
    %dma_wait3A_108 = tpu.memref_slice %arg10[%dma_wait3A_106, %mul3A_105, %dma_wait3A_107] : memref<50x1024x128xbf16, #tpu.memory_space<hbm>> -> memref<1x32x128xbf16, #tpu.memory_space<hbm>>
    %dma_wait3A_109 = tpu.memref_squeeze %dma_wait3A_108 : memref<1x32x128xbf16, #tpu.memory_space<hbm>> -> memref<32x128xbf16, #tpu.memory_space<hbm>>
    %dma_wait3A_110 = arith.constant 0 : i32
    %dma_wait3A_111 = tpu.memref_slice %arg10[%dma_wait3A_106, %mul3A_105, %dma_wait3A_110] : memref<50x1024x128xbf16, #tpu.memory_space<hbm>> -> memref<1x32x128xbf16, #tpu.memory_space<hbm>>
    %dma_wait3A_112 = tpu.memref_squeeze %dma_wait3A_111 : memref<1x32x128xbf16, #tpu.memory_space<hbm>> -> memref<32x128xbf16, #tpu.memory_space<hbm>>
    tpu.wait_dma2 semaphore(%arg34 : memref<!tpu.dma_semaphore, #tpu.memory_space<semaphore_mem>>) src(%arg29 : memref<32x128xbf16, #tpu.memory_space<vmem>>) dst(%dma_wait3A_112 : memref<32x128xbf16, #tpu.memory_space<hbm>>)
    return
  }
}

module attributes {stable_mosaic.version = 14 : i64} {
  func.func @_pretransform_body(%arg0: memref<25000x128xf32, #tpu.memory_space<vmem>>, %arg1: memref<256x128xf32, #tpu.memory_space<vmem>>, %arg2: memref<16x128xf32, #tpu.memory_space<vmem>>, %arg3: memref<128x128xf32, #tpu.memory_space<vmem>>, %arg4: memref<128x128xf32, #tpu.memory_space<vmem>>, %arg5: memref<128x128xf32, #tpu.memory_space<vmem>>, %arg6: memref<1x128xf32, #tpu.memory_space<vmem>>, %arg7: memref<25024x128xbf16, #tpu.memory_space<vmem>>, %arg8: memref<256x128xbf16, #tpu.memory_space<vmem>>, %arg9: memref<16x128xbf16, #tpu.memory_space<vmem>>) attributes {dimension_semantics = [], scalar_prefetch = 0 : i64, scratch_operands = 0 : i64, tpu.core_type = #tpu.core_type<tc>} {
    %get3A = arith.constant 0 : index
    %get3A_0 = arith.constant 0 : index
    %get3A_1 = vector.load %arg0[%get3A, %get3A_0] : memref<25000x128xf32, #tpu.memory_space<vmem>>, vector<25000x128xf32>
    %get3A_2 = arith.constant 0 : index
    %get3A_3 = arith.constant 0 : index
    %get3A_4 = vector.load %arg3[%get3A_2, %get3A_3] : memref<128x128xf32, #tpu.memory_space<vmem>>, vector<128x128xf32>
    %dot_general3A = arith.constant dense<0.000000e+00> : vector<25000x128xf32>
    %dot_general3A_5 = tpu.matmul %get3A_1, %get3A_4, %dot_general3A {dimension_numbers = #tpu.dot_dimension_numbers<[1], [0], [0], [1], [0, 0, 1, 1], [], []>, transpose_lhs_hint = false} : vector<25000x128xf32>, vector<128x128xf32>, vector<25000x128xf32> -> vector<25000x128xf32>
    %convert_element_type3A = arith.truncf %dot_general3A_5 : vector<25000x128xf32> to vector<25000x128xbf16>
    %broadcast_in_dim3A = arith.constant 0.000000e+00 : bf16
    %broadcast_in_dim3A_6 = vector.broadcast %broadcast_in_dim3A : bf16 to vector<24x128xbf16>
    %concatenate3A = tpu.concatenate %convert_element_type3A, %broadcast_in_dim3A_6 in 0 : vector<25000x128xbf16>, vector<24x128xbf16> -> vector<25024x128xbf16>
    %swap3A = arith.constant 0 : index
    %swap3A_7 = arith.constant 0 : index
    %swap3A_8 = vector.load %arg7[%swap3A, %swap3A_7] : memref<25024x128xbf16, #tpu.memory_space<vmem>>, vector<25024x128xbf16>
    tpu.vector_store %arg7[%swap3A, %swap3A_7], %concatenate3A {strides = array<i32>} : memref<25024x128xbf16, #tpu.memory_space<vmem>>, vector<25024x128xbf16>,
    %get3A_9 = arith.constant 0 : index
    %get3A_10 = arith.constant 0 : index
    %get3A_11 = vector.load %arg1[%get3A_9, %get3A_10] : memref<256x128xf32, #tpu.memory_space<vmem>>, vector<256x128xf32>
    %get3A_12 = arith.constant 0 : index
    %get3A_13 = arith.constant 0 : index
    %get3A_14 = vector.load %arg4[%get3A_12, %get3A_13] : memref<128x128xf32, #tpu.memory_space<vmem>>, vector<128x128xf32>
    %dot_general3A_15 = arith.constant dense<0.000000e+00> : vector<256x128xf32>
    %dot_general3A_16 = tpu.matmul %get3A_11, %get3A_14, %dot_general3A_15 {dimension_numbers = #tpu.dot_dimension_numbers<[1], [0], [0], [1], [0, 0, 1, 1], [], []>, transpose_lhs_hint = false} : vector<256x128xf32>, vector<128x128xf32>, vector<256x128xf32> -> vector<256x128xf32>
    %convert_element_type3A_17 = arith.truncf %dot_general3A_16 : vector<256x128xf32> to vector<256x128xbf16>
    %swap3A_18 = arith.constant 0 : index
    %swap3A_19 = arith.constant 0 : index
    %swap3A_20 = vector.load %arg8[%swap3A_18, %swap3A_19] : memref<256x128xbf16, #tpu.memory_space<vmem>>, vector<256x128xbf16>
    tpu.vector_store %arg8[%swap3A_18, %swap3A_19], %convert_element_type3A_17 {strides = array<i32>} : memref<256x128xbf16, #tpu.memory_space<vmem>>, vector<256x128xbf16>,
    %get3A_21 = arith.constant 0 : index
    %get3A_22 = arith.constant 0 : index
    %get3A_23 = vector.load %arg2[%get3A_21, %get3A_22] : memref<16x128xf32, #tpu.memory_space<vmem>>, vector<16x128xf32>
    %get3A_24 = arith.constant 0 : index
    %get3A_25 = arith.constant 0 : index
    %get3A_26 = vector.load %arg5[%get3A_24, %get3A_25] : memref<128x128xf32, #tpu.memory_space<vmem>>, vector<128x128xf32>
    %dot_general3A_27 = arith.constant dense<0.000000e+00> : vector<16x128xf32>
    %dot_general3A_28 = tpu.matmul %get3A_23, %get3A_26, %dot_general3A_27 {dimension_numbers = #tpu.dot_dimension_numbers<[1], [0], [0], [1], [0, 0, 1, 1], [], []>, transpose_lhs_hint = false} : vector<16x128xf32>, vector<128x128xf32>, vector<16x128xf32> -> vector<16x128xf32>
    %get3A_29 = arith.constant 0 : index
    %get3A_30 = arith.constant 0 : index
    %get3A_31 = vector.load %arg6[%get3A_29, %get3A_30] : memref<1x128xf32, #tpu.memory_space<vmem>>, vector<1x128xf32>
    %add3A = vector.broadcast %get3A_31 : vector<1x128xf32> to vector<16x128xf32>
    %add3A_32 = arith.addf %dot_general3A_28, %add3A : vector<16x128xf32>
    %convert_element_type3A_33 = arith.truncf %add3A_32 : vector<16x128xf32> to vector<16x128xbf16>
    %swap3A_34 = arith.constant 0 : index
    %swap3A_35 = arith.constant 0 : index
    %swap3A_36 = vector.load %arg9[%swap3A_34, %swap3A_35] : memref<16x128xbf16, #tpu.memory_space<vmem>>, vector<16x128xbf16>
    tpu.vector_store %arg9[%swap3A_34, %swap3A_35], %convert_element_type3A_33 {strides = array<i32>} : memref<16x128xbf16, #tpu.memory_space<vmem>>, vector<16x128xbf16>,
    return
  }
}

module attributes {stable_mosaic.version = 14 : i64} {
  func.func @_main_body(%arg0: i32, %arg1: memref<50x128x128xbf16, #tpu.memory_space<vmem>>, %arg2: memref<128x128xf32, #tpu.memory_space<vmem>>, %arg3: memref<256x256xf32, #tpu.memory_space<vmem>>, %arg4: memref<1x256xf32, #tpu.memory_space<vmem>>, %arg5: memref<256x256xf32, #tpu.memory_space<vmem>>, %arg6: memref<256x256xf32, #tpu.memory_space<vmem>>, %arg7: memref<1x256xf32, #tpu.memory_space<vmem>>, %arg8: memref<256x256xf32, #tpu.memory_space<vmem>>, %arg9: memref<1x256xf32, #tpu.memory_space<vmem>>, %arg10: memref<256x8xf32, #tpu.memory_space<vmem>>, %arg11: memref<8x256xf32, #tpu.memory_space<vmem>>, %arg12: memref<256x256xf32, #tpu.memory_space<vmem>>, %arg13: memref<256x256xf32, #tpu.memory_space<vmem>>, %arg14: memref<1x256xf32, #tpu.memory_space<vmem>>, %arg15: memref<256x64xf32, #tpu.memory_space<vmem>>, %arg16: memref<1x64xf32, #tpu.memory_space<vmem>>, %arg17: memref<1x64xf32, #tpu.memory_space<vmem>>, %arg18: memref<1x64xf32, #tpu.memory_space<vmem>>, %arg19: memref<64x32xf32, #tpu.memory_space<vmem>>, %arg20: memref<1x32xf32, #tpu.memory_space<vmem>>, %arg21: memref<64x8xf32, #tpu.memory_space<vmem>>, %arg22: memref<8x64xf32, #tpu.memory_space<vmem>>, %arg23: memref<1x32xf32, #tpu.memory_space<vmem>>, %arg24: memref<1x32xf32, #tpu.memory_space<vmem>>, %arg25: memref<32x8xf32, #tpu.memory_space<vmem>>, %arg26: memref<32x4xf32, #tpu.memory_space<vmem>>, %arg27: memref<4x32xf32, #tpu.memory_space<vmem>>, %arg28: memref<1x1xf32, #tpu.memory_space<vmem>>, %arg29: memref<512x8xf32, #tpu.memory_space<vmem>>, %arg30: memref<512x64xf32, #tpu.memory_space<vmem>>) attributes {dimension_semantics = [#tpu.dimension_semantics<arbitrary>], iteration_bounds = array<i64: 8>, scalar_prefetch = 0 : i64, scratch_operands = 1 : i64, tpu.core_type = #tpu.core_type<tc>, window_params = [{transform_indices = @transform_0, window_bounds = array<i64: 50, 128, 128>}, {transform_indices = @transform_1, window_bounds = array<i64: 128, 128>}, {pipeline_mode = #tpu.pipeline_mode<synchronous>, transform_indices = @transform_2, window_bounds = array<i64: 256, 256>}, {pipeline_mode = #tpu.pipeline_mode<synchronous>, transform_indices = @transform_3, window_bounds = array<i64: 1, 256>}, {pipeline_mode = #tpu.pipeline_mode<synchronous>, transform_indices = @transform_4, window_bounds = array<i64: 256, 256>}, {pipeline_mode = #tpu.pipeline_mode<synchronous>, transform_indices = @transform_5, window_bounds = array<i64: 256, 256>}, {pipeline_mode = #tpu.pipeline_mode<synchronous>, transform_indices = @transform_6, window_bounds = array<i64: 1, 256>}, {pipeline_mode = #tpu.pipeline_mode<synchronous>, transform_indices = @transform_7, window_bounds = array<i64: 256, 256>}, {pipeline_mode = #tpu.pipeline_mode<synchronous>, transform_indices = @transform_8, window_bounds = array<i64: 1, 256>}, {pipeline_mode = #tpu.pipeline_mode<synchronous>, transform_indices = @transform_9, window_bounds = array<i64: 256, 8>}, {pipeline_mode = #tpu.pipeline_mode<synchronous>, transform_indices = @transform_10, window_bounds = array<i64: 8, 256>}, {pipeline_mode = #tpu.pipeline_mode<synchronous>, transform_indices = @transform_11, window_bounds = array<i64: 256, 256>}, {pipeline_mode = #tpu.pipeline_mode<synchronous>, transform_indices = @transform_12, window_bounds = array<i64: 256, 256>}, {pipeline_mode = #tpu.pipeline_mode<synchronous>, transform_indices = @transform_13, window_bounds = array<i64: 1, 256>}, {pipeline_mode = #tpu.pipeline_mode<synchronous>, transform_indices = @transform_14, window_bounds = array<i64: 256, 64>}, {pipeline_mode = #tpu.pipeline_mode<synchronous>, transform_indices = @transform_15, window_bounds = array<i64: 1, 64>}, {pipeline_mode = #tpu.pipeline_mode<synchronous>, transform_indices = @transform_16, window_bounds = array<i64: 1, 64>}, {pipeline_mode = #tpu.pipeline_mode<synchronous>, transform_indices = @transform_17, window_bounds = array<i64: 1, 64>}, {pipeline_mode = #tpu.pipeline_mode<synchronous>, transform_indices = @transform_18, window_bounds = array<i64: 64, 32>}, {pipeline_mode = #tpu.pipeline_mode<synchronous>, transform_indices = @transform_19, window_bounds = array<i64: 1, 32>}, {pipeline_mode = #tpu.pipeline_mode<synchronous>, transform_indices = @transform_20, window_bounds = array<i64: 64, 8>}, {pipeline_mode = #tpu.pipeline_mode<synchronous>, transform_indices = @transform_21, window_bounds = array<i64: 8, 64>}, {pipeline_mode = #tpu.pipeline_mode<synchronous>, transform_indices = @transform_22, window_bounds = array<i64: 1, 32>}, {pipeline_mode = #tpu.pipeline_mode<synchronous>, transform_indices = @transform_23, window_bounds = array<i64: 1, 32>}, {pipeline_mode = #tpu.pipeline_mode<synchronous>, transform_indices = @transform_24, window_bounds = array<i64: 32, 8>}, {pipeline_mode = #tpu.pipeline_mode<synchronous>, transform_indices = @transform_25, window_bounds = array<i64: 32, 4>}, {pipeline_mode = #tpu.pipeline_mode<synchronous>, transform_indices = @transform_26, window_bounds = array<i64: 4, 32>}, {pipeline_mode = #tpu.pipeline_mode<synchronous>, transform_indices = @transform_27, window_bounds = array<i64: 1, 1>}, {pipeline_mode = #tpu.pipeline_mode<synchronous>, transform_indices = @transform_28, window_bounds = array<i64: 512, 8>}]} {
    %get3A = arith.constant 0 : index
    %get3A_0 = arith.constant 0 : index
    %get3A_1 = arith.constant 0 : index
    %get3A_2 = vector.load %arg1[%get3A, %get3A_0, %get3A_1] : memref<50x128x128xbf16, #tpu.memory_space<vmem>>, vector<50x128x128xbf16>
    %reshape3A = vector.shape_cast %get3A_2 : vector<50x128x128xbf16> to vector<3200x256xbf16>
    %convert_element_type3A = arith.extf %reshape3A : vector<3200x256xbf16> to vector<3200x256xf32>
    %max3A = arith.constant 0.000000e+00 : f32
    %max3A_3 = vector.broadcast %max3A : f32 to vector<3200x256xf32>
    %max3A_4 = arith.maximumf %convert_element_type3A, %max3A_3 : vector<3200x256xf32>
    %get3A_5 = arith.constant 0 : index
    %get3A_6 = arith.constant 0 : index
    %get3A_7 = vector.load %arg2[%get3A_5, %get3A_6] : memref<128x128xf32, #tpu.memory_space<vmem>>, vector<128x128xf32>
    %reshape3A_8 = vector.shape_cast %get3A_7 : vector<128x128xf32> to vector<64x256xf32>
    %get3A_9 = arith.constant 0 : index
    %get3A_10 = arith.constant 0 : index
    %get3A_11 = vector.load %arg3[%get3A_9, %get3A_10] : memref<256x256xf32, #tpu.memory_space<vmem>>, vector<256x256xf32>
    %dot_general3A = arith.constant dense<0.000000e+00> : vector<3200x256xf32>
    %dot_general3A_12 = tpu.matmul %max3A_4, %get3A_11, %dot_general3A {dimension_numbers = #tpu.dot_dimension_numbers<[1], [0], [0], [1], [0, 0, 1, 1], [], []>, transpose_lhs_hint = false} : vector<3200x256xf32>, vector<256x256xf32>, vector<3200x256xf32> -> vector<3200x256xf32>
    %get3A_13 = arith.constant 0 : index
    %get3A_14 = arith.constant 0 : index
    %get3A_15 = vector.load %arg4[%get3A_13, %get3A_14] : memref<1x256xf32, #tpu.memory_space<vmem>>, vector<1x256xf32>
    %add3A = vector.broadcast %get3A_15 : vector<1x256xf32> to vector<3200x256xf32>
    %add3A_16 = arith.addf %dot_general3A_12, %add3A : vector<3200x256xf32>
    %max3A_17 = arith.constant 0.000000e+00 : f32
    %max3A_18 = vector.broadcast %max3A_17 : f32 to vector<3200x256xf32>
    %max3A_19 = arith.maximumf %add3A_16, %max3A_18 : vector<3200x256xf32>
    %get3A_20 = arith.constant 0 : index
    %get3A_21 = arith.constant 0 : index
    %get3A_22 = vector.load %arg6[%get3A_20, %get3A_21] : memref<256x256xf32, #tpu.memory_space<vmem>>, vector<256x256xf32>
    %dot_general3A_23 = arith.constant dense<0.000000e+00> : vector<64x256xf32>
    %dot_general3A_24 = tpu.matmul %reshape3A_8, %get3A_22, %dot_general3A_23 {dimension_numbers = #tpu.dot_dimension_numbers<[1], [0], [0], [1], [0, 0, 1, 1], [], []>, transpose_lhs_hint = false} : vector<64x256xf32>, vector<256x256xf32>, vector<64x256xf32> -> vector<64x256xf32>
    %get3A_25 = arith.constant 0 : index
    %get3A_26 = arith.constant 0 : index
    %get3A_27 = vector.load %arg7[%get3A_25, %get3A_26] : memref<1x256xf32, #tpu.memory_space<vmem>>, vector<1x256xf32>
    %add3A_28 = vector.broadcast %get3A_27 : vector<1x256xf32> to vector<64x256xf32>
    %add3A_29 = arith.addf %dot_general3A_24, %add3A_28 : vector<64x256xf32>
    %get3A_30 = arith.constant 0 : index
    %get3A_31 = arith.constant 0 : index
    %get3A_32 = vector.load %arg5[%get3A_30, %get3A_31] : memref<256x256xf32, #tpu.memory_space<vmem>>, vector<256x256xf32>
    %dot_general3A_33 = arith.constant dense<0.000000e+00> : vector<3200x256xf32>
    %dot_general3A_34 = tpu.matmul %max3A_19, %get3A_32, %dot_general3A_33 {dimension_numbers = #tpu.dot_dimension_numbers<[1], [0], [0], [1], [0, 0, 1, 1], [], []>, transpose_lhs_hint = false} : vector<3200x256xf32>, vector<256x256xf32>, vector<3200x256xf32> -> vector<3200x256xf32>
    %reshape3A_35 = vector.shape_cast %dot_general3A_34 : vector<3200x256xf32> to vector<50x64x256xf32>
    %broadcast_in_dim3A = vector.shape_cast %add3A_29 : vector<64x256xf32> to vector<1x64x256xf32>
    %add3A_36 = vector.broadcast %broadcast_in_dim3A : vector<1x64x256xf32> to vector<50x64x256xf32>
    %add3A_37 = arith.addf %reshape3A_35, %add3A_36 : vector<50x64x256xf32>
    %max3A_38 = arith.constant 0.000000e+00 : f32
    %max3A_39 = vector.broadcast %max3A_38 : f32 to vector<50x64x256xf32>
    %max3A_40 = arith.maximumf %add3A_37, %max3A_39 : vector<50x64x256xf32>
    %reshape3A_41 = vector.shape_cast %max3A_40 : vector<50x64x256xf32> to vector<3200x256xf32>
    %get3A_42 = arith.constant 0 : index
    %get3A_43 = arith.constant 0 : index
    %get3A_44 = vector.load %arg8[%get3A_42, %get3A_43] : memref<256x256xf32, #tpu.memory_space<vmem>>, vector<256x256xf32>
    %dot_general3A_45 = arith.constant dense<0.000000e+00> : vector<3200x256xf32>
    %dot_general3A_46 = tpu.matmul %reshape3A_41, %get3A_44, %dot_general3A_45 {dimension_numbers = #tpu.dot_dimension_numbers<[1], [0], [0], [1], [0, 0, 1, 1], [], []>, transpose_lhs_hint = false} : vector<3200x256xf32>, vector<256x256xf32>, vector<3200x256xf32> -> vector<3200x256xf32>
    %get3A_47 = arith.constant 0 : index
    %get3A_48 = arith.constant 0 : index
    %get3A_49 = vector.load %arg9[%get3A_47, %get3A_48] : memref<1x256xf32, #tpu.memory_space<vmem>>, vector<1x256xf32>
    %add3A_50 = vector.broadcast %get3A_49 : vector<1x256xf32> to vector<3200x256xf32>
    %add3A_51 = arith.addf %dot_general3A_46, %add3A_50 : vector<3200x256xf32>
    %max3A_52 = arith.constant 0.000000e+00 : f32
    %max3A_53 = vector.broadcast %max3A_52 : f32 to vector<3200x256xf32>
    %max3A_54 = arith.maximumf %add3A_51, %max3A_53 : vector<3200x256xf32>
    %get3A_55 = arith.constant 0 : index
    %get3A_56 = arith.constant 0 : index
    %get3A_57 = vector.load %arg10[%get3A_55, %get3A_56] : memref<256x8xf32, #tpu.memory_space<vmem>>, vector<256x8xf32>
    %dot_general3A_58 = arith.constant dense<0.000000e+00> : vector<3200x8xf32>
    %dot_general3A_59 = tpu.matmul %max3A_54, %get3A_57, %dot_general3A_58 {dimension_numbers = #tpu.dot_dimension_numbers<[1], [0], [0], [1], [0, 0, 1, 1], [], []>, transpose_lhs_hint = false} : vector<3200x256xf32>, vector<256x8xf32>, vector<3200x8xf32> -> vector<3200x8xf32>
    %reshape3A_60 = vector.shape_cast %dot_general3A_59 : vector<3200x8xf32> to vector<50x64x8xf32>
    %reduce_max3A = arith.constant dense<0xFF800000> : vector<64x8xf32>
    %reduce_max3A_61 = vector.multi_reduction <maximumf>, %reshape3A_60, %reduce_max3A [0] : vector<50x64x8xf32> to vector<64x8xf32>
    %broadcast_in_dim3A_62 = vector.shape_cast %reduce_max3A_61 : vector<64x8xf32> to vector<1x64x8xf32>
    %sub3A = vector.broadcast %broadcast_in_dim3A_62 : vector<1x64x8xf32> to vector<50x64x8xf32>
    %sub3A_63 = arith.subf %reshape3A_60, %sub3A : vector<50x64x8xf32>
    %exp3A = math.exp %sub3A_63 : vector<50x64x8xf32>
    %reduce_sum3A = arith.constant dense<0.000000e+00> : vector<64x8xf32>
    %reduce_sum3A_64 = vector.multi_reduction <add>, %exp3A, %reduce_sum3A [0] : vector<50x64x8xf32> to vector<64x8xf32>
    %broadcast_in_dim3A_65 = vector.shape_cast %reduce_sum3A_64 : vector<64x8xf32> to vector<1x64x8xf32>
    %div3A = vector.broadcast %broadcast_in_dim3A_65 : vector<1x64x8xf32> to vector<50x64x8xf32>
    %div3A_66 = arith.divf %exp3A, %div3A : vector<50x64x8xf32>
    %reshape3A_67 = vector.shape_cast %div3A_66 : vector<50x64x8xf32> to vector<3200x8xf32>
    %get3A_68 = arith.constant 0 : index
    %get3A_69 = arith.constant 0 : index
    %get3A_70 = vector.load %arg11[%get3A_68, %get3A_69] : memref<8x256xf32, #tpu.memory_space<vmem>>, vector<8x256xf32>
    %dot_general3A_71 = arith.constant dense<0.000000e+00> : vector<3200x256xf32>
    %dot_general3A_72 = tpu.matmul %reshape3A_67, %get3A_70, %dot_general3A_71 {dimension_numbers = #tpu.dot_dimension_numbers<[1], [0], [0], [1], [0, 0, 1, 1], [], []>, transpose_lhs_hint = false} : vector<3200x8xf32>, vector<8x256xf32>, vector<3200x256xf32> -> vector<3200x256xf32>
    %reshape3A_73 = vector.shape_cast %dot_general3A_72 : vector<3200x256xf32> to vector<50x64x256xf32>
    %reshape3A_74 = vector.shape_cast %max3A_19 : vector<3200x256xf32> to vector<50x64x256xf32>
    %mul3A = arith.mulf %reshape3A_73, %reshape3A_74 : vector<50x64x256xf32>
    %reduce_sum3A_75 = arith.constant dense<0.000000e+00> : vector<64x256xf32>
    %reduce_sum3A_76 = vector.multi_reduction <add>, %mul3A, %reduce_sum3A_75 [0] : vector<50x64x256xf32> to vector<64x256xf32>
    %get3A_77 = arith.constant 0 : index
    %get3A_78 = arith.constant 0 : index
    %get3A_79 = vector.load %arg13[%get3A_77, %get3A_78] : memref<256x256xf32, #tpu.memory_space<vmem>>, vector<256x256xf32>
    %dot_general3A_80 = arith.constant dense<0.000000e+00> : vector<64x256xf32>
    %dot_general3A_81 = tpu.matmul %reduce_sum3A_76, %get3A_79, %dot_general3A_80 {dimension_numbers = #tpu.dot_dimension_numbers<[1], [0], [0], [1], [0, 0, 1, 1], [], []>, transpose_lhs_hint = false} : vector<64x256xf32>, vector<256x256xf32>, vector<64x256xf32> -> vector<64x256xf32>
    %get3A_82 = arith.constant 0 : index
    %get3A_83 = arith.constant 0 : index
    %get3A_84 = vector.load %arg12[%get3A_82, %get3A_83] : memref<256x256xf32, #tpu.memory_space<vmem>>, vector<256x256xf32>
    %dot_general3A_85 = arith.constant dense<0.000000e+00> : vector<64x256xf32>
    %dot_general3A_86 = tpu.matmul %reshape3A_8, %get3A_84, %dot_general3A_85 {dimension_numbers = #tpu.dot_dimension_numbers<[1], [0], [0], [1], [0, 0, 1, 1], [], []>, transpose_lhs_hint = false} : vector<64x256xf32>, vector<256x256xf32>, vector<64x256xf32> -> vector<64x256xf32>
    %add3A_87 = arith.addf %dot_general3A_81, %dot_general3A_86 : vector<64x256xf32>
    %get3A_88 = arith.constant 0 : index
    %get3A_89 = arith.constant 0 : index
    %get3A_90 = vector.load %arg14[%get3A_88, %get3A_89] : memref<1x256xf32, #tpu.memory_space<vmem>>, vector<1x256xf32>
    %add3A_91 = vector.broadcast %get3A_90 : vector<1x256xf32> to vector<64x256xf32>
    %add3A_92 = arith.addf %add3A_87, %add3A_91 : vector<64x256xf32>
    %max3A_93 = arith.constant 0.000000e+00 : f32
    %max3A_94 = vector.broadcast %max3A_93 : f32 to vector<64x256xf32>
    %max3A_95 = arith.maximumf %add3A_92, %max3A_94 : vector<64x256xf32>
    %get3A_96 = arith.constant 0 : index
    %get3A_97 = arith.constant 0 : index
    %get3A_98 = vector.load %arg15[%get3A_96, %get3A_97] : memref<256x64xf32, #tpu.memory_space<vmem>>, vector<256x64xf32>
    %dot_general3A_99 = arith.constant dense<0.000000e+00> : vector<64x64xf32>
    %dot_general3A_100 = tpu.matmul %max3A_95, %get3A_98, %dot_general3A_99 {dimension_numbers = #tpu.dot_dimension_numbers<[1], [0], [0], [1], [0, 0, 1, 1], [], []>, transpose_lhs_hint = false} : vector<64x256xf32>, vector<256x64xf32>, vector<64x64xf32> -> vector<64x64xf32>
    %get3A_101 = arith.constant 0 : index
    %get3A_102 = arith.constant 0 : index
    %get3A_103 = vector.load %arg16[%get3A_101, %get3A_102] : memref<1x64xf32, #tpu.memory_space<vmem>>, vector<1x64xf32>
    %add3A_104 = vector.broadcast %get3A_103 : vector<1x64xf32> to vector<64x64xf32>
    %add3A_105 = arith.addf %dot_general3A_100, %add3A_104 : vector<64x64xf32>
    %mul3A_106 = arith.constant 64 : i32
    %mul3A_107 = arith.muli %arg0, %mul3A_106 : i32
    %swap3A = arith.index_cast %mul3A_107 : i32 to index
    %swap3A_108 = arith.constant 0 : index
    %swap3A_109 = vector.load %arg30[%swap3A, %swap3A_108] : memref<512x64xf32, #tpu.memory_space<vmem>>, vector<64x64xf32>
    tpu.vector_store %arg30[%swap3A, %swap3A_108], %add3A_105 {strides = array<i32>} : memref<512x64xf32, #tpu.memory_space<vmem>>, vector<64x64xf32>,
    %eq3A = arith.constant 7 : i32
    %eq3A_110 = arith.cmpi eq, %arg0, %eq3A : i32
    %convert_element_type3A_111 = arith.extui %eq3A_110 : i1 to i32
    %cond3A = arith.constant 0 : i32
    %cond3A_112 = arith.cmpi ne, %convert_element_type3A_111, %cond3A : i32
    scf.if %cond3A_112 {
      %get3A_113 = arith.constant 0 : index
      %get3A_114 = arith.constant 0 : index
      %get3A_115 = vector.load %arg30[%get3A_113, %get3A_114] : memref<512x64xf32, #tpu.memory_space<vmem>>, vector<512x64xf32>
      %reduce_sum3A_116 = arith.constant dense<0.000000e+00> : vector<64xf32>
      %reduce_sum3A_117 = vector.multi_reduction <add>, %get3A_115, %reduce_sum3A_116 [0] : vector<512x64xf32> to vector<64xf32>
      %broadcast_in_dim3A_118 = vector.shape_cast %reduce_sum3A_117 : vector<64xf32> to vector<1x64xf32>
      %get3A_119 = arith.constant 0 : index
      %get3A_120 = arith.constant 0 : index
      %get3A_121 = vector.load %arg21[%get3A_119, %get3A_120] : memref<64x8xf32, #tpu.memory_space<vmem>>, vector<64x8xf32>
      %dot_general3A_122 = arith.constant dense<0.000000e+00> : vector<1x8xf32>
      %dot_general3A_123 = tpu.matmul %broadcast_in_dim3A_118, %get3A_121, %dot_general3A_122 {dimension_numbers = #tpu.dot_dimension_numbers<[1], [0], [0], [1], [0, 0, 1, 1], [], []>, transpose_lhs_hint = false} : vector<1x64xf32>, vector<64x8xf32>, vector<1x8xf32> -> vector<1x8xf32>
      %mul3A_124 = arith.constant 2.44140625E-4 : f32
      %mul3A_125 = vector.broadcast %mul3A_124 : f32 to vector<1x8xf32>
      %mul3A_126 = arith.mulf %dot_general3A_123, %mul3A_125 : vector<1x8xf32>
      %get3A_127 = arith.constant 0 : index
      %get3A_128 = arith.constant 0 : index
      %get3A_129 = vector.load %arg22[%get3A_127, %get3A_128] : memref<8x64xf32, #tpu.memory_space<vmem>>, vector<8x64xf32>
      %dot_general3A_130 = arith.constant dense<0.000000e+00> : vector<1x64xf32>
      %dot_general3A_131 = tpu.matmul %mul3A_126, %get3A_129, %dot_general3A_130 {dimension_numbers = #tpu.dot_dimension_numbers<[1], [0], [0], [1], [0, 0, 1, 1], [], []>, transpose_lhs_hint = false} : vector<1x8xf32>, vector<8x64xf32>, vector<1x64xf32> -> vector<1x64xf32>
      %sub3A_132 = vector.broadcast %dot_general3A_131 : vector<1x64xf32> to vector<512x64xf32>
      %sub3A_133 = arith.subf %get3A_115, %sub3A_132 : vector<512x64xf32>
      %mul3A_134 = arith.mulf %sub3A_133, %sub3A_133 : vector<512x64xf32>
      %reduce_sum3A_135 = arith.constant dense<0.000000e+00> : vector<64xf32>
      %reduce_sum3A_136 = vector.multi_reduction <add>, %mul3A_134, %reduce_sum3A_135 [0] : vector<512x64xf32> to vector<64xf32>
      %broadcast_in_dim3A_137 = vector.shape_cast %reduce_sum3A_136 : vector<64xf32> to vector<1x64xf32>
      %get3A_138 = arith.constant 0 : index
      %get3A_139 = arith.constant 0 : index
      %get3A_140 = vector.load %arg21[%get3A_138, %get3A_139] : memref<64x8xf32, #tpu.memory_space<vmem>>, vector<64x8xf32>
      %dot_general3A_141 = arith.constant dense<0.000000e+00> : vector<1x8xf32>
      %dot_general3A_142 = tpu.matmul %broadcast_in_dim3A_137, %get3A_140, %dot_general3A_141 {dimension_numbers = #tpu.dot_dimension_numbers<[1], [0], [0], [1], [0, 0, 1, 1], [], []>, transpose_lhs_hint = false} : vector<1x64xf32>, vector<64x8xf32>, vector<1x8xf32> -> vector<1x8xf32>
      %mul3A_143 = arith.constant 2.44140625E-4 : f32
      %mul3A_144 = vector.broadcast %mul3A_143 : f32 to vector<1x8xf32>
      %mul3A_145 = arith.mulf %dot_general3A_142, %mul3A_144 : vector<1x8xf32>
      %get3A_146 = arith.constant 0 : index
      %get3A_147 = arith.constant 0 : index
      %get3A_148 = vector.load %arg22[%get3A_146, %get3A_147] : memref<8x64xf32, #tpu.memory_space<vmem>>, vector<8x64xf32>
      %dot_general3A_149 = arith.constant dense<0.000000e+00> : vector<1x64xf32>
      %dot_general3A_150 = tpu.matmul %mul3A_145, %get3A_148, %dot_general3A_149 {dimension_numbers = #tpu.dot_dimension_numbers<[1], [0], [0], [1], [0, 0, 1, 1], [], []>, transpose_lhs_hint = false} : vector<1x8xf32>, vector<8x64xf32>, vector<1x64xf32> -> vector<1x64xf32>
      %add3A_151 = arith.constant 9.99999974E-6 : f32
      %add3A_152 = vector.broadcast %add3A_151 : f32 to vector<1x64xf32>
      %add3A_153 = arith.addf %dot_general3A_150, %add3A_152 : vector<1x64xf32>
      %rsqrt3A = math.rsqrt %add3A_153 : vector<1x64xf32>
      %mul3A_154 = vector.broadcast %rsqrt3A : vector<1x64xf32> to vector<512x64xf32>
      %mul3A_155 = arith.mulf %sub3A_133, %mul3A_154 : vector<512x64xf32>
      %get3A_156 = arith.constant 0 : index
      %get3A_157 = arith.constant 0 : index
      %get3A_158 = vector.load %arg17[%get3A_156, %get3A_157] : memref<1x64xf32, #tpu.memory_space<vmem>>, vector<1x64xf32>
      %mul3A_159 = vector.broadcast %get3A_158 : vector<1x64xf32> to vector<512x64xf32>
      %mul3A_160 = arith.mulf %mul3A_155, %mul3A_159 : vector<512x64xf32>
      %get3A_161 = arith.constant 0 : index
      %get3A_162 = arith.constant 0 : index
      %get3A_163 = vector.load %arg18[%get3A_161, %get3A_162] : memref<1x64xf32, #tpu.memory_space<vmem>>, vector<1x64xf32>
      %add3A_164 = vector.broadcast %get3A_163 : vector<1x64xf32> to vector<512x64xf32>
      %add3A_165 = arith.addf %mul3A_160, %add3A_164 : vector<512x64xf32>
      %max3A_166 = arith.constant 0.000000e+00 : f32
      %max3A_167 = vector.broadcast %max3A_166 : f32 to vector<512x64xf32>
      %max3A_168 = arith.maximumf %add3A_165, %max3A_167 : vector<512x64xf32>
      %get3A_169 = arith.constant 0 : index
      %get3A_170 = arith.constant 0 : index
      %get3A_171 = vector.load %arg19[%get3A_169, %get3A_170] : memref<64x32xf32, #tpu.memory_space<vmem>>, vector<64x32xf32>
      %dot_general3A_172 = arith.constant dense<0.000000e+00> : vector<512x32xf32>
      %dot_general3A_173 = tpu.matmul %max3A_168, %get3A_171, %dot_general3A_172 {dimension_numbers = #tpu.dot_dimension_numbers<[1], [0], [0], [1], [0, 0, 1, 1], [], []>, transpose_lhs_hint = false} : vector<512x64xf32>, vector<64x32xf32>, vector<512x32xf32> -> vector<512x32xf32>
      %get3A_174 = arith.constant 0 : index
      %get3A_175 = arith.constant 0 : index
      %get3A_176 = vector.load %arg20[%get3A_174, %get3A_175] : memref<1x32xf32, #tpu.memory_space<vmem>>, vector<1x32xf32>
      %add3A_177 = vector.broadcast %get3A_176 : vector<1x32xf32> to vector<512x32xf32>
      %add3A_178 = arith.addf %dot_general3A_173, %add3A_177 : vector<512x32xf32>
      %reduce_sum3A_179 = arith.constant dense<0.000000e+00> : vector<32xf32>
      %reduce_sum3A_180 = vector.multi_reduction <add>, %add3A_178, %reduce_sum3A_179 [0] : vector<512x32xf32> to vector<32xf32>
      %broadcast_in_dim3A_181 = vector.shape_cast %reduce_sum3A_180 : vector<32xf32> to vector<1x32xf32>
      %get3A_182 = arith.constant 0 : index
      %get3A_183 = arith.constant 0 : index
      %get3A_184 = vector.load %arg26[%get3A_182, %get3A_183] : memref<32x4xf32, #tpu.memory_space<vmem>>, vector<32x4xf32>
      %dot_general3A_185 = arith.constant dense<0.000000e+00> : vector<1x4xf32>
      %dot_general3A_186 = tpu.matmul %broadcast_in_dim3A_181, %get3A_184, %dot_general3A_185 {dimension_numbers = #tpu.dot_dimension_numbers<[1], [0], [0], [1], [0, 0, 1, 1], [], []>, transpose_lhs_hint = false} : vector<1x32xf32>, vector<32x4xf32>, vector<1x4xf32> -> vector<1x4xf32>
      %mul3A_187 = arith.constant 2.44140625E-4 : f32
      %mul3A_188 = vector.broadcast %mul3A_187 : f32 to vector<1x4xf32>
      %mul3A_189 = arith.mulf %dot_general3A_186, %mul3A_188 : vector<1x4xf32>
      %get3A_190 = arith.constant 0 : index
      %get3A_191 = arith.constant 0 : index
      %get3A_192 = vector.load %arg27[%get3A_190, %get3A_191] : memref<4x32xf32, #tpu.memory_space<vmem>>, vector<4x32xf32>
      %dot_general3A_193 = arith.constant dense<0.000000e+00> : vector<1x32xf32>
      %dot_general3A_194 = tpu.matmul %mul3A_189, %get3A_192, %dot_general3A_193 {dimension_numbers = #tpu.dot_dimension_numbers<[1], [0], [0], [1], [0, 0, 1, 1], [], []>, transpose_lhs_hint = false} : vector<1x4xf32>, vector<4x32xf32>, vector<1x32xf32> -> vector<1x32xf32>
      %sub3A_195 = vector.broadcast %dot_general3A_194 : vector<1x32xf32> to vector<512x32xf32>
      %sub3A_196 = arith.subf %add3A_178, %sub3A_195 : vector<512x32xf32>
      %mul3A_197 = arith.mulf %sub3A_196, %sub3A_196 : vector<512x32xf32>
      %reduce_sum3A_198 = arith.constant dense<0.000000e+00> : vector<32xf32>
      %reduce_sum3A_199 = vector.multi_reduction <add>, %mul3A_197, %reduce_sum3A_198 [0] : vector<512x32xf32> to vector<32xf32>
      %broadcast_in_dim3A_200 = vector.shape_cast %reduce_sum3A_199 : vector<32xf32> to vector<1x32xf32>
      %get3A_201 = arith.constant 0 : index
      %get3A_202 = arith.constant 0 : index
      %get3A_203 = vector.load %arg26[%get3A_201, %get3A_202] : memref<32x4xf32, #tpu.memory_space<vmem>>, vector<32x4xf32>
      %dot_general3A_204 = arith.constant dense<0.000000e+00> : vector<1x4xf32>
      %dot_general3A_205 = tpu.matmul %broadcast_in_dim3A_200, %get3A_203, %dot_general3A_204 {dimension_numbers = #tpu.dot_dimension_numbers<[1], [0], [0], [1], [0, 0, 1, 1], [], []>, transpose_lhs_hint = false} : vector<1x32xf32>, vector<32x4xf32>, vector<1x4xf32> -> vector<1x4xf32>
      %mul3A_206 = arith.constant 2.44140625E-4 : f32
      %mul3A_207 = vector.broadcast %mul3A_206 : f32 to vector<1x4xf32>
      %mul3A_208 = arith.mulf %dot_general3A_205, %mul3A_207 : vector<1x4xf32>
      %get3A_209 = arith.constant 0 : index
      %get3A_210 = arith.constant 0 : index
      %get3A_211 = vector.load %arg27[%get3A_209, %get3A_210] : memref<4x32xf32, #tpu.memory_space<vmem>>, vector<4x32xf32>
      %dot_general3A_212 = arith.constant dense<0.000000e+00> : vector<1x32xf32>
      %dot_general3A_213 = tpu.matmul %mul3A_208, %get3A_211, %dot_general3A_212 {dimension_numbers = #tpu.dot_dimension_numbers<[1], [0], [0], [1], [0, 0, 1, 1], [], []>, transpose_lhs_hint = false} : vector<1x4xf32>, vector<4x32xf32>, vector<1x32xf32> -> vector<1x32xf32>
      %add3A_214 = arith.constant 9.99999974E-6 : f32
      %add3A_215 = vector.broadcast %add3A_214 : f32 to vector<1x32xf32>
      %add3A_216 = arith.addf %dot_general3A_213, %add3A_215 : vector<1x32xf32>
      %rsqrt3A_217 = math.rsqrt %add3A_216 : vector<1x32xf32>
      %mul3A_218 = vector.broadcast %rsqrt3A_217 : vector<1x32xf32> to vector<512x32xf32>
      %mul3A_219 = arith.mulf %sub3A_196, %mul3A_218 : vector<512x32xf32>
      %get3A_220 = arith.constant 0 : index
      %get3A_221 = arith.constant 0 : index
      %get3A_222 = vector.load %arg23[%get3A_220, %get3A_221] : memref<1x32xf32, #tpu.memory_space<vmem>>, vector<1x32xf32>
      %mul3A_223 = vector.broadcast %get3A_222 : vector<1x32xf32> to vector<512x32xf32>
      %mul3A_224 = arith.mulf %mul3A_219, %mul3A_223 : vector<512x32xf32>
      %get3A_225 = arith.constant 0 : index
      %get3A_226 = arith.constant 0 : index
      %get3A_227 = vector.load %arg24[%get3A_225, %get3A_226] : memref<1x32xf32, #tpu.memory_space<vmem>>, vector<1x32xf32>
      %add3A_228 = vector.broadcast %get3A_227 : vector<1x32xf32> to vector<512x32xf32>
      %add3A_229 = arith.addf %mul3A_224, %add3A_228 : vector<512x32xf32>
      %max3A_230 = arith.constant 0.000000e+00 : f32
      %max3A_231 = vector.broadcast %max3A_230 : f32 to vector<512x32xf32>
      %max3A_232 = arith.maximumf %add3A_229, %max3A_231 : vector<512x32xf32>
      %get3A_233 = arith.constant 0 : index
      %get3A_234 = arith.constant 0 : index
      %get3A_235 = vector.load %arg25[%get3A_233, %get3A_234] : memref<32x8xf32, #tpu.memory_space<vmem>>, vector<32x8xf32>
      %dot_general3A_236 = arith.constant dense<0.000000e+00> : vector<512x8xf32>
      %dot_general3A_237 = tpu.matmul %max3A_232, %get3A_235, %dot_general3A_236 {dimension_numbers = #tpu.dot_dimension_numbers<[1], [0], [0], [1], [0, 0, 1, 1], [], []>, transpose_lhs_hint = false} : vector<512x32xf32>, vector<32x8xf32>, vector<512x8xf32> -> vector<512x8xf32>
      %get3A_238 = arith.constant 0 : index
      %get3A_239 = arith.constant 0 : index
      %get3A_240 = vector.load %arg28[%get3A_238, %get3A_239] : memref<1x1xf32, #tpu.memory_space<vmem>>, vector<1x1xf32>
      %add3A_241 = vector.broadcast %get3A_240 : vector<1x1xf32> to vector<512x8xf32>
      %add3A_242 = arith.addf %dot_general3A_237, %add3A_241 : vector<512x8xf32>
      %swap3A_243 = arith.constant 0 : index
      %swap3A_244 = arith.constant 0 : index
      %swap3A_245 = vector.load %arg29[%swap3A_243, %swap3A_244] : memref<512x8xf32, #tpu.memory_space<vmem>>, vector<512x8xf32>
      tpu.vector_store %arg29[%swap3A_243, %swap3A_244], %add3A_242 {strides = array<i32>} : memref<512x8xf32, #tpu.memory_space<vmem>>, vector<512x8xf32>,
    } else {
    }
    return
  }
  func.func @transform_0(%arg0: i32) -> (i32, i32, i32) {
    %c0_i32 = arith.constant 0 : i32
    %c0_i32_0 = arith.constant 0 : i32
    %c0_i32_1 = arith.constant 0 : i32
    return %c0_i32, %arg0, %c0_i32_0 : i32, i32, i32
  }
  func.func @transform_1(%arg0: i32) -> (i32, i32) {
    %c0_i32 = arith.constant 0 : i32
    %c0_i32_0 = arith.constant 0 : i32
    return %arg0, %c0_i32 : i32, i32
  }
  func.func @transform_2(%arg0: i32) -> (i32, i32) {
    %c0_i32 = arith.constant 0 : i32
    %c0_i32_0 = arith.constant 0 : i32
    %c0_i32_1 = arith.constant 0 : i32
    return %c0_i32, %c0_i32_0 : i32, i32
  }
  func.func @transform_3(%arg0: i32) -> (i32, i32) {
    %c0_i32 = arith.constant 0 : i32
    %c0_i32_0 = arith.constant 0 : i32
    %c0_i32_1 = arith.constant 0 : i32
    return %c0_i32, %c0_i32_0 : i32, i32
  }
  func.func @transform_4(%arg0: i32) -> (i32, i32) {
    %c0_i32 = arith.constant 0 : i32
    %c0_i32_0 = arith.constant 0 : i32
    %c0_i32_1 = arith.constant 0 : i32
    return %c0_i32, %c0_i32_0 : i32, i32
  }
  func.func @transform_5(%arg0: i32) -> (i32, i32) {
    %c0_i32 = arith.constant 0 : i32
    %c0_i32_0 = arith.constant 0 : i32
    %c0_i32_1 = arith.constant 0 : i32
    return %c0_i32, %c0_i32_0 : i32, i32
  }
  func.func @transform_6(%arg0: i32) -> (i32, i32) {
    %c0_i32 = arith.constant 0 : i32
    %c0_i32_0 = arith.constant 0 : i32
    %c0_i32_1 = arith.constant 0 : i32
    return %c0_i32, %c0_i32_0 : i32, i32
  }
  func.func @transform_7(%arg0: i32) -> (i32, i32) {
    %c0_i32 = arith.constant 0 : i32
    %c0_i32_0 = arith.constant 0 : i32
    %c0_i32_1 = arith.constant 0 : i32
    return %c0_i32, %c0_i32_0 : i32, i32
  }
  func.func @transform_8(%arg0: i32) -> (i32, i32) {
    %c0_i32 = arith.constant 0 : i32
    %c0_i32_0 = arith.constant 0 : i32
    %c0_i32_1 = arith.constant 0 : i32
    return %c0_i32, %c0_i32_0 : i32, i32
  }
  func.func @transform_9(%arg0: i32) -> (i32, i32) {
    %c0_i32 = arith.constant 0 : i32
    %c0_i32_0 = arith.constant 0 : i32
    %c0_i32_1 = arith.constant 0 : i32
    return %c0_i32, %c0_i32_0 : i32, i32
  }
  func.func @transform_10(%arg0: i32) -> (i32, i32) {
    %c0_i32 = arith.constant 0 : i32
    %c0_i32_0 = arith.constant 0 : i32
    %c0_i32_1 = arith.constant 0 : i32
    return %c0_i32, %c0_i32_0 : i32, i32
  }
  func.func @transform_11(%arg0: i32) -> (i32, i32) {
    %c0_i32 = arith.constant 0 : i32
    %c0_i32_0 = arith.constant 0 : i32
    %c0_i32_1 = arith.constant 0 : i32
    return %c0_i32, %c0_i32_0 : i32, i32
  }
  func.func @transform_12(%arg0: i32) -> (i32, i32) {
    %c0_i32 = arith.constant 0 : i32
    %c0_i32_0 = arith.constant 0 : i32
    %c0_i32_1 = arith.constant 0 : i32
    return %c0_i32, %c0_i32_0 : i32, i32
  }
  func.func @transform_13(%arg0: i32) -> (i32, i32) {
    %c0_i32 = arith.constant 0 : i32
    %c0_i32_0 = arith.constant 0 : i32
    %c0_i32_1 = arith.constant 0 : i32
    return %c0_i32, %c0_i32_0 : i32, i32
  }
  func.func @transform_14(%arg0: i32) -> (i32, i32) {
    %c0_i32 = arith.constant 0 : i32
    %c0_i32_0 = arith.constant 0 : i32
    %c0_i32_1 = arith.constant 0 : i32
    return %c0_i32, %c0_i32_0 : i32, i32
  }
  func.func @transform_15(%arg0: i32) -> (i32, i32) {
    %c0_i32 = arith.constant 0 : i32
    %c0_i32_0 = arith.constant 0 : i32
    %c0_i32_1 = arith.constant 0 : i32
    return %c0_i32, %c0_i32_0 : i32, i32
  }
  func.func @transform_16(%arg0: i32) -> (i32, i32) {
    %c0_i32 = arith.constant 0 : i32
    %c0_i32_0 = arith.constant 0 : i32
    %c0_i32_1 = arith.constant 0 : i32
    return %c0_i32, %c0_i32_0 : i32, i32
  }
  func.func @transform_17(%arg0: i32) -> (i32, i32) {
    %c0_i32 = arith.constant 0 : i32
    %c0_i32_0 = arith.constant 0 : i32
    %c0_i32_1 = arith.constant 0 : i32
    return %c0_i32, %c0_i32_0 : i32, i32
  }
  func.func @transform_18(%arg0: i32) -> (i32, i32) {
    %c0_i32 = arith.constant 0 : i32
    %c0_i32_0 = arith.constant 0 : i32
    %c0_i32_1 = arith.constant 0 : i32
    return %c0_i32, %c0_i32_0 : i32, i32
  }
  func.func @transform_19(%arg0: i32) -> (i32, i32) {
    %c0_i32 = arith.constant 0 : i32
    %c0_i32_0 = arith.constant 0 : i32
    %c0_i32_1 = arith.constant 0 : i32
    return %c0_i32, %c0_i32_0 : i32, i32
  }
  func.func @transform_20(%arg0: i32) -> (i32, i32) {
    %c0_i32 = arith.constant 0 : i32
    %c0_i32_0 = arith.constant 0 : i32
    %c0_i32_1 = arith.constant 0 : i32
    return %c0_i32, %c0_i32_0 : i32, i32
  }
  func.func @transform_21(%arg0: i32) -> (i32, i32) {
    %c0_i32 = arith.constant 0 : i32
    %c0_i32_0 = arith.constant 0 : i32
    %c0_i32_1 = arith.constant 0 : i32
    return %c0_i32, %c0_i32_0 : i32, i32
  }
  func.func @transform_22(%arg0: i32) -> (i32, i32) {
    %c0_i32 = arith.constant 0 : i32
    %c0_i32_0 = arith.constant 0 : i32
    %c0_i32_1 = arith.constant 0 : i32
    return %c0_i32, %c0_i32_0 : i32, i32
  }
  func.func @transform_23(%arg0: i32) -> (i32, i32) {
    %c0_i32 = arith.constant 0 : i32
    %c0_i32_0 = arith.constant 0 : i32
    %c0_i32_1 = arith.constant 0 : i32
    return %c0_i32, %c0_i32_0 : i32, i32
  }
  func.func @transform_24(%arg0: i32) -> (i32, i32) {
    %c0_i32 = arith.constant 0 : i32
    %c0_i32_0 = arith.constant 0 : i32
    %c0_i32_1 = arith.constant 0 : i32
    return %c0_i32, %c0_i32_0 : i32, i32
  }
  func.func @transform_25(%arg0: i32) -> (i32, i32) {
    %c0_i32 = arith.constant 0 : i32
    %c0_i32_0 = arith.constant 0 : i32
    %c0_i32_1 = arith.constant 0 : i32
    return %c0_i32, %c0_i32_0 : i32, i32
  }
  func.func @transform_26(%arg0: i32) -> (i32, i32) {
    %c0_i32 = arith.constant 0 : i32
    %c0_i32_0 = arith.constant 0 : i32
    %c0_i32_1 = arith.constant 0 : i32
    return %c0_i32, %c0_i32_0 : i32, i32
  }
  func.func @transform_27(%arg0: i32) -> (i32, i32) {
    %c0_i32 = arith.constant 0 : i32
    %c0_i32_0 = arith.constant 0 : i32
    %c0_i32_1 = arith.constant 0 : i32
    return %c0_i32, %c0_i32_0 : i32, i32
  }
  func.func @transform_28(%arg0: i32) -> (i32, i32) {
    %c0_i32 = arith.constant 0 : i32
    %c0_i32_0 = arith.constant 0 : i32
    %c0_i32_1 = arith.constant 0 : i32
    return %c0_i32, %c0_i32_0 : i32, i32
  }
}

</mosaic_0001>

<sc_bundles>
// kernel: kernel.5.cloned.1.call-start
scs
__scs_entry_jumppad:
0x0: {  	(pc) =	sbr.rel $0x88, $3  }
0x1: {  	(tag) =	ssettag $0x0;
	lr =	simm.s32 $0x1  }
0x2: {  	[smem:$0x3F84] =	sst lr;
	_ =	strace $0xD0000000  }
0x3: {  	_ = 	snop  }
0x4: {  	_ = 	snop  }
0x5: {  	_ = 	snop  }
0x6: {  	_ = 	snop  }
0x7: {  	_ = 	snop  }
__scs_overlays_trampoline_lowered:
0x8: {  	[smem:$0x3F93] =	sst s0  }
0x9: {  	[smem:$0x3F94] =	sst s1  }
0xa: {  	[smem:$0x3F95] =	sst s2  }
0xb: {  	[smem:$0x3F96] =	sst s3  }
0xc: {  	[smem:$0x3F97] =	sst s4  }
0xd: {  	[smem:$0x3F98] =	sst s5  }
0xe: {  	[smem:$0x3F99] =	sst s6  }
0xf: {  	[smem:$0x3F9A] =	sst s7  }
0x10: {  	[smem:$0x3F9B] =	sst s8  }
0x11: {  	[smem:$0x3F9C] =	sst s9;
	s0 =	simm.s32 @!p0 $0x0  }
0x12: {  	s1 =	sld [smem:$0x3F82];
	s0 =	simm.s32 @p0 $0x1  }
0x13: {  	[smem:$0x3F9D] =	sst s0;
	s0 =	simm.s32 @!p1 $0x0  }
0x14: {  	s2 =	sld [smem:$0x3F81];
	s0 =	simm.s32 @p1 $0x1  }
0x15: {  	[smem:$0x3F9E] =	sst s0;
	s0 =	simm.s32 @!p2 $0x0  }
0x16: {  	s3 =	sld [smem:$0x3FDB];
	s0 =	simm.s32 @p2 $0x1  }
0x17: {  	s4 =	simm.s32 $0x1BF5;
	[smem:$0x3FA0] =	sst s0  }
0x18: {  	s0 =	sld [smem:$0x3F83];
	_ =	swait.ge [sflag:s4], $0x0  }
0x19: {  	s7 =	sld [smem:$0x3F84]  }
0x1a: {  	s8 =	sadd.s32 $0xFFFFE003, lr  }
0x1b: {  	s9 =	sadd.s32 $0xFFFFFEF7, lr;
	s5 =	simm.s32 $0xFFFFFFFF;
	p2 =	slt.u32 s8, $0xFFFFF086  }
0x1c: {  	p1 =	slt.u32 s9, $0xF7A;
	s5 =	simm.s32 @!p2 $0x0  }
0x1d: {  	s5 =	simm.s32 @p1 $0x1;
	p0 =	seq.s32 s7, s2  }
0x1e: {  	s7 =	smul.u32 @!p0 $0xF7A, s2;
	p2 =	seq.s32 @!p0 s5, $0x0  }
0x1f: {  	s9 =	smul.u32 $0xF7A, s1;
	s8 =	simm.s32 @!p0 $0x1BF5;
	p2 =	por !p2, p0  }
0x20: {  	[sflag:s8] =	ssyncset.s32 @!p0 $0xFFFFF086;
	s6 =	sadd.s32 @!p0 s3, s7;
	s7 =	simm.s32 @!p0 $0x108  }
0x21: {  	s3 =	sadd.s32 s3, s9;
	s6 =	sadd.s32 @!p0 $0x88, s6;
	s7 =	simm.s32 @p2 $0x1082  }
0x22: {  	[simem:s7], [sflag:s8] =	dma.local @!p0 [hbm:s6], $0xF7A  }
0x23: {  	s9 =	sor.u32 $0xD0000000, s2;
	s6 =	simm.s32 $0x108;
	_ =	swait.ge @!p0 [sflag:s8], $0x0  }
0x24: {  	s3 =	sadd.s32 $0x88, s3;
	s6 =	simm.s32 @!p1 $0x1082;
	[sflag:s4] =	ssyncset.s32 $0xFFFFF086  }
0x25: {  	[simem:s6], [sflag:s4] =	dma.local [hbm:s3], $0xF7A  }
0x26: {  	[smem:$0x3F84] =	sst s1;
	(tag) =	ssettag s2;
	_ =	strace s9  }
0x27: {  	s1 =	sld [smem:$0x3F94]  }
0x28: {  	s2 =	sld [smem:$0x3F95]  }
0x29: {  	s4 =	sld [smem:$0x3F97]  }
0x2a: {  	p0 =	seq.s32 s5, $0x0;
	s5 =	sld [smem:$0x3F98]  }
0x2b: {  	s6 =	sld [smem:$0x3F99]  }
0x2c: {  	s7 =	sld [smem:$0x3F9A]  }
0x2d: {  	s3 =	simm.s32 $0x108;
	s8 =	sld [smem:$0x3F9B]  }
0x2e: {  	s3 =	simm.s32 @!p0 $0x1082;
	s9 =	sld [smem:$0x3F9C]  }
0x2f: {  	lr =	sadd.s32 s0, s3;
	s0 =	sld [smem:$0x3F93]  }
0x30: {  	s3 =	sld [smem:$0x3F96]  }
0x31: {  	[smem:$0x3F9F] =	sst s10  }
0x32: {  	s10 =	sld [smem:$0x3F9D];
	_ =	sdelay $0x3  }
0x33: {  	p0 =	seq.s32 s10, $0x1;
	s10 =	sld [smem:$0x3F9F];
	_ =	sdelay $0x3  }
0x34: {  	[smem:$0x3F9F] =	sst s10  }
0x35: {  	s10 =	sld [smem:$0x3F9E];
	_ =	sdelay $0x3  }
0x36: {  	p1 =	seq.s32 s10, $0x1;
	s10 =	sld [smem:$0x3F9F];
	_ =	sdelay $0x3  }
0x37: {  	[smem:$0x3F9F] =	sst s10  }
0x38: {  	s10 =	sld [smem:$0x3FA0]  }
0x39: {  	_ = 	snop;
	(pc) =	sbr.ind lr, $3  }
0x3a: {  	_ = 	snop  }
0x3b: {  	_ = 	snop  }
0x3c: {  	p2 =	seq.s32 s10, $0x1;
	s10 =	sld [smem:$0x3F9F]  }
0x3d: {  	_ =	shalt  }
0x3e: {  	_ =	shalt  }
0x3f: {  	_ =	shalt  }
0x40: {  	_ =	shalt  }
0x41: {  	_ =	shalt  }
0x42: {  	_ =	shalt  }
0x43: {  	_ =	shalt  }
0x44: {  	_ =	shalt  }
0x45: {  	_ =	shalt  }
0x46: {  	_ =	shalt  }
0x47: {  	_ =	shalt  }
0x48: {  	_ =	shalt  }
0x49: {  	_ =	shalt  }
0x4a: {  	_ =	shalt  }
0x4b: {  	_ =	shalt  }
0x4c: {  	_ =	shalt  }
0x4d: {  	_ =	shalt  }
0x4e: {  	_ =	shalt  }
0x4f: {  	_ =	shalt  }
0x50: {  	_ =	shalt  }
0x51: {  	_ =	shalt  }
0x52: {  	_ =	shalt  }
0x53: {  	_ =	shalt  }
0x54: {  	_ =	shalt  }
0x55: {  	_ =	shalt  }
0x56: {  	_ =	shalt  }
0x57: {  	_ =	shalt  }
0x58: {  	_ =	shalt  }
0x59: {  	_ =	shalt  }
0x5a: {  	_ =	shalt  }
0x5b: {  	_ =	shalt  }
0x5c: {  	_ =	shalt  }
0x5d: {  	_ =	shalt  }
0x5e: {  	_ =	shalt  }
0x5f: {  	_ =	shalt  }
0x60: {  	_ =	shalt  }
0x61: {  	_ =	shalt  }
0x62: {  	_ =	shalt  }
0x63: {  	_ =	shalt  }
0x64: {  	_ =	shalt  }
0x65: {  	_ =	shalt  }
0x66: {  	_ =	shalt  }
0x67: {  	_ =	shalt  }
0x68: {  	_ =	shalt  }
0x69: {  	_ =	shalt  }
0x6a: {  	_ =	shalt  }
0x6b: {  	_ =	shalt  }
0x6c: {  	_ =	shalt  }
0x6d: {  	_ =	shalt  }
0x6e: {  	_ =	shalt  }
0x6f: {  	_ =	shalt  }
0x70: {  	_ =	shalt  }
0x71: {  	_ =	shalt  }
0x72: {  	_ =	shalt  }
0x73: {  	_ =	shalt  }
0x74: {  	_ =	shalt  }
0x75: {  	_ =	shalt  }
0x76: {  	_ =	shalt  }
0x77: {  	_ =	shalt  }
0x78: {  	_ =	shalt  }
0x79: {  	_ =	shalt  }
0x7a: {  	_ =	shalt  }
0x7b: {  	_ =	shalt  }
0x7c: {  	_ =	shalt  }
0x7d: {  	_ =	shalt  }
0x7e: {  	_ =	shalt  }
0x7f: {  	_ =	shalt  }
0x80: {  	_ =	shalt  }
0x81: {  	_ =	shalt  }
0x82: {  	_ =	shalt  }
0x83: {  	_ =	shalt  }
0x84: {  	_ =	shalt  }
0x85: {  	_ =	shalt  }
0x86: {  	_ =	shalt  }
0x87: {  	_ =	shalt  }
.Lfunc_end0:
.L_simem_size_0:
called_computation_lowered:
.L_overlay_start_0:
0x88: {  	s2 =	sld [smem:$0x3FD9]  }
0x89: {  	s3 =	sld [smem:$0x3FFE];
	_ =	sdelay $0x1  }
0x8a: {  	s1 =	srdreg.scid  }
0x8b: {  	s0 =	sand.u32 $0x1, s1  }
0x8c: {  	s17 =	sshll.u32 s0, $0xA;
	s2 =	sadd.s32 s3, s2  }
0x8d: {  	s2 =	sadd.s32 s2, s17  }
0x8e: {  	[smem:$0x3FAB] =	sst s2  }
0x8f: {  	_ = 	snop  }
0x90: {  	s2 =	sld [smem:$0x3FC9]  }
0x91: {  	s18 =	sld [smem:$0x3FD0];
	(tm) =	ssettm $0x1  }
0x92: {  	s4 =	sld [smem:$0x3FFB];
	_ =	sdelay $0x3  }
0x93: {  	_ =	strace s4  }
0x94: {  	s4 =	sld [smem:$0x3FFC];
	_ =	sdelay $0x3  }
0x95: {  	_ =	strace s4  }
0x96: {  	s4 =	sld [smem:$0x3FFD];
	_ =	sdelay $0x3  }
0x97: {  	_ =	strace s4  }
0x98: {  	_ =	strace $0x8FFFFFFF  }
0x99: {  	s19 =	sld [smem:$0x3FDB];
	_ =	sdelay $0x1  }
0x9a: {  	s5 =	simm.s32 $_scs_section_size  }
0x9b: {  	s6 =	simm.s32 $_size__tile_overlayer_lowered;
	s7 =	simm.s32 $_tile_overlayer_lowered  }
0x9c: {  	s22 =	simm.s32 $0x1BFF;
	s21 =	sshll.u32 s7, $0x1;
	s4 =	sadd.s32 s5, s19  }
0x9d: {  	s8 =	simm.s32 $0x0;
	s20 =	sshll.u32 s6, $0x1;
	s6 =	sadd.s32 s21, s4  }
0x9e: {  	[timem:s8], [sflag:s22] =	dma.local [hbm:s6], s20  }
0x9f: {  	_ =	swait.ge [sflag:s22], s20  }
0xa0: {  	s5 =	ssub.s32 $0x0, s20;
	[sflag:s22] =	ssyncset.done $0x0  }
0xa1: {  	[sflag:s22] =	ssyncadd.s32 s5;
	_ =	sdelay $0x1  }
0xa2: {  	s23 =	simm.s32 $0x1B8B  }
0xa3: {  	_ =	swait.ge [sflag:s23], $0x1  }
0xa4: {  	[sflag:s23] =	ssyncset.done $0x0  }
0xa5: {  	s25 =	simm.s32 $0x1B8E;
	s24 =	sld [smem:$0x3FFE];
	[sflag:s23] =	ssyncadd.s32 $0xFFFFFFFF  }
0xa6: {  	s26 =	simm.s32 $execute0_lowered;
	[smem:$0x3FD2] =	sst s25  }
0xa7: {  	s6 =	sshll.u32 s26, $0x1;
	_ =	strace $0x80000046;
	[dreg:$0x1] =	wrdreg $0xFFFFFFFF  }
0xa8: {  	s28 =	simm.s32 $_size_execute0_lowered;
	s4 =	sadd.s32 s4, s6;
	[dreg:$0x0] =	wrdreg $0x0  }
0xa9: {  	s6 =	sshll.u32 s28, $0x1;
	[dreg:$0x2] =	wrdreg s4  }
0xaa: {  	[dreg:$0x3] =	wrdreg s6  }
0xab: {  	[dreg:$0x4] =	wrdreg $0xC0  }
0xac: {  	_ =	task [dreg:s8], $0x5FFFF  }
0xad: {  	[dreg:$0x1] =	wrdreg $0xFFFFFFFF  }
0xae: {  	[dreg:$0x0] =	wrdreg $0x60  }
0xaf: {  	[dreg:$0x2] =	wrdreg s24  }
0xb0: {  	[dreg:$0x3] =	wrdreg s2  }
0xb1: {  	[dreg:$0x4] =	wrdreg s18  }
0xb2: {  	[dreg:$0x5] =	wrdreg $0x3800  }
0xb3: {  	[dreg:$0x6] =	wrdreg $0x18A800  }
0xb4: {  	[dreg:$0x7] =	wrdreg $0x18E800  }
0xb5: {  	[dreg:$0x8] =	wrdreg $0x9  }
0xb6: {  	_ =	task.clear_ibuf [dreg:s8], $0x9FFFF;
	_ =	strace $0x90000046  }
0xb7: {  	s29 =	simm.s32 $0x9;
	_ =	strace $0x80000048  }
0xb8: {  	_ =	swait.ge [sflag:s29], $0x1  }
0xb9: {  	[sflag:s29] =	ssyncadd.s32 $0xFFFFFFFF  }
0xba: {  	_ =	strace $0x90000048  }
0xbb: {  	_ =	sfence  }
0xbc: {  	s30 =	sld [smem:$0x0];
	_ =	sdelay $0x2  }
0xbd: {  	s31 =	sshll.u32 s1, $0xD;
	s1 =	sshrl.u32 s1, $0x2  }
0xbe: {  	s3 =	sand.u32 $0x4000, s31;
	s1 =	sadd.s32 s1, s30  }
0xbf: {  	s0 =	sor.u32 s3, s0;
	s1 =	sshll.u32 s1, $0x11  }
0xc0: {  	s0 =	sor.u32 s1, s0  }
0xc1: {  	s0 =	sadd.s32 $0x8F2B, s0  }
0xc2: {  	[sflag:s0] =	ssyncadd.remote.s32 $0x1  }
0xc3: {  	_ =	sfence.sel $0xFFFF  }
0xc4: {  	[dreg:$0x0] =	wrdreg $0xFFFFFFFF;
	(pc) =	sbr.abs _section_cstart, $3  }
0xc5: {  	[dreg:$0x1] =	wrdreg $0xFFFFFFFF  }
0xc6: {  	_ =	task.clear_ibuf [dreg:s8], $0x2FFFF;
	_ =	strace $0x9FFFFFFF  }
0xc7: {  	(tm) =	ssettm $0x7FFFFFFF  }
tec
execute0_lowered:
.L_overlay_start_1:
0x0: {  	(tag) =	ssettag $0x1  }
0x1: {  	s0 =	rddreg [dreg:$0x0]  }
0x2: {  	s1 =	rddreg [dreg:$0x1]  }
0x3: {  	s2 =	rddreg [dreg:$0x3]  }
0x4: {  	s3 =	rddreg [dreg:$0x4]  }
0x5: {  	s4 =	rddreg [dreg:$0x5];
	s5 =	simm.s32 $0x0  }
0x6: {  	s8 =	srdreg.scid;
	s9 =	stileid.u32;
	s29 =	simm.s32 $0x80  }
0x7: {  	s31 =	simm.s32 $0x1;
	[smem:$0x7FF] =	sst s5;
	s6 =	sadd.s32 $0x43400, s0  }
0x8: {  	s7 =	sadd.s32 $0x3D000, s0;
	s10 =	sand.u32 $0x1, s8;
	s11 =	sshll.u32 s9, $0x1  }
0x9: {  	s8 =	sadd.s32 $0x36C00, s0;
	s12 =	sadd.s32 $0x5600, s0;
	s17 =	sadd.s32 $0x36400, s0  }
0xa: {  	s18 =	sadd.s32 $0x1BD600, s0;
	_ =	strace $0x80000047;
	[dreg:$0x7] =	wrdreg s12  }
0xb: {  	p0 =	sne.s32 s9, $0x0;
	s9 =	simm.s32 $0x200;
	[dreg:$0x8] =	wrdreg s17  }
0xc: {  	s11 =	sor.u32 s10, s11;
	[dreg:$0x9] =	wrdreg s18;
	s12 =	sadd.s32 $0x49800, s0  }
0xd: {  	s10 =	ssub.s32 $0x2, s10;
	s17 =	simm.s32 $0x1A6C0;
	s18 =	simm.s32 $0x1C6C0  }
0xe: {  	s13 =	sshll.u32 s11, $0x9;
	s14 =	sshrl.u32 s10, $0x1;
	s16 =	smul.u32 $0x320, s11  }
0xf: {  	s15 =	sshll.u32 s11, $0x4;
	s20 =	smul.u32 $0x32, s11;
	s13 =	sadd.s32 s13, s0  }
0x10: {  	s10 =	ssub.s32 s10, s14;
	s1 =	sadd.s32 s1, s15;
	s14 =	simm.s32 $0x0  }
0x11: {  	[dreg:$0xa] =	wrdreg s1;
	s19 =	sadd.s32 $0xAD800, s13;
	s22 =	sadd.s32 s6, s16  }
0x12: {  	s23 =	sor.u32 $0x10, s16;
	s24 =	sadd.s32 s8, s16;
	[dreg:$0xb] =	wrdreg s19  }
0x13: {  	s25 =	sadd.s32 s7, s16;
	s21 =	sadd.s32 $0x2, s20;
	[dreg:$0xc] =	wrdreg s22  }
0x14: {  	s30 =	smax.u32 s10, $0x1;
	s1 =	simm.s32 $0x180;
	[dreg:$0xd] =	wrdreg s24  }
0x15: {  	s10 =	simm.s32 $0x280;
	s16 =	simm.s32 $0x1BEC0;
	[dreg:$0xe] =	wrdreg s25  }
0x16: {  	s26 =	sadd.s32 s6, s23;
	s28 =	sadd.s32 s8, s23;
	[dreg:$0x12] =	wrdreg s30  }
0x17: {  	s13 =	sadd.s32 s7, s23;
	s22 =	sshll.u32 s11, $0x8;
	[dreg:$0xf] =	wrdreg s26  }
0x18: {  	s23 =	sadd.s32 $0x3, s20;
	s24 =	sadd.s32 $0x4B800, s0;
	[dreg:$0x10] =	wrdreg s28  }
0x19: {  	[dreg:$0x11] =	wrdreg s13;
	s13 =	simm.s32 $0x6;
	s26 =	simm.s32 $0x3  }
.LBB2_1:
0x1a: {  	[dreg:$0x13] =	wrdreg s14  }
0x1b: {  	s0 =	sshrl.u32 @!p0 s2, $0x3;
	s11 =	simm.s32 @!p0 $0x1C07;
	s14 =	rddreg [dreg:$0x7]  }
0x1c: {  	[spmem:s0], [sflag:s11] =	dma.local @!p0 [hbm:s14], $0x30E00  }
0x1d: {  	s0 =	simm.s32 @!p0 $0x7  }
0x1e: {  	_ =	swait.ge @!p0 [sflag:s0], $0x30E00  }
0x1f: {  	[sflag:s0] =	ssyncset.done @!p0 $0x0  }
0x20: {  	s14 =	sshrl.u32 @!p0 s3, $0x3;
	s15 =	rddreg [dreg:$0x8];
	[sflag:s0] =	ssyncadd.s32 @!p0 $0xFFFCF200  }
0x21: {  	[spmem:s14], [sflag:s11] =	dma.local @!p0 [hbm:s15], $0x800  }
0x22: {  	_ =	swait.ge @!p0 [sflag:s0], $0x800  }
0x23: {  	[sflag:s0] =	ssyncset.done @!p0 $0x0  }
0x24: {  	[sflag:s0] =	ssyncadd.s32 @!p0 $0xFFFFF800  }
0x25: {  	s14 =	sshrl.u32 @!p0 s4, $0x3;
	s15 =	rddreg [dreg:$0x2]  }
0x26: {  	[spmem:s14], [sflag:s11] =	dma.local @!p0 [hbm:s15], $0x80  }
0x27: {  	_ =	swait.ge @!p0 [sflag:s0], $0x80  }
0x28: {  	s19 =	simm.s32 $0x300;
	[sflag:s0] =	ssyncset.done @!p0 $0x0  }
0x29: {  	s20 =	simm.s32 $0x7;
	s15 =	rddreg [dreg:$0xa];
	[sflag:s0] =	ssyncadd.s32 @!p0 $0xFFFFFF80  }
0x2a: {  	[tilespmem:s19], [sflag:$0x7] =	stream.linear.gather [hbm4b:s15+s5], $0x80, $0x38;
	[tilespmem:$0x1DEC0] =	vst v63  }
0x2b: {  	_ =	swait.ge [sflag:s20], $0x80  }
0x2c: {  	[sflag:s20] =	ssyncset.done $0x0  }
0x2d: {  	s28 =	simm.s32 $0x1CEC0;
	s25 =	rddreg [dreg:$0x9];
	[sflag:s20] =	ssyncadd.s32 $0xFFFFFF80  }
0x2e: {  	[tilespmem:s28], [sflag:$0x1] =	stream.indirect.gather [hbm4b:s25+s29], $0x20, s19, s29, $0xb8;
	[tilespmem:$0x1DEC0] =	vst v63  }
0x2f: {  	_ =	swait.ge [sflag:s31], $0x1000  }
0x30: {  	[sflag:s31] =	ssyncset.done $0x0  }
0x31: {  	s11 =	rddreg [dreg:$0xb];
	[sflag:s31] =	ssyncadd.s32 $0xFFFFF000  }
0x32: {  	[hbm4b:s11+s5] =	stream.linear.scatter [tilespmem:s28], [sflag:$0x7], $0x1000, $0x38;
	[tilespmem:$0x1DEC0] =	vst v63  }
0x33: {  	_ =	swait.ge [sflag:s20], $0x1000  }
0x34: {  	[sflag:s20] =	ssyncset.done $0x0  }
0x35: {  	[sflag:s20] =	ssyncadd.s32 $0xFFFFF000  }
0x36: {  	[bflag:$0x0] =	sbarrier.arrive $0xFFFF  }
0x37: {  	s19 =	rddreg [dreg:$0xc]  }
0x38: {  	[tilespmem:s5], [sflag:$0x5] =	stream.linear.gather [hbm4b:s19+s5], $0x80, $0x38;
	[tilespmem:$0x1DEC0] =	vst v63  }
0x39: {  	s20 =	rddreg [dreg:$0xd]  }
0x3a: {  	[tilespmem:s29], [sflag:$0x5] =	stream.linear.gather [hbm4b:s20+s5], $0x80, $0x38;
	[tilespmem:$0x1DEC0] =	vst v63  }
0x3b: {  	s11 =	simm.s32 $0x100;
	s25 =	rddreg [dreg:$0xe]  }
0x3c: {  	[tilespmem:s11], [sflag:$0x5] =	stream.linear.gather [hbm4b:s25+s5], $0x80, $0x38;
	[tilespmem:$0x1DEC0] =	vst v63  }
0x3d: {  	s28 =	rddreg [dreg:$0xf]  }
0x3e: {  	[tilespmem:s1], [sflag:$0x6] =	stream.linear.gather [hbm4b:s28+s5], $0x80, $0x38;
	[tilespmem:$0x1DEC0] =	vst v63  }
0x3f: {  	s14 =	rddreg [dreg:$0x10]  }
0x40: {  	[tilespmem:s9], [sflag:$0x6] =	stream.linear.gather [hbm4b:s14+s5], $0x80, $0x38;
	[tilespmem:$0x1DEC0] =	vst v63  }
0x41: {  	s15 =	rddreg [dreg:$0x11];
	s19 =	simm.s32 $0x5  }
0x42: {  	[tilespmem:s10], [sflag:$0x6] =	stream.linear.gather [hbm4b:s15+s5], $0x80, $0x38;
	[tilespmem:$0x1DEC0] =	vst v63  }
0x43: {  	_ =	swait.ge [sflag:s19], $0x80  }
0x44: {  	[sflag:s19] =	ssyncset.done $0x0  }
0x45: {  	[sflag:s19] =	ssyncadd.s32 $0xFFFFFF80  }
0x46: {  	_ =	swait.ge [sflag:s19], $0x80  }
0x47: {  	[sflag:s19] =	ssyncset.done $0x0  }
0x48: {  	[sflag:s19] =	ssyncadd.s32 $0xFFFFFF80  }
0x49: {  	_ =	swait.ge [sflag:s19], $0x80  }
0x4a: {  	[sflag:s19] =	ssyncset.done $0x0  }
0x4b: {  	s20 =	simm.s32 $0x18EC0;
	[sflag:s19] =	ssyncadd.s32 $0xFFFFFF80  }
0x4c: {  	[tilespmem:s20], [sflag:$0x1] =	stream.indirect.gather [spmem:s2], $0x10, s5, s29, $0xb8;
	[tilespmem:$0x1DEC0] =	vst v63  }
0x4d: {  	s25 =	simm.s32 $0x196C0  }
0x4e: {  	[tilespmem:s25], [sflag:$0x1] =	stream.indirect.gather [spmem:s3], $0x10, s29, s29, $0xb8;
	[tilespmem:$0x1DEC0] =	vst v63  }
0x4f: {  	s30 =	simm.s32 $0x0;
	s28 =	simm.s32 $0x19EC0  }
0x50: {  	[tilespmem:s28], [sflag:$0x1] =	stream.indirect.gather [spmem:s4], $0x10, s11, s29, $0xb8;
	[tilespmem:$0x1DEC0] =	vst v63  }
.LBB2_2:
0x51: {  	p1 =	seq.s32 s30, $0x0  }
0x52: {  	s0 =	simm.s32 @!p1 $0x4  }
0x53: {  	_ =	swait.ge @!p1 [sflag:s0], $0x800  }
0x54: {  	[sflag:s0] =	ssyncset.done @!p1 $0x0  }
0x55: {  	[sflag:s0] =	ssyncadd.s32 @!p1 $0xFFFFF800  }
0x56: {  	_ =	swait.ge [sflag:s13], $0x80  }
0x57: {  	[sflag:s13] =	ssyncset.done $0x0  }
0x58: {  	[sflag:s13] =	ssyncadd.s32 $0xFFFFFF80  }
0x59: {  	_ =	swait.ge [sflag:s13], $0x80  }
0x5a: {  	[sflag:s13] =	ssyncset.done $0x0  }
0x5b: {  	[sflag:s13] =	ssyncadd.s32 $0xFFFFFF80  }
0x5c: {  	_ =	swait.ge [sflag:s13], $0x80  }
0x5d: {  	[sflag:s13] =	ssyncset.done $0x0  }
0x5e: {  	s11 =	simm.s32 $0x1AEC0;
	[sflag:s13] =	ssyncadd.s32 $0xFFFFFF80  }
0x5f: {  	[tilespmem:s11], [sflag:$0x2] =	stream.indirect.gather [spmem:s2], $0x10, s1, s29, $0xb8;
	[tilespmem:$0x1DEC0] =	vst v63  }
0x60: {  	s14 =	simm.s32 $0x1B6C0  }
0x61: {  	[tilespmem:s14], [sflag:$0x2] =	stream.indirect.gather [spmem:s3], $0x10, s9, s29, $0xb8;
	[tilespmem:$0x1DEC0] =	vst v63  }
0x62: {  	_ = 	snop  }
0x63: {  	[tilespmem:s16], [sflag:$0x2] =	stream.indirect.gather [spmem:s4], $0x10, s10, s29, $0xb8;
	[tilespmem:$0x1DEC0] =	vst v63  }
0x64: {  	_ =	swait.ge [sflag:s31], $0x800  }
0x65: {  	[sflag:s31] =	ssyncset.done $0x0  }
0x66: {  	[sflag:s31] =	ssyncadd.s32 $0xFFFFF800  }
0x67: {  	_ =	swait.ge [sflag:s31], $0x800  }
0x68: {  	s0 =	sshll.u32 s30, $0x1;
	p1 =	seq.s32 s30, $0x18;
	[sflag:s31] =	ssyncset.done $0x0  }
0x69: {  	s11 =	sadd.s32 @!p1 s0, s21;
	[sflag:s31] =	ssyncadd.s32 $0xFFFFF800  }
0x6a: {  	s11 =	sshll.u32 @!p1 s11, $0x4;
	_ =	swait.ge [sflag:s31], $0x800  }
0x6b: {  	s11 =	sand.u32 @!p1 $0x1FFFFFE0, s11;
	[sflag:s31] =	ssyncset.done $0x0  }
0x6c: {  	s15 =	simm.s32 @!p1 $0x0;
	s14 =	sadd.s32 @!p1 s6, s11;
	[sflag:s31] =	ssyncadd.s32 $0xFFFFF800  }
0x6d: {  	[tilespmem:s15], [sflag:$0x5] =	stream.linear.gather @!p1 [hbm4b:s14+s15], $0x80, $0x38;
	[tilespmem:$0x1DEC0] =	vst v63  }
0x6e: {  	s19 =	simm.s32 @!p1 $0x80;
	s14 =	sadd.s32 @!p1 s8, s11  }
0x6f: {  	[tilespmem:s19], [sflag:$0x5] =	stream.linear.gather @!p1 [hbm4b:s14+s15], $0x80, $0x38;
	[tilespmem:$0x1DEC0] =	vst v63  }
0x70: {  	s11 =	sadd.s32 @!p1 s7, s11;
	s14 =	simm.s32 @!p1 $0x100  }
0x71: {  	[tilespmem:s14], [sflag:$0x5] =	stream.linear.gather @!p1 [hbm4b:s11+s15], $0x80, $0x38;
	[tilespmem:$0x1DEC0] =	vst v63  }
0x72: {  	s15 =	simm.s32 $0x19700  }
0x73: {  	s25 =	simm.s32 $0x18F00;
	v0 =	vld [tilespmem:s15+$0xFFFFFFC0]  }
0x74: {  	v1 =	vld [tilespmem:s25+$0xFFFFFFC0]  }
0x75: {  	s19 =	simm.s32 $0x19F00  }
0x76: {  	v2 =	vld [tilespmem:s19+$0xFFFFFFC0];
	_ =	sdelay $0x2  }
0x77: {  	v0 =	vadd.bf16 v0, v1;
	_ =	sdelay $0x1  }
0x78: {  	v0 =	vadd.bf16 v2, v0  }
0x79: {  	s28 =	simm.s32 $0x1A700  }
0x7a: {  	[tilespmem:s28+$0xFFFFFFC0] =	vst v0  }
0x7b: {  	v0 =	vld [tilespmem:s25+$0xFFFFFFD0]  }
0x7c: {  	v1 =	vld [tilespmem:s15+$0xFFFFFFD0];
	_ =	sdelay $0x1  }
0x7d: {  	v2 =	vld [tilespmem:s19+$0xFFFFFFD0];
	_ =	sdelay $0x2  }
0x7e: {  	v0 =	vadd.bf16 v1, v0;
	_ =	sdelay $0x1  }
0x7f: {  	v0 =	vadd.bf16 v2, v0;
	_ =	sdelay $0x1  }
0x80: {  	[tilespmem:s28+$0xFFFFFFD0] =	vst v0  }
0x81: {  	v0 =	vld [tilespmem:s25+$0xFFFFFFE0]  }
0x82: {  	v1 =	vld [tilespmem:s15+$0xFFFFFFE0];
	_ =	sdelay $0x1  }
0x83: {  	v2 =	vld [tilespmem:s19+$0xFFFFFFE0];
	_ =	sdelay $0x2  }
0x84: {  	v0 =	vadd.bf16 v1, v0;
	_ =	sdelay $0x1  }
0x85: {  	v0 =	vadd.bf16 v2, v0;
	_ =	sdelay $0x1  }
0x86: {  	[tilespmem:s28+$0xFFFFFFE0] =	vst v0  }
0x87: {  	v0 =	vld [tilespmem:s25+$0xFFFFFFF0]  }
0x88: {  	v1 =	vld [tilespmem:s15+$0xFFFFFFF0];
	_ =	sdelay $0x1  }
0x89: {  	v2 =	vld [tilespmem:s19+$0xFFFFFFF0];
	_ =	sdelay $0x2  }
0x8a: {  	v0 =	vadd.bf16 v1, v0;
	_ =	sdelay $0x1  }
0x8b: {  	v0 =	vadd.bf16 v2, v0;
	_ =	sdelay $0x1  }
0x8c: {  	[tilespmem:s28+$0xFFFFFFF0] =	vst v0  }
0x8d: {  	v0 =	vld [tilespmem:s25+$0x0]  }
0x8e: {  	v1 =	vld [tilespmem:s15+$0x0];
	_ =	sdelay $0x1  }
0x8f: {  	v2 =	vld [tilespmem:s19+$0x0];
	_ =	sdelay $0x2  }
0x90: {  	v0 =	vadd.bf16 v1, v0;
	_ =	sdelay $0x1  }
0x91: {  	v0 =	vadd.bf16 v2, v0;
	_ =	sdelay $0x1  }
0x92: {  	[tilespmem:s28+$0x0] =	vst v0  }
0x93: {  	v0 =	vld [tilespmem:s25+$0x10]  }
0x94: {  	v1 =	vld [tilespmem:s15+$0x10];
	_ =	sdelay $0x1  }
0x95: {  	v2 =	vld [tilespmem:s19+$0x10];
	_ =	sdelay $0x2  }
0x96: {  	v0 =	vadd.bf16 v1, v0;
	_ =	sdelay $0x1  }
0x97: {  	v0 =	vadd.bf16 v2, v0;
	_ =	sdelay $0x1  }
0x98: {  	[tilespmem:s28+$0x10] =	vst v0  }
0x99: {  	v0 =	vld [tilespmem:s25+$0x20]  }
0x9a: {  	v1 =	vld [tilespmem:s15+$0x20];
	_ =	sdelay $0x1  }
0x9b: {  	v2 =	vld [tilespmem:s19+$0x20];
	_ =	sdelay $0x2  }
0x9c: {  	v0 =	vadd.bf16 v1, v0;
	_ =	sdelay $0x1  }
0x9d: {  	v0 =	vadd.bf16 v2, v0;
	_ =	sdelay $0x1  }
0x9e: {  	[tilespmem:s28+$0x20] =	vst v0  }
0x9f: {  	s20 =	simm.s32 $0x0;
	v0 =	vld [tilespmem:s25+$0x30]  }
0xa0: {  	s14 =	simm.s32 $0x19780;
	s11 =	simm.s32 $0x1A700;
	v1 =	vld [tilespmem:s15+$0x30];
	s15 =	simm.s32 $0x19F80  }
.LBB2_3:
0xa1: {  	s20 =	sadd.s32 $0x8, s20;
	v2 =	vld [tilespmem:s19+$0x30];
	s28 =	sadd.s32 $0x80, s28;
	s25 =	sadd.s32 $0x80, s25  }
0xa2: {  	s19 =	smov.u32 s15;
	p2 =	slt.u32 s20, $0x78;
	_ =	sdelay $0x2  }
0xa3: {  	v0 =	vadd.bf16 v1, v0;
	_ =	sdelay $0x1  }
0xa4: {  	v0 =	vadd.bf16 v2, v0;
	_ =	sdelay $0x1  }
0xa5: {  	[tilespmem:s11+$0x30] =	vst v0;
	s11 =	smov.u32 s28  }
0xa6: {  	v0 =	vld [tilespmem:s14+$0xFFFFFFC0]  }
0xa7: {  	v1 =	vld [tilespmem:s25+$0xFFFFFFC0]  }
0xa8: {  	v2 =	vld [tilespmem:s15+$0xFFFFFFC0];
	_ =	sdelay $0x3  }
0xa9: {  	v0 =	vadd.bf16 v0, v1;
	_ =	sdelay $0x1  }
0xaa: {  	v0 =	vadd.bf16 v2, v0;
	_ =	sdelay $0x1  }
0xab: {  	[tilespmem:s28+$0xFFFFFFC0] =	vst v0  }
0xac: {  	v0 =	vld [tilespmem:s25+$0xFFFFFFD0]  }
0xad: {  	v1 =	vld [tilespmem:s14+$0xFFFFFFD0];
	_ =	sdelay $0x1  }
0xae: {  	v2 =	vld [tilespmem:s15+$0xFFFFFFD0];
	_ =	sdelay $0x2  }
0xaf: {  	v0 =	vadd.bf16 v1, v0;
	_ =	sdelay $0x1  }
0xb0: {  	v0 =	vadd.bf16 v2, v0;
	_ =	sdelay $0x1  }
0xb1: {  	[tilespmem:s28+$0xFFFFFFD0] =	vst v0  }
0xb2: {  	v0 =	vld [tilespmem:s25+$0xFFFFFFE0]  }
0xb3: {  	v1 =	vld [tilespmem:s14+$0xFFFFFFE0];
	_ =	sdelay $0x1  }
0xb4: {  	v2 =	vld [tilespmem:s15+$0xFFFFFFE0];
	_ =	sdelay $0x2  }
0xb5: {  	v0 =	vadd.bf16 v1, v0;
	_ =	sdelay $0x1  }
0xb6: {  	v0 =	vadd.bf16 v2, v0;
	_ =	sdelay $0x1  }
0xb7: {  	[tilespmem:s28+$0xFFFFFFE0] =	vst v0  }
0xb8: {  	v0 =	vld [tilespmem:s25+$0xFFFFFFF0]  }
0xb9: {  	v1 =	vld [tilespmem:s14+$0xFFFFFFF0]  }
0xba: {  	v2 =	vld [tilespmem:s15+$0xFFFFFFF0];
	_ =	sdelay $0x3  }
0xbb: {  	v0 =	vadd.bf16 v1, v0;
	_ =	sdelay $0x1  }
0xbc: {  	v0 =	vadd.bf16 v2, v0;
	_ =	sdelay $0x1  }
0xbd: {  	[tilespmem:s28+$0xFFFFFFF0] =	vst v0  }
0xbe: {  	v0 =	vld [tilespmem:s25+$0x0]  }
0xbf: {  	v1 =	vld [tilespmem:s14+$0x0]  }
0xc0: {  	v2 =	vld [tilespmem:s15+$0x0];
	_ =	sdelay $0x3  }
0xc1: {  	v0 =	vadd.bf16 v1, v0;
	_ =	sdelay $0x1  }
0xc2: {  	v0 =	vadd.bf16 v2, v0;
	_ =	sdelay $0x1  }
0xc3: {  	[tilespmem:s28+$0x0] =	vst v0  }
0xc4: {  	v0 =	vld [tilespmem:s25+$0x10]  }
0xc5: {  	v1 =	vld [tilespmem:s14+$0x10]  }
0xc6: {  	v2 =	vld [tilespmem:s15+$0x10];
	_ =	sdelay $0x3  }
0xc7: {  	v0 =	vadd.bf16 v1, v0;
	_ =	sdelay $0x1  }
0xc8: {  	v0 =	vadd.bf16 v2, v0;
	_ =	sdelay $0x1  }
0xc9: {  	[tilespmem:s28+$0x10] =	vst v0  }
0xca: {  	v0 =	vld [tilespmem:s25+$0x20]  }
0xcb: {  	v1 =	vld [tilespmem:s14+$0x20]  }
0xcc: {  	v2 =	vld [tilespmem:s15+$0x20];
	_ =	sdelay $0x3  }
0xcd: {  	v0 =	vadd.bf16 v1, v0;
	_ =	sdelay $0x1  }
.Ltmp0:
0xce: {  	v0 =	vadd.bf16 v2, v0;
	(pc) =	sbr.rel @p2 .LBB2_3-.Ltmp0, $4  }
0xcf: {  	_ = 	snop  }
0xd0: {  	[tilespmem:s28+$0x20] =	vst v0  }
0xd1: {  	v0 =	vld [tilespmem:s25+$0x30]  }
0xd2: {  	s15 =	sadd.s32 $0x80, s15;
	v1 =	vld [tilespmem:s14+$0x30];
	s14 =	sadd.s32 $0x80, s14  }
0xd3: {  	_ = 	snop  }
0xd4: {  	v2 =	vld [tilespmem:s19+$0x30];
	_ =	sdelay $0x2  }
0xd5: {  	v0 =	vadd.bf16 v1, v0;
	_ =	sdelay $0x1  }
0xd6: {  	s14 =	sshll.u32 s30, $0xE;
	v0 =	vadd.bf16 v2, v0  }
0xd7: {  	s25 =	sor.u32 s22, s14  }
0xd8: {  	s19 =	sadd.s32 s12, s25;
	[tilespmem:s11+$0x30] =	vst v0  }
0xd9: {  	[hbm4b:s19+s5] =	stream.linear.scatter [tilespmem:s17], [sflag:$0x3], $0x800, $0x38;
	[tilespmem:$0x1DEC0] =	vst v63  }
0xda: {  	_ =	swait.ge [sflag:s26], $0x800  }
0xdb: {  	[sflag:s26] =	ssyncset.done $0x0  }
0xdc: {  	s11 =	simm.s32 @p1 $0x2;
	[sflag:s26] =	ssyncadd.s32 $0xFFFFF800  }
0xdd: {  	_ =	swait.ge @p1 [sflag:s11], $0x800  }
0xde: {  	[sflag:s11] =	ssyncset.done @p1 $0x0  }
0xdf: {  	[sflag:s11] =	ssyncadd.s32 @p1 $0xFFFFF800  }
0xe0: {  	_ =	swait.ge @p1 [sflag:s11], $0x800  }
0xe1: {  	[sflag:s11] =	ssyncset.done @p1 $0x0  }
0xe2: {  	[sflag:s11] =	ssyncadd.s32 @p1 $0xFFFFF800  }
0xe3: {  	_ =	swait.ge @p1 [sflag:s11], $0x800  }
0xe4: {  	[sflag:s11] =	ssyncset.done @p1 $0x0  }
0xe5: {  	[sflag:s11] =	ssyncadd.s32 @p1 $0xFFFFF800;
	s11 =	simm.s32 @!p1 $0x5  }
0xe6: {  	_ =	swait.ge @!p1 [sflag:s11], $0x80  }
0xe7: {  	[sflag:s11] =	ssyncset.done @!p1 $0x0  }
0xe8: {  	[sflag:s11] =	ssyncadd.s32 @!p1 $0xFFFFFF80  }
0xe9: {  	_ =	swait.ge @!p1 [sflag:s11], $0x80  }
0xea: {  	[sflag:s11] =	ssyncset.done @!p1 $0x0  }
0xeb: {  	[sflag:s11] =	ssyncadd.s32 @!p1 $0xFFFFFF80  }
0xec: {  	_ =	swait.ge @!p1 [sflag:s11], $0x80  }
0xed: {  	s15 =	simm.s32 @!p1 $0x18EC0;
	[sflag:s11] =	ssyncset.done @!p1 $0x0  }
0xee: {  	s14 =	simm.s32 @!p1 $0x0;
	[sflag:s11] =	ssyncadd.s32 @!p1 $0xFFFFFF80;
	s11 =	simm.s32 @!p1 $0x80  }
0xef: {  	[tilespmem:s15], [sflag:$0x1] =	stream.indirect.gather @!p1 [spmem:s2], $0x10, s14, s11, $0xb8;
	[tilespmem:$0x1DEC0] =	vst v63  }
0xf0: {  	s15 =	simm.s32 @!p1 $0x196C0  }
0xf1: {  	[tilespmem:s15], [sflag:$0x1] =	stream.indirect.gather @!p1 [spmem:s3], $0x10, s11, s11, $0xb8;
	[tilespmem:$0x1DEC0] =	vst v63  }
0xf2: {  	s19 =	simm.s32 @!p1 $0x19EC0;
	s15 =	simm.s32 @!p1 $0x100  }
0xf3: {  	[tilespmem:s19], [sflag:$0x1] =	stream.indirect.gather @!p1 [spmem:s4], $0x10, s15, s11, $0xb8;
	[tilespmem:$0x1DEC0] =	vst v63  }
0xf4: {  	s11 =	simm.s32 @!p1 $0x2  }
0xf5: {  	_ =	swait.ge @!p1 [sflag:s11], $0x800  }
0xf6: {  	[sflag:s11] =	ssyncset.done @!p1 $0x0  }
0xf7: {  	[sflag:s11] =	ssyncadd.s32 @!p1 $0xFFFFF800  }
0xf8: {  	_ =	swait.ge @!p1 [sflag:s11], $0x800  }
0xf9: {  	[sflag:s11] =	ssyncset.done @!p1 $0x0  }
0xfa: {  	s0 =	sadd.s32 @!p1 s0, s23;
	[sflag:s11] =	ssyncadd.s32 @!p1 $0xFFFFF800  }
0xfb: {  	s0 =	sshll.u32 @!p1 s0, $0x4;
	_ =	swait.ge @!p1 [sflag:s11], $0x800  }
0xfc: {  	s0 =	sand.u32 @!p1 $0x1FFFFFF0, s0;
	[sflag:s11] =	ssyncset.done @!p1 $0x0  }
0xfd: {  	s15 =	simm.s32 @!p1 $0x180;
	[sflag:s11] =	ssyncadd.s32 @!p1 $0xFFFFF800;
	s11 =	sadd.s32 @!p1 s6, s0  }
0xfe: {  	[tilespmem:s15], [sflag:$0x6] =	stream.linear.gather @!p1 [hbm4b:s11+s14], $0x80, $0x38;
	[tilespmem:$0x1DEC0] =	vst v63  }
0xff: {  	s11 =	sadd.s32 @!p1 s8, s0;
	s15 =	simm.s32 @!p1 $0x200  }
0x100: {  	[tilespmem:s15], [sflag:$0x6] =	stream.linear.gather @!p1 [hbm4b:s11+s14], $0x80, $0x38;
	[tilespmem:$0x1DEC0] =	vst v63  }
0x101: {  	s20 =	simm.s32 $0x1B700;
	s0 =	sadd.s32 @!p1 s7, s0;
	s11 =	simm.s32 @!p1 $0x280  }
0x102: {  	[tilespmem:s11], [sflag:$0x6] =	stream.linear.gather @!p1 [hbm4b:s0+s14], $0x80, $0x38;
	[tilespmem:$0x1DEC0] =	vst v63  }
0x103: {  	s0 =	simm.s32 $0x1AF00;
	v0 =	vld [tilespmem:s20+$0xFFFFFFC0]  }
0x104: {  	v1 =	vld [tilespmem:s0+$0xFFFFFFC0]  }
0x105: {  	s19 =	simm.s32 $0x1BF00  }
0x106: {  	v2 =	vld [tilespmem:s19+$0xFFFFFFC0];
	_ =	sdelay $0x2  }
0x107: {  	v0 =	vadd.bf16 v0, v1;
	_ =	sdelay $0x1  }
0x108: {  	v0 =	vadd.bf16 v2, v0  }
0x109: {  	s28 =	simm.s32 $0x1C700  }
0x10a: {  	[tilespmem:s28+$0xFFFFFFC0] =	vst v0  }
0x10b: {  	v0 =	vld [tilespmem:s0+$0xFFFFFFD0]  }
0x10c: {  	v1 =	vld [tilespmem:s20+$0xFFFFFFD0];
	_ =	sdelay $0x1  }
0x10d: {  	v2 =	vld [tilespmem:s19+$0xFFFFFFD0];
	_ =	sdelay $0x2  }
0x10e: {  	v0 =	vadd.bf16 v1, v0;
	_ =	sdelay $0x1  }
0x10f: {  	v0 =	vadd.bf16 v2, v0;
	_ =	sdelay $0x1  }
0x110: {  	[tilespmem:s28+$0xFFFFFFD0] =	vst v0  }
0x111: {  	v0 =	vld [tilespmem:s0+$0xFFFFFFE0]  }
0x112: {  	v1 =	vld [tilespmem:s20+$0xFFFFFFE0];
	_ =	sdelay $0x1  }
0x113: {  	v2 =	vld [tilespmem:s19+$0xFFFFFFE0];
	_ =	sdelay $0x2  }
0x114: {  	v0 =	vadd.bf16 v1, v0;
	_ =	sdelay $0x1  }
0x115: {  	v0 =	vadd.bf16 v2, v0;
	_ =	sdelay $0x1  }
0x116: {  	[tilespmem:s28+$0xFFFFFFE0] =	vst v0  }
0x117: {  	v0 =	vld [tilespmem:s0+$0xFFFFFFF0]  }
0x118: {  	v1 =	vld [tilespmem:s20+$0xFFFFFFF0];
	_ =	sdelay $0x1  }
0x119: {  	v2 =	vld [tilespmem:s19+$0xFFFFFFF0];
	_ =	sdelay $0x2  }
0x11a: {  	v0 =	vadd.bf16 v1, v0;
	_ =	sdelay $0x1  }
0x11b: {  	v0 =	vadd.bf16 v2, v0;
	_ =	sdelay $0x1  }
0x11c: {  	[tilespmem:s28+$0xFFFFFFF0] =	vst v0  }
0x11d: {  	v0 =	vld [tilespmem:s0+$0x0]  }
0x11e: {  	v1 =	vld [tilespmem:s20+$0x0];
	_ =	sdelay $0x1  }
0x11f: {  	v2 =	vld [tilespmem:s19+$0x0];
	_ =	sdelay $0x2  }
0x120: {  	v0 =	vadd.bf16 v1, v0;
	_ =	sdelay $0x1  }
0x121: {  	v0 =	vadd.bf16 v2, v0;
	_ =	sdelay $0x1  }
0x122: {  	[tilespmem:s28+$0x0] =	vst v0  }
0x123: {  	v0 =	vld [tilespmem:s0+$0x10]  }
0x124: {  	v1 =	vld [tilespmem:s20+$0x10];
	_ =	sdelay $0x1  }
0x125: {  	v2 =	vld [tilespmem:s19+$0x10];
	_ =	sdelay $0x2  }
0x126: {  	v0 =	vadd.bf16 v1, v0;
	_ =	sdelay $0x1  }
0x127: {  	v0 =	vadd.bf16 v2, v0;
	_ =	sdelay $0x1  }
0x128: {  	[tilespmem:s28+$0x10] =	vst v0  }
0x129: {  	v0 =	vld [tilespmem:s0+$0x20]  }
0x12a: {  	v1 =	vld [tilespmem:s20+$0x20];
	_ =	sdelay $0x1  }
0x12b: {  	v2 =	vld [tilespmem:s19+$0x20];
	_ =	sdelay $0x2  }
0x12c: {  	v0 =	vadd.bf16 v1, v0;
	_ =	sdelay $0x1  }
0x12d: {  	v0 =	vadd.bf16 v2, v0;
	_ =	sdelay $0x1  }
0x12e: {  	[tilespmem:s28+$0x20] =	vst v0  }
0x12f: {  	s15 =	simm.s32 $0x1BF80;
	v0 =	vld [tilespmem:s0+$0x30]  }
0x130: {  	s11 =	simm.s32 $0x0;
	s14 =	simm.s32 $0x1B780;
	v1 =	vld [tilespmem:s20+$0x30];
	s20 =	simm.s32 $0x1C700  }
.LBB2_5:
0x131: {  	s11 =	sadd.s32 $0x8, s11;
	v2 =	vld [tilespmem:s19+$0x30];
	s28 =	sadd.s32 $0x80, s28;
	s0 =	sadd.s32 $0x80, s0  }
0x132: {  	s19 =	smov.u32 s15;
	p1 =	slt.u32 s11, $0x78;
	_ =	sdelay $0x2  }
0x133: {  	v0 =	vadd.bf16 v1, v0;
	_ =	sdelay $0x1  }
0x134: {  	v0 =	vadd.bf16 v2, v0;
	_ =	sdelay $0x1  }
0x135: {  	[tilespmem:s20+$0x30] =	vst v0;
	s20 =	smov.u32 s28  }
0x136: {  	v0 =	vld [tilespmem:s14+$0xFFFFFFC0]  }
0x137: {  	v1 =	vld [tilespmem:s0+$0xFFFFFFC0]  }
0x138: {  	v2 =	vld [tilespmem:s15+$0xFFFFFFC0];
	_ =	sdelay $0x3  }
0x139: {  	v0 =	vadd.bf16 v0, v1;
	_ =	sdelay $0x1  }
0x13a: {  	v0 =	vadd.bf16 v2, v0;
	_ =	sdelay $0x1  }
0x13b: {  	[tilespmem:s28+$0xFFFFFFC0] =	vst v0  }
0x13c: {  	v0 =	vld [tilespmem:s0+$0xFFFFFFD0]  }
0x13d: {  	v1 =	vld [tilespmem:s14+$0xFFFFFFD0];
	_ =	sdelay $0x1  }
0x13e: {  	v2 =	vld [tilespmem:s15+$0xFFFFFFD0];
	_ =	sdelay $0x2  }
0x13f: {  	v0 =	vadd.bf16 v1, v0;
	_ =	sdelay $0x1  }
0x140: {  	v0 =	vadd.bf16 v2, v0;
	_ =	sdelay $0x1  }
0x141: {  	[tilespmem:s28+$0xFFFFFFD0] =	vst v0  }
0x142: {  	v0 =	vld [tilespmem:s0+$0xFFFFFFE0]  }
0x143: {  	v1 =	vld [tilespmem:s14+$0xFFFFFFE0];
	_ =	sdelay $0x1  }
0x144: {  	v2 =	vld [tilespmem:s15+$0xFFFFFFE0];
	_ =	sdelay $0x2  }
0x145: {  	v0 =	vadd.bf16 v1, v0;
	_ =	sdelay $0x1  }
0x146: {  	v0 =	vadd.bf16 v2, v0;
	_ =	sdelay $0x1  }
0x147: {  	[tilespmem:s28+$0xFFFFFFE0] =	vst v0  }
0x148: {  	v0 =	vld [tilespmem:s0+$0xFFFFFFF0]  }
0x149: {  	v1 =	vld [tilespmem:s14+$0xFFFFFFF0]  }
0x14a: {  	v2 =	vld [tilespmem:s15+$0xFFFFFFF0];
	_ =	sdelay $0x3  }
0x14b: {  	v0 =	vadd.bf16 v1, v0;
	_ =	sdelay $0x1  }
0x14c: {  	v0 =	vadd.bf16 v2, v0;
	_ =	sdelay $0x1  }
0x14d: {  	[tilespmem:s28+$0xFFFFFFF0] =	vst v0  }
0x14e: {  	v0 =	vld [tilespmem:s0+$0x0]  }
0x14f: {  	v1 =	vld [tilespmem:s14+$0x0]  }
0x150: {  	v2 =	vld [tilespmem:s15+$0x0];
	_ =	sdelay $0x3  }
0x151: {  	v0 =	vadd.bf16 v1, v0;
	_ =	sdelay $0x1  }
0x152: {  	v0 =	vadd.bf16 v2, v0;
	_ =	sdelay $0x1  }
0x153: {  	[tilespmem:s28+$0x0] =	vst v0  }
0x154: {  	v0 =	vld [tilespmem:s0+$0x10]  }
0x155: {  	v1 =	vld [tilespmem:s14+$0x10]  }
0x156: {  	v2 =	vld [tilespmem:s15+$0x10];
	_ =	sdelay $0x3  }
0x157: {  	v0 =	vadd.bf16 v1, v0;
	_ =	sdelay $0x1  }
0x158: {  	v0 =	vadd.bf16 v2, v0;
	_ =	sdelay $0x1  }
0x159: {  	[tilespmem:s28+$0x10] =	vst v0  }
0x15a: {  	v0 =	vld [tilespmem:s0+$0x20]  }
0x15b: {  	v1 =	vld [tilespmem:s14+$0x20]  }
0x15c: {  	v2 =	vld [tilespmem:s15+$0x20];
	_ =	sdelay $0x3  }
0x15d: {  	v0 =	vadd.bf16 v1, v0;
	_ =	sdelay $0x1  }
.Ltmp1:
0x15e: {  	v0 =	vadd.bf16 v2, v0;
	(pc) =	sbr.rel @p1 .LBB2_5-.Ltmp1, $4  }
0x15f: {  	_ = 	snop  }
0x160: {  	[tilespmem:s28+$0x20] =	vst v0  }
0x161: {  	v0 =	vld [tilespmem:s0+$0x30]  }
0x162: {  	s15 =	sadd.s32 $0x80, s15;
	v1 =	vld [tilespmem:s14+$0x30];
	s14 =	sadd.s32 $0x80, s14  }
0x163: {  	_ = 	snop  }
0x164: {  	v2 =	vld [tilespmem:s19+$0x30];
	_ =	sdelay $0x1  }
0x165: {  	s30 =	sadd.s32 $0x1, s30  }
0x166: {  	p1 =	sne.s32 s30, $0x19;
	v0 =	vadd.bf16 v1, v0  }
.Ltmp2:
0x167: {  	_ = 	snop;
	(pc) =	sbr.rel @p1 .LBB2_2-.Ltmp2, $3  }
0x168: {  	v0 =	vadd.bf16 v2, v0;
	_ =	sdelay $0x1  }
0x169: {  	s0 =	sadd.s32 s25, s24;
	[tilespmem:s20+$0x30] =	vst v0  }
0x16a: {  	[hbm4b:s0+s5] =	stream.linear.scatter [tilespmem:s18], [sflag:$0x4], $0x800, $0x38;
	[tilespmem:$0x1DEC0] =	vst v63  }
0x16b: {  	s11 =	simm.s32 $0x4  }
0x16c: {  	_ =	swait.ge [sflag:s11], $0x800  }
0x16d: {  	s14 =	rddreg [dreg:$0x13]  }
0x16e: {  	s0 =	rddreg [dreg:$0x12];
	s14 =	sadd.s32 $0x1, s14  }
0x16f: {  	p1 =	sne.s32 s14, s0  }
.Ltmp3:
0x170: {  	_ = 	snop;
	(pc) =	sbr.rel @p1 .LBB2_1-.Ltmp3, $3  }
0x171: {  	_ =	sdelay $0x1  }
0x172: {  	[sflag:s11] =	ssyncset.done $0x0  }
0x173: {  	[sflag:s11] =	ssyncadd.s32 $0xFFFFF800  }
0x174: {  	_ =	sfence.sel $0x180000  }
0x175: {  	[bflag:$0x0] =	sbarrier.arrive $0xFFFF  }
0x176: {  	_ =	strace $0x90000047  }
0x177: {  	[bflag:$0x2] =	sbarrier.arrive $0xFFFF  }
0x178: {  	s0 =	rddreg [dreg:$0x6]  }
0x179: {  	s0 =	sadd.s32 @!p0 $0x100000, s0  }
0x17a: {  	[sflag:s0] =	ssyncadd.tile.s32 @!p0 $0x1;
	_ =	shalt  }
.Lfunc_end2:
_tile_overlayer_lowered:
.L_overlay_start_2:
0x17b: {  	(tag) =	ssettag $0x2  }
0x17c: {  	s0 =	rddreg [dreg:$0x0];
	s2 =	stileid.u32  }
0x17d: {  	s1 =	rddreg [dreg:$0x1];
	p0 =	sne.s32 s2, $0x0  }
0x17e: {  	s3 =	rddreg [dreg:$0x2];
	[bflag:$0x3] =	sbarrier.arrive $0xFFFF;
	s2 =	simm.s32 @!p0 $0x1C07  }
0x17f: {  	[timem:s3], [sflag:s2] =	dma.local @!p0 [hbm:s0], s1  }
0x180: {  	s0 =	simm.s32 @!p0 $0x7  }
0x181: {  	_ =	swait.ge @!p0 [sflag:s0], s1  }
0x182: {  	s1 =	ssub.s32 @!p0 $0x0, s1;
	[sflag:s0] =	ssyncset.done @!p0 $0x0  }
0x183: {  	[sflag:s0] =	ssyncadd.s32 @!p0 s1  }
0x184: {  	[bflag:$0x3] =	sbarrier.arrive $0xFFFF  }
0x185: {  	_ =	shalt  }

</sc_bundles>
